<compile_context>
chip_gen: v7x
topology: tpu7x:2x2x1
jax: 0.10.2.dev20260603
libtpu: 0.0.44.dev20260713+nightly
codegen_flags: <defaults>
</compile_context>

<pallas_src>
import functools
import math

import jax
import jax.numpy as jnp
from jax import lax
from jax.experimental import pallas as pl
from jax.experimental.pallas import tpu as pltpu
from jax.experimental.pallas import tpu_sc as plsc

_VOCAB = 100000
_HIDDEN = 1024
_B, _S = 4, 4096
_N = _B * _S
_SCALE = math.sqrt(_HIDDEN)

_info = plsc.get_sparse_core_info()
_NC = _info.num_cores
_NS = _info.num_subcores
_L = _info.num_lanes
_NW = _NC * _NS
_BPW = _N // _NW
_C = 8
_NBUF = 8
_NCHUNK = _BPW // _C
_NGROUP = _NCHUNK // _NBUF

_mesh = plsc.VectorSubcoreMesh(core_axis_name="c", subcore_axis_name="s")


@functools.partial(
    pl.kernel,
    mesh=_mesh,
    out_type=jax.ShapeDtypeStruct((_B, _S, _HIDDEN), jnp.float32),
    scratch_types=[pltpu.VMEM((_BPW,), jnp.int32)]
    + [pltpu.VMEM((_C, _HIDDEN), jnp.float32) for _ in range(_NBUF)]
    + [pltpu.SemaphoreType.DMA for _ in range(2 * _NBUF)],
)
def _emb_lookup(ids_hbm, table_hbm, out_hbm, idx_all, *bufs_and_sems):
    rows = bufs_and_sems[:_NBUF]
    gsems = bufs_and_sems[_NBUF : 2 * _NBUF]
    wsems = bufs_and_sems[2 * _NBUF :]

    wid = lax.axis_index("s") * _NC + lax.axis_index("c")
    base = wid * _BPW
    bi = base // _S
    so = base % _S
    pltpu.sync_copy(ids_hbm.at[bi, pl.ds(so, _BPW)], idx_all)

    def issue_gather(c, b):
        pltpu.async_copy(
            table_hbm.at[idx_all.at[pl.ds(c * _C, _C)]], rows[b], gsems[b]
        )

    def wait_gather(b):
        pltpu.make_async_copy(
            table_hbm.at[idx_all.at[pl.ds(0, _C)]], rows[b], gsems[b]
        ).wait()

    def issue_write(c, b):
        pltpu.async_copy(
            rows[b], out_hbm.at[bi, pl.ds(so + c * _C, _C)], wsems[b]
        )

    def wait_write(b):
        pltpu.make_async_copy(
            rows[b], out_hbm.at[bi, pl.ds(so, _C)], wsems[b]
        ).wait()

    def scale(b):
        def row_body(i, carry):
            def col_body(j, carry2):
                sl = pl.ds(j * _L, _L)
                rows[b][i, sl] = rows[b][i, sl] * _SCALE
                return carry2

            return lax.fori_loop(0, _HIDDEN // _L, col_body, carry, unroll=8)

        lax.fori_loop(0, _C, row_body, 0, unroll=False)

    for b in range(_NBUF - 1):
        issue_gather(b, b)

    def group_body(g, carry):
        for b in range(_NBUF):
            c = g * _NBUF + b
            wait_gather(b)
            nb = (b + _NBUF - 1) % _NBUF

            @pl.when(c + _NBUF - 1 < _NCHUNK)
            def _prefetch():
                @pl.when(c >= 1)
                def _drain():
                    wait_write(nb)

                issue_gather(c + _NBUF - 1, nb)

            scale(b)
            issue_write(c, b)

        return carry

    lax.fori_loop(0, _NGROUP, group_body, 0, unroll=False)
    for b in range(_NBUF):
        wait_write(b)


def kernel(input_ids, table):
    return _emb_lookup(input_ids.astype(jnp.int32), table)

# --- scband reference (transcript-rebuilt; emitter-appended) ---
"""Pipeline reference for scband-token-embedding-2293512536567 (READ-ONLY COPY).

The authoritative reference and input builder live on the scoring server;
editing this copy changes nothing except your own understanding.
"""

import jax, jax.numpy as jnp
import numpy as np
import math

VOCAB = 100000
HIDDEN = 1024
B, S = 4, 4096

def setup_inputs(seed: int = 0) -> dict:
    key = jax.random.key(seed)
    k1, k2 = jax.random.split(key)
    input_ids = jax.random.randint(k1, (B, S), 0, VOCAB, dtype=jnp.int64 if jax.config.jax_enable_x64 else jnp.int32)
    table = jax.random.normal(k2, (VOCAB, HIDDEN), dtype=jnp.float32) * 0.02
    return {"input_ids": input_ids, "table": table}

def reference(input_ids, table):
    # nn.Embedding lookup -> gather rows
    embeddings = jnp.take(table, input_ids, axis=0)  # [B, S, H]
    # scale by sqrt(hidden_size)
    embeddings = embeddings * math.sqrt(HIDDEN)
    # dropout with p=0.0 (eval / no-op)
    return embeddings

if __name__ == "__main__":
    import jax
    _d = setup_inputs()
    print(jax.jit(kernel)(*tuple(_d.values())))

</pallas_src>

<mosaic_0001>
#map = affine_map<(d0, d1) -> (0, 0)>
#map1 = affine_map<(d0, d1) -> (0, 0, 0)>
module attributes {stable_mosaic.version = 14 : i64} {
  func.func @_emb_lookup(%arg0: i32, %arg1: i32, %arg2: memref<4x4096xi32, #tpu.memory_space<hbm>>, %arg3: memref<100000x1024xf32, #tpu.memory_space<hbm>>, %arg4: memref<4x4096x1024xf32, #tpu.memory_space<hbm>>, %arg5: memref<512xi32, #tpu.memory_space<vmem>>, %arg6: memref<8x1024xf32, #tpu.memory_space<vmem>>, %arg7: memref<8x1024xf32, #tpu.memory_space<vmem>>, %arg8: memref<8x1024xf32, #tpu.memory_space<vmem>>, %arg9: memref<8x1024xf32, #tpu.memory_space<vmem>>, %arg10: memref<8x1024xf32, #tpu.memory_space<vmem>>, %arg11: memref<8x1024xf32, #tpu.memory_space<vmem>>, %arg12: memref<8x1024xf32, #tpu.memory_space<vmem>>, %arg13: memref<8x1024xf32, #tpu.memory_space<vmem>>, %arg14: memref<!tpu.dma_semaphore, #tpu.memory_space<semaphore_mem>>, %arg15: memref<!tpu.dma_semaphore, #tpu.memory_space<semaphore_mem>>, %arg16: memref<!tpu.dma_semaphore, #tpu.memory_space<semaphore_mem>>, %arg17: memref<!tpu.dma_semaphore, #tpu.memory_space<semaphore_mem>>, %arg18: memref<!tpu.dma_semaphore, #tpu.memory_space<semaphore_mem>>, %arg19: memref<!tpu.dma_semaphore, #tpu.memory_space<semaphore_mem>>, %arg20: memref<!tpu.dma_semaphore, #tpu.memory_space<semaphore_mem>>, %arg21: memref<!tpu.dma_semaphore, #tpu.memory_space<semaphore_mem>>, %arg22: memref<!tpu.dma_semaphore, #tpu.memory_space<semaphore_mem>>, %arg23: memref<!tpu.dma_semaphore, #tpu.memory_space<semaphore_mem>>, %arg24: memref<!tpu.dma_semaphore, #tpu.memory_space<semaphore_mem>>, %arg25: memref<!tpu.dma_semaphore, #tpu.memory_space<semaphore_mem>>, %arg26: memref<!tpu.dma_semaphore, #tpu.memory_space<semaphore_mem>>, %arg27: memref<!tpu.dma_semaphore, #tpu.memory_space<semaphore_mem>>, %arg28: memref<!tpu.dma_semaphore, #tpu.memory_space<semaphore_mem>>, %arg29: memref<!tpu.dma_semaphore, #tpu.memory_space<semaphore_mem>>) attributes {dimension_semantics = [#tpu.dimension_semantics<core_parallel>, #tpu.dimension_semantics<subcore_parallel>], iteration_bounds = array<i64: 2, 16>, scalar_prefetch = 0 : i64, scratch_operands = 25 : i64, tpu.core_type = #tpu.core_type<sc_vector_subcore>, window_params = [{transform_indices = #map}, {transform_indices = #map}, {transform_indices = #map1}]} {
    %mul3A = arith.constant 2 : i32
    %mul3A_0 = arith.muli %arg1, %mul3A : i32
    %add3A = arith.addi %mul3A_0, %arg0 : i32
    %mul3A_1 = arith.constant 512 : i32
    %mul3A_2 = arith.muli %add3A, %mul3A_1 : i32
    %jit3A = arith.constant 4096 : i32
    %div3A = arith.divsi %mul3A_2, %jit3A : i32
    %sign3A = arith.constant 0 : i32
    %sign3A_3 = arith.cmpi sgt, %mul3A_2, %sign3A : i32
    %sign3A_4 = arith.extui %sign3A_3 : i1 to i32
    %sign3A_5 = arith.constant 0 : i32
    %sign3A_6 = arith.cmpi slt, %mul3A_2, %sign3A_5 : i32
    %sign3A_7 = arith.extui %sign3A_6 : i1 to i32
    %sign3A_8 = arith.subi %sign3A_4, %sign3A_7 : i32
    %sign3A_9 = arith.constant 0 : i32
    %sign3A_10 = arith.cmpi sgt, %jit3A, %sign3A_9 : i32
    %sign3A_11 = arith.extui %sign3A_10 : i1 to i32
    %sign3A_12 = arith.constant 0 : i32
    %sign3A_13 = arith.cmpi slt, %jit3A, %sign3A_12 : i32
    %sign3A_14 = arith.extui %sign3A_13 : i1 to i32
    %sign3A_15 = arith.subi %sign3A_11, %sign3A_14 : i32
    %ne3A = arith.cmpi ne, %sign3A_8, %sign3A_15 : i32
    %rem3A = arith.remsi %mul3A_2, %jit3A : i32
    %ne3A_16 = arith.constant 0 : i32
    %ne3A_17 = arith.cmpi ne, %rem3A, %ne3A_16 : i32
    %and3A = arith.andi %ne3A, %ne3A_17 : i1
    %sub3A = arith.constant 1 : i32
    %sub3A_18 = arith.subi %div3A, %sub3A : i32
    %select_n3A = arith.select %and3A, %sub3A_18, %div3A : i32
    %jit3A_19 = arith.constant 4096 : i32
    %eq3A = arith.constant 0 : i32
    %eq3A_20 = arith.cmpi eq, %jit3A_19, %eq3A : i32
    %jit3A_21 = arith.constant 1 : i32
    %select_n3A_22 = arith.select %eq3A_20, %jit3A_21, %jit3A_19 : i32
    %rem3A_23 = arith.remsi %mul3A_2, %select_n3A_22 : i32
    %ne3A_24 = arith.constant 0 : i32
    %ne3A_25 = arith.cmpi ne, %rem3A_23, %ne3A_24 : i32
    %lt3A = arith.constant 0 : i32
    %lt3A_26 = arith.cmpi slt, %rem3A_23, %lt3A : i32
    %lt3A_27 = arith.constant 0 : i32
    %lt3A_28 = arith.cmpi slt, %select_n3A_22, %lt3A_27 : i32
    %ne3A_29 = arith.xori %lt3A_26, %lt3A_28 : i1
    %and3A_30 = arith.andi %ne3A_29, %ne3A_25 : i1
    %add3A_31 = arith.addi %rem3A_23, %select_n3A_22 : i32
    %select_n3A_32 = arith.select %and3A_30, %add3A_31, %rem3A_23 : i32
    "tpu.region"() ({
      %run_scoped3A = tpu.sem_alloc : memref<!tpu.dma_semaphore, #tpu.memory_space<semaphore_mem>>
      %dma_start3A_119 = tpu.memref_slice %arg2[%select_n3A, %select_n3A_32] : memref<4x4096xi32, #tpu.memory_space<hbm>> -> memref<1x512xi32, #tpu.memory_space<hbm>>
      %dma_start3A_120 = tpu.memref_squeeze %dma_start3A_119 : memref<1x512xi32, #tpu.memory_space<hbm>> -> memref<512xi32, #tpu.memory_space<hbm>>
      %dma_start3A_121 = tpu.memref_slice %arg2[%select_n3A, %select_n3A_32] : memref<4x4096xi32, #tpu.memory_space<hbm>> -> memref<1x512xi32, #tpu.memory_space<hbm>>
      %dma_start3A_122 = tpu.memref_squeeze %dma_start3A_121 : memref<1x512xi32, #tpu.memory_space<hbm>> -> memref<512xi32, #tpu.memory_space<hbm>>
      tpu.enqueue_dma source(%dma_start3A_122 : memref<512xi32, #tpu.memory_space<hbm>>) target(%arg5 : memref<512xi32, #tpu.memory_space<vmem>>) target_semaphore(%run_scoped3A : memref<!tpu.dma_semaphore, #tpu.memory_space<semaphore_mem>>)
      %dma_wait3A_123 = tpu.memref_slice %arg2[%select_n3A, %select_n3A_32] : memref<4x4096xi32, #tpu.memory_space<hbm>> -> memref<1x512xi32, #tpu.memory_space<hbm>>
      %dma_wait3A_124 = tpu.memref_squeeze %dma_wait3A_123 : memref<1x512xi32, #tpu.memory_space<hbm>> -> memref<512xi32, #tpu.memory_space<hbm>>
      %dma_wait3A_125 = tpu.memref_slice %arg2[%select_n3A, %select_n3A_32] : memref<4x4096xi32, #tpu.memory_space<hbm>> -> memref<1x512xi32, #tpu.memory_space<hbm>>
      %dma_wait3A_126 = tpu.memref_squeeze %dma_wait3A_125 : memref<1x512xi32, #tpu.memory_space<hbm>> -> memref<512xi32, #tpu.memory_space<hbm>>
      tpu.wait_dma2 semaphore(%run_scoped3A : memref<!tpu.dma_semaphore, #tpu.memory_space<semaphore_mem>>) src(%dma_wait3A_126 : memref<512xi32, #tpu.memory_space<hbm>>) dst(%arg5 : memref<512xi32, #tpu.memory_space<vmem>>)
      tpu.yield
    }) : () -> ()
    %dma_start3A = arith.constant 0 : i32
    %dma_start3A_33 = tpu.memref_slice %arg5[%dma_start3A] : memref<512xi32, #tpu.memory_space<vmem>> -> memref<8xi32, #tpu.memory_space<vmem>>
    %dma_start3A_34 = arith.constant 0 : i32
    %dma_start3A_35 = arith.constant 0 : i32
    %dma_start3A_36 = tpu.memref_slice %arg3[%dma_start3A_34, %dma_start3A_35] : memref<100000x1024xf32, #tpu.memory_space<hbm>> -> memref<100000x1024xf32, #tpu.memory_space<hbm>>
    tpu.enqueue_indirect_dma source(%dma_start3A_36 : memref<100000x1024xf32, #tpu.memory_space<hbm>>) target(%arg6 : memref<8x1024xf32, #tpu.memory_space<vmem>>) offsets(%dma_start3A_33 : memref<8xi32, #tpu.memory_space<vmem>>) semaphore(%arg14 : memref<!tpu.dma_semaphore, #tpu.memory_space<semaphore_mem>>)
    %dma_start3A_37 = arith.constant 8 : i32
    %dma_start3A_38 = tpu.memref_slice %arg5[%dma_start3A_37] : memref<512xi32, #tpu.memory_space<vmem>> -> memref<8xi32, #tpu.memory_space<vmem>>
    %dma_start3A_39 = arith.constant 0 : i32
    %dma_start3A_40 = arith.constant 0 : i32
    %dma_start3A_41 = tpu.memref_slice %arg3[%dma_start3A_39, %dma_start3A_40] : memref<100000x1024xf32, #tpu.memory_space<hbm>> -> memref<100000x1024xf32, #tpu.memory_space<hbm>>
    tpu.enqueue_indirect_dma source(%dma_start3A_41 : memref<100000x1024xf32, #tpu.memory_space<hbm>>) target(%arg7 : memref<8x1024xf32, #tpu.memory_space<vmem>>) offsets(%dma_start3A_38 : memref<8xi32, #tpu.memory_space<vmem>>) semaphore(%arg15 : memref<!tpu.dma_semaphore, #tpu.memory_space<semaphore_mem>>)
    %dma_start3A_42 = arith.constant 16 : i32
    %dma_start3A_43 = tpu.memref_slice %arg5[%dma_start3A_42] : memref<512xi32, #tpu.memory_space<vmem>> -> memref<8xi32, #tpu.memory_space<vmem>>
    %dma_start3A_44 = arith.constant 0 : i32
    %dma_start3A_45 = arith.constant 0 : i32
    %dma_start3A_46 = tpu.memref_slice %arg3[%dma_start3A_44, %dma_start3A_45] : memref<100000x1024xf32, #tpu.memory_space<hbm>> -> memref<100000x1024xf32, #tpu.memory_space<hbm>>
    tpu.enqueue_indirect_dma source(%dma_start3A_46 : memref<100000x1024xf32, #tpu.memory_space<hbm>>) target(%arg8 : memref<8x1024xf32, #tpu.memory_space<vmem>>) offsets(%dma_start3A_43 : memref<8xi32, #tpu.memory_space<vmem>>) semaphore(%arg16 : memref<!tpu.dma_semaphore, #tpu.memory_space<semaphore_mem>>)
    %dma_start3A_47 = arith.constant 24 : i32
    %dma_start3A_48 = tpu.memref_slice %arg5[%dma_start3A_47] : memref<512xi32, #tpu.memory_space<vmem>> -> memref<8xi32, #tpu.memory_space<vmem>>
    %dma_start3A_49 = arith.constant 0 : i32
    %dma_start3A_50 = arith.constant 0 : i32
    %dma_start3A_51 = tpu.memref_slice %arg3[%dma_start3A_49, %dma_start3A_50] : memref<100000x1024xf32, #tpu.memory_space<hbm>> -> memref<100000x1024xf32, #tpu.memory_space<hbm>>
    tpu.enqueue_indirect_dma source(%dma_start3A_51 : memref<100000x1024xf32, #tpu.memory_space<hbm>>) target(%arg9 : memref<8x1024xf32, #tpu.memory_space<vmem>>) offsets(%dma_start3A_48 : memref<8xi32, #tpu.memory_space<vmem>>) semaphore(%arg17 : memref<!tpu.dma_semaphore, #tpu.memory_space<semaphore_mem>>)
    %dma_start3A_52 = arith.constant 32 : i32
    %dma_start3A_53 = tpu.memref_slice %arg5[%dma_start3A_52] : memref<512xi32, #tpu.memory_space<vmem>> -> memref<8xi32, #tpu.memory_space<vmem>>
    %dma_start3A_54 = arith.constant 0 : i32
    %dma_start3A_55 = arith.constant 0 : i32
    %dma_start3A_56 = tpu.memref_slice %arg3[%dma_start3A_54, %dma_start3A_55] : memref<100000x1024xf32, #tpu.memory_space<hbm>> -> memref<100000x1024xf32, #tpu.memory_space<hbm>>
    tpu.enqueue_indirect_dma source(%dma_start3A_56 : memref<100000x1024xf32, #tpu.memory_space<hbm>>) target(%arg10 : memref<8x1024xf32, #tpu.memory_space<vmem>>) offsets(%dma_start3A_53 : memref<8xi32, #tpu.memory_space<vmem>>) semaphore(%arg18 : memref<!tpu.dma_semaphore, #tpu.memory_space<semaphore_mem>>)
    %dma_start3A_57 = arith.constant 40 : i32
    %dma_start3A_58 = tpu.memref_slice %arg5[%dma_start3A_57] : memref<512xi32, #tpu.memory_space<vmem>> -> memref<8xi32, #tpu.memory_space<vmem>>
    %dma_start3A_59 = arith.constant 0 : i32
    %dma_start3A_60 = arith.constant 0 : i32
    %dma_start3A_61 = tpu.memref_slice %arg3[%dma_start3A_59, %dma_start3A_60] : memref<100000x1024xf32, #tpu.memory_space<hbm>> -> memref<100000x1024xf32, #tpu.memory_space<hbm>>
    tpu.enqueue_indirect_dma source(%dma_start3A_61 : memref<100000x1024xf32, #tpu.memory_space<hbm>>) target(%arg11 : memref<8x1024xf32, #tpu.memory_space<vmem>>) offsets(%dma_start3A_58 : memref<8xi32, #tpu.memory_space<vmem>>) semaphore(%arg19 : memref<!tpu.dma_semaphore, #tpu.memory_space<semaphore_mem>>)
    %dma_start3A_62 = arith.constant 48 : i32
    %dma_start3A_63 = tpu.memref_slice %arg5[%dma_start3A_62] : memref<512xi32, #tpu.memory_space<vmem>> -> memref<8xi32, #tpu.memory_space<vmem>>
    %dma_start3A_64 = arith.constant 0 : i32
    %dma_start3A_65 = arith.constant 0 : i32
    %dma_start3A_66 = tpu.memref_slice %arg3[%dma_start3A_64, %dma_start3A_65] : memref<100000x1024xf32, #tpu.memory_space<hbm>> -> memref<100000x1024xf32, #tpu.memory_space<hbm>>
    tpu.enqueue_indirect_dma source(%dma_start3A_66 : memref<100000x1024xf32, #tpu.memory_space<hbm>>) target(%arg12 : memref<8x1024xf32, #tpu.memory_space<vmem>>) offsets(%dma_start3A_63 : memref<8xi32, #tpu.memory_space<vmem>>) semaphore(%arg20 : memref<!tpu.dma_semaphore, #tpu.memory_space<semaphore_mem>>)
    %scan3A = arith.constant 0 : i32
    %scan3A_67 = arith.constant 0 : i32
    %scan3A_68 = arith.constant 8 : i32
    %scan3A_69 = arith.addi %scan3A_67, %scan3A_68 : i32
    %scan3A_70 = arith.constant 1 : i32
    scf.for %scan3A_119 = %scan3A_67 to %scan3A_69 step %scan3A_70  : i32 {
      %mul3A_120 = arith.constant 8 : i32
      %mul3A_121 = arith.muli %scan3A_119, %mul3A_120 : i32
      %add3A_122 = arith.constant 0 : i32
      %add3A_123 = arith.addi %mul3A_121, %add3A_122 : i32
      %dma_wait3A_124 = arith.constant 0 : i32
      %dma_wait3A_125 = tpu.memref_slice %arg5[%dma_wait3A_124] : memref<512xi32, #tpu.memory_space<vmem>> -> memref<8xi32, #tpu.memory_space<vmem>>
      %dma_wait3A_126 = arith.constant 0 : i32
      %dma_wait3A_127 = arith.constant 0 : i32
      %dma_wait3A_128 = tpu.memref_slice %arg3[%dma_wait3A_126, %dma_wait3A_127] : memref<100000x1024xf32, #tpu.memory_space<hbm>> -> memref<100000x1024xf32, #tpu.memory_space<hbm>>
      tpu.wait_indirect_dma semaphore(%arg14 : memref<!tpu.dma_semaphore, #tpu.memory_space<semaphore_mem>>) src(%dma_wait3A_128 : memref<100000x1024xf32, #tpu.memory_space<hbm>>) dst(%arg6 : memref<8x1024xf32, #tpu.memory_space<vmem>>)
      %add3A_129 = arith.constant 8 : i32
      %add3A_130 = arith.addi %add3A_123, %add3A_129 : i32
      %sub3A_131 = arith.constant 1 : i32
      %sub3A_132 = arith.subi %add3A_130, %sub3A_131 : i32
      %lt3A_133 = arith.constant 64 : i32
      %lt3A_134 = arith.cmpi slt, %sub3A_132, %lt3A_133 : i32
      %convert_element_type3A = arith.extui %lt3A_134 : i1 to i32
      %cond3A = arith.constant 0 : i32
      %cond3A_135 = arith.cmpi ne, %convert_element_type3A, %cond3A : i32
      scf.if %cond3A_135 {
        %ge3A = arith.constant 1 : i32
        %ge3A_382 = arith.cmpi sge, %add3A_123, %ge3A : i32
        %convert_element_type3A_383 = arith.extui %ge3A_382 : i1 to i32
        %cond3A_384 = arith.constant 0 : i32
        %cond3A_385 = arith.cmpi ne, %convert_element_type3A_383, %cond3A_384 : i32
        scf.if %cond3A_385 {
          %dma_wait3A_396 = arith.constant 0 : i32
          %dma_wait3A_397 = tpu.memref_slice %arg4[%select_n3A, %select_n3A_32, %dma_wait3A_396] : memref<4x4096x1024xf32, #tpu.memory_space<hbm>> -> memref<1x8x1024xf32, #tpu.memory_space<hbm>>
          %dma_wait3A_398 = tpu.memref_squeeze %dma_wait3A_397 : memref<1x8x1024xf32, #tpu.memory_space<hbm>> -> memref<8x1024xf32, #tpu.memory_space<hbm>>
          %dma_wait3A_399 = arith.constant 0 : i32
          %dma_wait3A_400 = tpu.memref_slice %arg4[%select_n3A, %select_n3A_32, %dma_wait3A_399] : memref<4x4096x1024xf32, #tpu.memory_space<hbm>> -> memref<1x8x1024xf32, #tpu.memory_space<hbm>>
          %dma_wait3A_401 = tpu.memref_squeeze %dma_wait3A_400 : memref<1x8x1024xf32, #tpu.memory_space<hbm>> -> memref<8x1024xf32, #tpu.memory_space<hbm>>
          tpu.wait_dma2 semaphore(%arg29 : memref<!tpu.dma_semaphore, #tpu.memory_space<semaphore_mem>>) src(%arg13 : memref<8x1024xf32, #tpu.memory_space<vmem>>) dst(%dma_wait3A_401 : memref<8x1024xf32, #tpu.memory_space<hbm>>)
        } else {
        }
        %add3A_386 = arith.constant 8 : i32
        %add3A_387 = arith.addi %add3A_123, %add3A_386 : i32
        %sub3A_388 = arith.constant 1 : i32
        %sub3A_389 = arith.subi %add3A_387, %sub3A_388 : i32
        %mul3A_390 = arith.constant 8 : i32
        %mul3A_391 = arith.muli %sub3A_389, %mul3A_390 : i32
        %dma_start3A_392 = tpu.memref_slice %arg5[%mul3A_391] : memref<512xi32, #tpu.memory_space<vmem>> -> memref<8xi32, #tpu.memory_space<vmem>>
        %dma_start3A_393 = arith.constant 0 : i32
        %dma_start3A_394 = arith.constant 0 : i32
        %dma_start3A_395 = tpu.memref_slice %arg3[%dma_start3A_393, %dma_start3A_394] : memref<100000x1024xf32, #tpu.memory_space<hbm>> -> memref<100000x1024xf32, #tpu.memory_space<hbm>>
        tpu.enqueue_indirect_dma source(%dma_start3A_395 : memref<100000x1024xf32, #tpu.memory_space<hbm>>) target(%arg13 : memref<8x1024xf32, #tpu.memory_space<vmem>>) offsets(%dma_start3A_392 : memref<8xi32, #tpu.memory_space<vmem>>) semaphore(%arg21 : memref<!tpu.dma_semaphore, #tpu.memory_space<semaphore_mem>>)
      } else {
      }
      %scan3A_136 = arith.constant 0 : i32
      %scan3A_137 = arith.constant 0 : i32
      %scan3A_138 = arith.constant 8 : i32
      %scan3A_139 = arith.addi %scan3A_137, %scan3A_138 : i32
      %scan3A_140 = arith.constant 1 : i32
      scf.for %scan3A_382 = %scan3A_137 to %scan3A_139 step %scan3A_140  : i32 {
        %scan3A_383 = arith.constant 0 : i32
        %scan3A_384 = arith.constant 64 : i32
        %scan3A_385 = arith.addi %scan3A_383, %scan3A_384 : i32
        %scan3A_386 = arith.constant 8 : i32
        scf.for %scan3A_388 = %scan3A_383 to %scan3A_385 step %scan3A_386  : i32 {
          %mul3A_389 = arith.constant 16 : i32
          %mul3A_390 = arith.muli %scan3A_388, %mul3A_389 : i32
          %get3A = arith.index_cast %scan3A_382 : i32 to index
          %get3A_391 = arith.index_cast %mul3A_390 : i32 to index
          %get3A_392 = tpu.vector_load %arg6[%get3A, %get3A_391] {strides = array<i32>} : memref<8x1024xf32, #tpu.memory_space<vmem>>, vector<1x16xf32>,
          %get3A_393 = vector.shape_cast %get3A_392 : vector<1x16xf32> to vector<16xf32>
          %mul3A_394 = arith.constant 3.200000e+01 : f32
          %mul3A_395 = vector.broadcast %mul3A_394 : f32 to vector<16xf32>
          %mul3A_396 = arith.mulf %get3A_393, %mul3A_395 : vector<16xf32>
          %swap3A = arith.index_cast %scan3A_382 : i32 to index
          %swap3A_397 = arith.index_cast %mul3A_390 : i32 to index
          %swap3A_398 = tpu.vector_load %arg6[%swap3A, %swap3A_397] {strides = array<i32>} : memref<8x1024xf32, #tpu.memory_space<vmem>>, vector<1x16xf32>,
          %swap3A_399 = vector.shape_cast %swap3A_398 : vector<1x16xf32> to vector<16xf32>
          %swap3A_400 = vector.shape_cast %mul3A_396 : vector<16xf32> to vector<1x16xf32>
          tpu.vector_store %arg6[%swap3A, %swap3A_397], %swap3A_400 {strides = array<i32>} : memref<8x1024xf32, #tpu.memory_space<vmem>>, vector<1x16xf32>,
          %scan3A_401 = arith.constant 1 : i32
          %scan3A_402 = arith.addi %scan3A_388, %scan3A_401 : i32
          %mul3A_403 = arith.constant 16 : i32
          %mul3A_404 = arith.muli %scan3A_402, %mul3A_403 : i32
          %get3A_405 = arith.index_cast %scan3A_382 : i32 to index
          %get3A_406 = arith.index_cast %mul3A_404 : i32 to index
          %get3A_407 = tpu.vector_load %arg6[%get3A_405, %get3A_406] {strides = array<i32>} : memref<8x1024xf32, #tpu.memory_space<vmem>>, vector<1x16xf32>,
          %get3A_408 = vector.shape_cast %get3A_407 : vector<1x16xf32> to vector<16xf32>
          %mul3A_409 = arith.constant 3.200000e+01 : f32
          %mul3A_410 = vector.broadcast %mul3A_409 : f32 to vector<16xf32>
          %mul3A_411 = arith.mulf %get3A_408, %mul3A_410 : vector<16xf32>
          %swap3A_412 = arith.index_cast %scan3A_382 : i32 to index
          %swap3A_413 = arith.index_cast %mul3A_404 : i32 to index
          %swap3A_414 = tpu.vector_load %arg6[%swap3A_412, %swap3A_413] {strides = array<i32>} : memref<8x1024xf32, #tpu.memory_space<vmem>>, vector<1x16xf32>,
          %swap3A_415 = vector.shape_cast %swap3A_414 : vector<1x16xf32> to vector<16xf32>
          %swap3A_416 = vector.shape_cast %mul3A_411 : vector<16xf32> to vector<1x16xf32>
          tpu.vector_store %arg6[%swap3A_412, %swap3A_413], %swap3A_416 {strides = array<i32>} : memref<8x1024xf32, #tpu.memory_space<vmem>>, vector<1x16xf32>,
          %scan3A_417 = arith.constant 2 : i32
          %scan3A_418 = arith.addi %scan3A_388, %scan3A_417 : i32
          %mul3A_419 = arith.constant 16 : i32
          %mul3A_420 = arith.muli %scan3A_418, %mul3A_419 : i32
          %get3A_421 = arith.index_cast %scan3A_382 : i32 to index
          %get3A_422 = arith.index_cast %mul3A_420 : i32 to index
          %get3A_423 = tpu.vector_load %arg6[%get3A_421, %get3A_422] {strides = array<i32>} : memref<8x1024xf32, #tpu.memory_space<vmem>>, vector<1x16xf32>,
          %get3A_424 = vector.shape_cast %get3A_423 : vector<1x16xf32> to vector<16xf32>
          %mul3A_425 = arith.constant 3.200000e+01 : f32
          %mul3A_426 = vector.broadcast %mul3A_425 : f32 to vector<16xf32>
          %mul3A_427 = arith.mulf %get3A_424, %mul3A_426 : vector<16xf32>
          %swap3A_428 = arith.index_cast %scan3A_382 : i32 to index
          %swap3A_429 = arith.index_cast %mul3A_420 : i32 to index
          %swap3A_430 = tpu.vector_load %arg6[%swap3A_428, %swap3A_429] {strides = array<i32>} : memref<8x1024xf32, #tpu.memory_space<vmem>>, vector<1x16xf32>,
          %swap3A_431 = vector.shape_cast %swap3A_430 : vector<1x16xf32> to vector<16xf32>
          %swap3A_432 = vector.shape_cast %mul3A_427 : vector<16xf32> to vector<1x16xf32>
          tpu.vector_store %arg6[%swap3A_428, %swap3A_429], %swap3A_432 {strides = array<i32>} : memref<8x1024xf32, #tpu.memory_space<vmem>>, vector<1x16xf32>,
          %scan3A_433 = arith.constant 3 : i32
          %scan3A_434 = arith.addi %scan3A_388, %scan3A_433 : i32
          %mul3A_435 = arith.constant 16 : i32
          %mul3A_436 = arith.muli %scan3A_434, %mul3A_435 : i32
          %get3A_437 = arith.index_cast %scan3A_382 : i32 to index
          %get3A_438 = arith.index_cast %mul3A_436 : i32 to index
          %get3A_439 = tpu.vector_load %arg6[%get3A_437, %get3A_438] {strides = array<i32>} : memref<8x1024xf32, #tpu.memory_space<vmem>>, vector<1x16xf32>,
          %get3A_440 = vector.shape_cast %get3A_439 : vector<1x16xf32> to vector<16xf32>
          %mul3A_441 = arith.constant 3.200000e+01 : f32
          %mul3A_442 = vector.broadcast %mul3A_441 : f32 to vector<16xf32>
          %mul3A_443 = arith.mulf %get3A_440, %mul3A_442 : vector<16xf32>
          %swap3A_444 = arith.index_cast %scan3A_382 : i32 to index
          %swap3A_445 = arith.index_cast %mul3A_436 : i32 to index
          %swap3A_446 = tpu.vector_load %arg6[%swap3A_444, %swap3A_445] {strides = array<i32>} : memref<8x1024xf32, #tpu.memory_space<vmem>>, vector<1x16xf32>,
          %swap3A_447 = vector.shape_cast %swap3A_446 : vector<1x16xf32> to vector<16xf32>
          %swap3A_448 = vector.shape_cast %mul3A_443 : vector<16xf32> to vector<1x16xf32>
          tpu.vector_store %arg6[%swap3A_444, %swap3A_445], %swap3A_448 {strides = array<i32>} : memref<8x1024xf32, #tpu.memory_space<vmem>>, vector<1x16xf32>,
          %scan3A_449 = arith.constant 4 : i32
          %scan3A_450 = arith.addi %scan3A_388, %scan3A_449 : i32
          %mul3A_451 = arith.constant 16 : i32
          %mul3A_452 = arith.muli %scan3A_450, %mul3A_451 : i32
          %get3A_453 = arith.index_cast %scan3A_382 : i32 to index
          %get3A_454 = arith.index_cast %mul3A_452 : i32 to index
          %get3A_455 = tpu.vector_load %arg6[%get3A_453, %get3A_454] {strides = array<i32>} : memref<8x1024xf32, #tpu.memory_space<vmem>>, vector<1x16xf32>,
          %get3A_456 = vector.shape_cast %get3A_455 : vector<1x16xf32> to vector<16xf32>
          %mul3A_457 = arith.constant 3.200000e+01 : f32
          %mul3A_458 = vector.broadcast %mul3A_457 : f32 to vector<16xf32>
          %mul3A_459 = arith.mulf %get3A_456, %mul3A_458 : vector<16xf32>
          %swap3A_460 = arith.index_cast %scan3A_382 : i32 to index
          %swap3A_461 = arith.index_cast %mul3A_452 : i32 to index
          %swap3A_462 = tpu.vector_load %arg6[%swap3A_460, %swap3A_461] {strides = array<i32>} : memref<8x1024xf32, #tpu.memory_space<vmem>>, vector<1x16xf32>,
          %swap3A_463 = vector.shape_cast %swap3A_462 : vector<1x16xf32> to vector<16xf32>
          %swap3A_464 = vector.shape_cast %mul3A_459 : vector<16xf32> to vector<1x16xf32>
          tpu.vector_store %arg6[%swap3A_460, %swap3A_461], %swap3A_464 {strides = array<i32>} : memref<8x1024xf32, #tpu.memory_space<vmem>>, vector<1x16xf32>,
          %scan3A_465 = arith.constant 5 : i32
          %scan3A_466 = arith.addi %scan3A_388, %scan3A_465 : i32
          %mul3A_467 = arith.constant 16 : i32
          %mul3A_468 = arith.muli %scan3A_466, %mul3A_467 : i32
          %get3A_469 = arith.index_cast %scan3A_382 : i32 to index
          %get3A_470 = arith.index_cast %mul3A_468 : i32 to index
          %get3A_471 = tpu.vector_load %arg6[%get3A_469, %get3A_470] {strides = array<i32>} : memref<8x1024xf32, #tpu.memory_space<vmem>>, vector<1x16xf32>,
          %get3A_472 = vector.shape_cast %get3A_471 : vector<1x16xf32> to vector<16xf32>
          %mul3A_473 = arith.constant 3.200000e+01 : f32
          %mul3A_474 = vector.broadcast %mul3A_473 : f32 to vector<16xf32>
          %mul3A_475 = arith.mulf %get3A_472, %mul3A_474 : vector<16xf32>
          %swap3A_476 = arith.index_cast %scan3A_382 : i32 to index
          %swap3A_477 = arith.index_cast %mul3A_468 : i32 to index
          %swap3A_478 = tpu.vector_load %arg6[%swap3A_476, %swap3A_477] {strides = array<i32>} : memref<8x1024xf32, #tpu.memory_space<vmem>>, vector<1x16xf32>,
          %swap3A_479 = vector.shape_cast %swap3A_478 : vector<1x16xf32> to vector<16xf32>
          %swap3A_480 = vector.shape_cast %mul3A_475 : vector<16xf32> to vector<1x16xf32>
          tpu.vector_store %arg6[%swap3A_476, %swap3A_477], %swap3A_480 {strides = array<i32>} : memref<8x1024xf32, #tpu.memory_space<vmem>>, vector<1x16xf32>,
          %scan3A_481 = arith.constant 6 : i32
          %scan3A_482 = arith.addi %scan3A_388, %scan3A_481 : i32
          %mul3A_483 = arith.constant 16 : i32
          %mul3A_484 = arith.muli %scan3A_482, %mul3A_483 : i32
          %get3A_485 = arith.index_cast %scan3A_382 : i32 to index
          %get3A_486 = arith.index_cast %mul3A_484 : i32 to index
          %get3A_487 = tpu.vector_load %arg6[%get3A_485, %get3A_486] {strides = array<i32>} : memref<8x1024xf32, #tpu.memory_space<vmem>>, vector<1x16xf32>,
          %get3A_488 = vector.shape_cast %get3A_487 : vector<1x16xf32> to vector<16xf32>
          %mul3A_489 = arith.constant 3.200000e+01 : f32
          %mul3A_490 = vector.broadcast %mul3A_489 : f32 to vector<16xf32>
          %mul3A_491 = arith.mulf %get3A_488, %mul3A_490 : vector<16xf32>
          %swap3A_492 = arith.index_cast %scan3A_382 : i32 to index
          %swap3A_493 = arith.index_cast %mul3A_484 : i32 to index
          %swap3A_494 = tpu.vector_load %arg6[%swap3A_492, %swap3A_493] {strides = array<i32>} : memref<8x1024xf32, #tpu.memory_space<vmem>>, vector<1x16xf32>,
          %swap3A_495 = vector.shape_cast %swap3A_494 : vector<1x16xf32> to vector<16xf32>
          %swap3A_496 = vector.shape_cast %mul3A_491 : vector<16xf32> to vector<1x16xf32>
          tpu.vector_store %arg6[%swap3A_492, %swap3A_493], %swap3A_496 {strides = array<i32>} : memref<8x1024xf32, #tpu.memory_space<vmem>>, vector<1x16xf32>,
          %scan3A_497 = arith.constant 7 : i32
          %scan3A_498 = arith.addi %scan3A_388, %scan3A_497 : i32
          %mul3A_499 = arith.constant 16 : i32
          %mul3A_500 = arith.muli %scan3A_498, %mul3A_499 : i32
          %get3A_501 = arith.index_cast %scan3A_382 : i32 to index
          %get3A_502 = arith.index_cast %mul3A_500 : i32 to index
          %get3A_503 = tpu.vector_load %arg6[%get3A_501, %get3A_502] {strides = array<i32>} : memref<8x1024xf32, #tpu.memory_space<vmem>>, vector<1x16xf32>,
          %get3A_504 = vector.shape_cast %get3A_503 : vector<1x16xf32> to vector<16xf32>
          %mul3A_505 = arith.constant 3.200000e+01 : f32
          %mul3A_506 = vector.broadcast %mul3A_505 : f32 to vector<16xf32>
          %mul3A_507 = arith.mulf %get3A_504, %mul3A_506 : vector<16xf32>
          %swap3A_508 = arith.index_cast %scan3A_382 : i32 to index
          %swap3A_509 = arith.index_cast %mul3A_500 : i32 to index
          %swap3A_510 = tpu.vector_load %arg6[%swap3A_508, %swap3A_509] {strides = array<i32>} : memref<8x1024xf32, #tpu.memory_space<vmem>>, vector<1x16xf32>,
          %swap3A_511 = vector.shape_cast %swap3A_510 : vector<1x16xf32> to vector<16xf32>
          %swap3A_512 = vector.shape_cast %mul3A_507 : vector<16xf32> to vector<1x16xf32>
          tpu.vector_store %arg6[%swap3A_508, %swap3A_509], %swap3A_512 {strides = array<i32>} : memref<8x1024xf32, #tpu.memory_space<vmem>>, vector<1x16xf32>,
        }
        %scan3A_387 = arith.constant 64 : i32
      }
      %scan3A_141 = arith.constant 8 : i32
      %mul3A_142 = arith.constant 8 : i32
      %mul3A_143 = arith.muli %add3A_123, %mul3A_142 : i32
      %add3A_144 = arith.addi %select_n3A_32, %mul3A_143 : i32
      %dma_start3A_145 = arith.constant 0 : i32
      %dma_start3A_146 = tpu.memref_slice %arg4[%select_n3A, %add3A_144, %dma_start3A_145] : memref<4x4096x1024xf32, #tpu.memory_space<hbm>> -> memref<1x8x1024xf32, #tpu.memory_space<hbm>>
      %dma_start3A_147 = tpu.memref_squeeze %dma_start3A_146 : memref<1x8x1024xf32, #tpu.memory_space<hbm>> -> memref<8x1024xf32, #tpu.memory_space<hbm>>
      %dma_start3A_148 = arith.constant 0 : i32
      %dma_start3A_149 = tpu.memref_slice %arg4[%select_n3A, %add3A_144, %dma_start3A_148] : memref<4x4096x1024xf32, #tpu.memory_space<hbm>> -> memref<1x8x1024xf32, #tpu.memory_space<hbm>>
      %dma_start3A_150 = tpu.memref_squeeze %dma_start3A_149 : memref<1x8x1024xf32, #tpu.memory_space<hbm>> -> memref<8x1024xf32, #tpu.memory_space<hbm>>
      tpu.enqueue_dma source(%arg6 : memref<8x1024xf32, #tpu.memory_space<vmem>>) target(%dma_start3A_150 : memref<8x1024xf32, #tpu.memory_space<hbm>>) target_semaphore(%arg22 : memref<!tpu.dma_semaphore, #tpu.memory_space<semaphore_mem>>)
      %mul3A_151 = arith.constant 8 : i32
      %mul3A_152 = arith.muli %scan3A_119, %mul3A_151 : i32
      %add3A_153 = arith.constant 1 : i32
      %add3A_154 = arith.addi %mul3A_152, %add3A_153 : i32
      %dma_wait3A_155 = arith.constant 0 : i32
      %dma_wait3A_156 = tpu.memref_slice %arg5[%dma_wait3A_155] : memref<512xi32, #tpu.memory_space<vmem>> -> memref<8xi32, #tpu.memory_space<vmem>>
      %dma_wait3A_157 = arith.constant 0 : i32
      %dma_wait3A_158 = arith.constant 0 : i32
      %dma_wait3A_159 = tpu.memref_slice %arg3[%dma_wait3A_157, %dma_wait3A_158] : memref<100000x1024xf32, #tpu.memory_space<hbm>> -> memref<100000x1024xf32, #tpu.memory_space<hbm>>
      tpu.wait_indirect_dma semaphore(%arg15 : memref<!tpu.dma_semaphore, #tpu.memory_space<semaphore_mem>>) src(%dma_wait3A_159 : memref<100000x1024xf32, #tpu.memory_space<hbm>>) dst(%arg7 : memref<8x1024xf32, #tpu.memory_space<vmem>>)
      %add3A_160 = arith.constant 8 : i32
      %add3A_161 = arith.addi %add3A_154, %add3A_160 : i32
      %sub3A_162 = arith.constant 1 : i32
      %sub3A_163 = arith.subi %add3A_161, %sub3A_162 : i32
      %lt3A_164 = arith.constant 64 : i32
      %lt3A_165 = arith.cmpi slt, %sub3A_163, %lt3A_164 : i32
      %convert_element_type3A_166 = arith.extui %lt3A_165 : i1 to i32
      %cond3A_167 = arith.constant 0 : i32
      %cond3A_168 = arith.cmpi ne, %convert_element_type3A_166, %cond3A_167 : i32
      scf.if %cond3A_168 {
        %ge3A = arith.constant 1 : i32
        %ge3A_382 = arith.cmpi sge, %add3A_154, %ge3A : i32
        %convert_element_type3A_383 = arith.extui %ge3A_382 : i1 to i32
        %cond3A_384 = arith.constant 0 : i32
        %cond3A_385 = arith.cmpi ne, %convert_element_type3A_383, %cond3A_384 : i32
        scf.if %cond3A_385 {
          %dma_wait3A_396 = arith.constant 0 : i32
          %dma_wait3A_397 = tpu.memref_slice %arg4[%select_n3A, %select_n3A_32, %dma_wait3A_396] : memref<4x4096x1024xf32, #tpu.memory_space<hbm>> -> memref<1x8x1024xf32, #tpu.memory_space<hbm>>
          %dma_wait3A_398 = tpu.memref_squeeze %dma_wait3A_397 : memref<1x8x1024xf32, #tpu.memory_space<hbm>> -> memref<8x1024xf32, #tpu.memory_space<hbm>>
          %dma_wait3A_399 = arith.constant 0 : i32
          %dma_wait3A_400 = tpu.memref_slice %arg4[%select_n3A, %select_n3A_32, %dma_wait3A_399] : memref<4x4096x1024xf32, #tpu.memory_space<hbm>> -> memref<1x8x1024xf32, #tpu.memory_space<hbm>>
          %dma_wait3A_401 = tpu.memref_squeeze %dma_wait3A_400 : memref<1x8x1024xf32, #tpu.memory_space<hbm>> -> memref<8x1024xf32, #tpu.memory_space<hbm>>
          tpu.wait_dma2 semaphore(%arg22 : memref<!tpu.dma_semaphore, #tpu.memory_space<semaphore_mem>>) src(%arg6 : memref<8x1024xf32, #tpu.memory_space<vmem>>) dst(%dma_wait3A_401 : memref<8x1024xf32, #tpu.memory_space<hbm>>)
        } else {
        }
        %add3A_386 = arith.constant 8 : i32
        %add3A_387 = arith.addi %add3A_154, %add3A_386 : i32
        %sub3A_388 = arith.constant 1 : i32
        %sub3A_389 = arith.subi %add3A_387, %sub3A_388 : i32
        %mul3A_390 = arith.constant 8 : i32
        %mul3A_391 = arith.muli %sub3A_389, %mul3A_390 : i32
        %dma_start3A_392 = tpu.memref_slice %arg5[%mul3A_391] : memref<512xi32, #tpu.memory_space<vmem>> -> memref<8xi32, #tpu.memory_space<vmem>>
        %dma_start3A_393 = arith.constant 0 : i32
        %dma_start3A_394 = arith.constant 0 : i32
        %dma_start3A_395 = tpu.memref_slice %arg3[%dma_start3A_393, %dma_start3A_394] : memref<100000x1024xf32, #tpu.memory_space<hbm>> -> memref<100000x1024xf32, #tpu.memory_space<hbm>>
        tpu.enqueue_indirect_dma source(%dma_start3A_395 : memref<100000x1024xf32, #tpu.memory_space<hbm>>) target(%arg6 : memref<8x1024xf32, #tpu.memory_space<vmem>>) offsets(%dma_start3A_392 : memref<8xi32, #tpu.memory_space<vmem>>) semaphore(%arg14 : memref<!tpu.dma_semaphore, #tpu.memory_space<semaphore_mem>>)
      } else {
      }
      %scan3A_169 = arith.constant 0 : i32
      %scan3A_170 = arith.constant 0 : i32
      %scan3A_171 = arith.constant 8 : i32
      %scan3A_172 = arith.addi %scan3A_170, %scan3A_171 : i32
      %scan3A_173 = arith.constant 1 : i32
      scf.for %scan3A_382 = %scan3A_170 to %scan3A_172 step %scan3A_173  : i32 {
        %scan3A_383 = arith.constant 0 : i32
        %scan3A_384 = arith.constant 64 : i32
        %scan3A_385 = arith.addi %scan3A_383, %scan3A_384 : i32
        %scan3A_386 = arith.constant 8 : i32
        scf.for %scan3A_388 = %scan3A_383 to %scan3A_385 step %scan3A_386  : i32 {
          %mul3A_389 = arith.constant 16 : i32
          %mul3A_390 = arith.muli %scan3A_388, %mul3A_389 : i32
          %get3A = arith.index_cast %scan3A_382 : i32 to index
          %get3A_391 = arith.index_cast %mul3A_390 : i32 to index
          %get3A_392 = tpu.vector_load %arg7[%get3A, %get3A_391] {strides = array<i32>} : memref<8x1024xf32, #tpu.memory_space<vmem>>, vector<1x16xf32>,
          %get3A_393 = vector.shape_cast %get3A_392 : vector<1x16xf32> to vector<16xf32>
          %mul3A_394 = arith.constant 3.200000e+01 : f32
          %mul3A_395 = vector.broadcast %mul3A_394 : f32 to vector<16xf32>
          %mul3A_396 = arith.mulf %get3A_393, %mul3A_395 : vector<16xf32>
          %swap3A = arith.index_cast %scan3A_382 : i32 to index
          %swap3A_397 = arith.index_cast %mul3A_390 : i32 to index
          %swap3A_398 = tpu.vector_load %arg7[%swap3A, %swap3A_397] {strides = array<i32>} : memref<8x1024xf32, #tpu.memory_space<vmem>>, vector<1x16xf32>,
          %swap3A_399 = vector.shape_cast %swap3A_398 : vector<1x16xf32> to vector<16xf32>
          %swap3A_400 = vector.shape_cast %mul3A_396 : vector<16xf32> to vector<1x16xf32>
          tpu.vector_store %arg7[%swap3A, %swap3A_397], %swap3A_400 {strides = array<i32>} : memref<8x1024xf32, #tpu.memory_space<vmem>>, vector<1x16xf32>,
          %scan3A_401 = arith.constant 1 : i32
          %scan3A_402 = arith.addi %scan3A_388, %scan3A_401 : i32
          %mul3A_403 = arith.constant 16 : i32
          %mul3A_404 = arith.muli %scan3A_402, %mul3A_403 : i32
          %get3A_405 = arith.index_cast %scan3A_382 : i32 to index
          %get3A_406 = arith.index_cast %mul3A_404 : i32 to index
          %get3A_407 = tpu.vector_load %arg7[%get3A_405, %get3A_406] {strides = array<i32>} : memref<8x1024xf32, #tpu.memory_space<vmem>>, vector<1x16xf32>,
          %get3A_408 = vector.shape_cast %get3A_407 : vector<1x16xf32> to vector<16xf32>
          %mul3A_409 = arith.constant 3.200000e+01 : f32
          %mul3A_410 = vector.broadcast %mul3A_409 : f32 to vector<16xf32>
          %mul3A_411 = arith.mulf %get3A_408, %mul3A_410 : vector<16xf32>
          %swap3A_412 = arith.index_cast %scan3A_382 : i32 to index
          %swap3A_413 = arith.index_cast %mul3A_404 : i32 to index
          %swap3A_414 = tpu.vector_load %arg7[%swap3A_412, %swap3A_413] {strides = array<i32>} : memref<8x1024xf32, #tpu.memory_space<vmem>>, vector<1x16xf32>,
          %swap3A_415 = vector.shape_cast %swap3A_414 : vector<1x16xf32> to vector<16xf32>
          %swap3A_416 = vector.shape_cast %mul3A_411 : vector<16xf32> to vector<1x16xf32>
          tpu.vector_store %arg7[%swap3A_412, %swap3A_413], %swap3A_416 {strides = array<i32>} : memref<8x1024xf32, #tpu.memory_space<vmem>>, vector<1x16xf32>,
          %scan3A_417 = arith.constant 2 : i32
          %scan3A_418 = arith.addi %scan3A_388, %scan3A_417 : i32
          %mul3A_419 = arith.constant 16 : i32
          %mul3A_420 = arith.muli %scan3A_418, %mul3A_419 : i32
          %get3A_421 = arith.index_cast %scan3A_382 : i32 to index
          %get3A_422 = arith.index_cast %mul3A_420 : i32 to index
          %get3A_423 = tpu.vector_load %arg7[%get3A_421, %get3A_422] {strides = array<i32>} : memref<8x1024xf32, #tpu.memory_space<vmem>>, vector<1x16xf32>,
          %get3A_424 = vector.shape_cast %get3A_423 : vector<1x16xf32> to vector<16xf32>
          %mul3A_425 = arith.constant 3.200000e+01 : f32
          %mul3A_426 = vector.broadcast %mul3A_425 : f32 to vector<16xf32>
          %mul3A_427 = arith.mulf %get3A_424, %mul3A_426 : vector<16xf32>
          %swap3A_428 = arith.index_cast %scan3A_382 : i32 to index
          %swap3A_429 = arith.index_cast %mul3A_420 : i32 to index
          %swap3A_430 = tpu.vector_load %arg7[%swap3A_428, %swap3A_429] {strides = array<i32>} : memref<8x1024xf32, #tpu.memory_space<vmem>>, vector<1x16xf32>,
          %swap3A_431 = vector.shape_cast %swap3A_430 : vector<1x16xf32> to vector<16xf32>
          %swap3A_432 = vector.shape_cast %mul3A_427 : vector<16xf32> to vector<1x16xf32>
          tpu.vector_store %arg7[%swap3A_428, %swap3A_429], %swap3A_432 {strides = array<i32>} : memref<8x1024xf32, #tpu.memory_space<vmem>>, vector<1x16xf32>,
          %scan3A_433 = arith.constant 3 : i32
          %scan3A_434 = arith.addi %scan3A_388, %scan3A_433 : i32
          %mul3A_435 = arith.constant 16 : i32
          %mul3A_436 = arith.muli %scan3A_434, %mul3A_435 : i32
          %get3A_437 = arith.index_cast %scan3A_382 : i32 to index
          %get3A_438 = arith.index_cast %mul3A_436 : i32 to index
          %get3A_439 = tpu.vector_load %arg7[%get3A_437, %get3A_438] {strides = array<i32>} : memref<8x1024xf32, #tpu.memory_space<vmem>>, vector<1x16xf32>,
          %get3A_440 = vector.shape_cast %get3A_439 : vector<1x16xf32> to vector<16xf32>
          %mul3A_441 = arith.constant 3.200000e+01 : f32
          %mul3A_442 = vector.broadcast %mul3A_441 : f32 to vector<16xf32>
          %mul3A_443 = arith.mulf %get3A_440, %mul3A_442 : vector<16xf32>
          %swap3A_444 = arith.index_cast %scan3A_382 : i32 to index
          %swap3A_445 = arith.index_cast %mul3A_436 : i32 to index
          %swap3A_446 = tpu.vector_load %arg7[%swap3A_444, %swap3A_445] {strides = array<i32>} : memref<8x1024xf32, #tpu.memory_space<vmem>>, vector<1x16xf32>,
          %swap3A_447 = vector.shape_cast %swap3A_446 : vector<1x16xf32> to vector<16xf32>
          %swap3A_448 = vector.shape_cast %mul3A_443 : vector<16xf32> to vector<1x16xf32>
          tpu.vector_store %arg7[%swap3A_444, %swap3A_445], %swap3A_448 {strides = array<i32>} : memref<8x1024xf32, #tpu.memory_space<vmem>>, vector<1x16xf32>,
          %scan3A_449 = arith.constant 4 : i32
          %scan3A_450 = arith.addi %scan3A_388, %scan3A_449 : i32
          %mul3A_451 = arith.constant 16 : i32
          %mul3A_452 = arith.muli %scan3A_450, %mul3A_451 : i32
          %get3A_453 = arith.index_cast %scan3A_382 : i32 to index
          %get3A_454 = arith.index_cast %mul3A_452 : i32 to index
          %get3A_455 = tpu.vector_load %arg7[%get3A_453, %get3A_454] {strides = array<i32>} : memref<8x1024xf32, #tpu.memory_space<vmem>>, vector<1x16xf32>,
          %get3A_456 = vector.shape_cast %get3A_455 : vector<1x16xf32> to vector<16xf32>
          %mul3A_457 = arith.constant 3.200000e+01 : f32
          %mul3A_458 = vector.broadcast %mul3A_457 : f32 to vector<16xf32>
          %mul3A_459 = arith.mulf %get3A_456, %mul3A_458 : vector<16xf32>
          %swap3A_460 = arith.index_cast %scan3A_382 : i32 to index
          %swap3A_461 = arith.index_cast %mul3A_452 : i32 to index
          %swap3A_462 = tpu.vector_load %arg7[%swap3A_460, %swap3A_461] {strides = array<i32>} : memref<8x1024xf32, #tpu.memory_space<vmem>>, vector<1x16xf32>,
          %swap3A_463 = vector.shape_cast %swap3A_462 : vector<1x16xf32> to vector<16xf32>
          %swap3A_464 = vector.shape_cast %mul3A_459 : vector<16xf32> to vector<1x16xf32>
          tpu.vector_store %arg7[%swap3A_460, %swap3A_461], %swap3A_464 {strides = array<i32>} : memref<8x1024xf32, #tpu.memory_space<vmem>>, vector<1x16xf32>,
          %scan3A_465 = arith.constant 5 : i32
          %scan3A_466 = arith.addi %scan3A_388, %scan3A_465 : i32
          %mul3A_467 = arith.constant 16 : i32
          %mul3A_468 = arith.muli %scan3A_466, %mul3A_467 : i32
          %get3A_469 = arith.index_cast %scan3A_382 : i32 to index
          %get3A_470 = arith.index_cast %mul3A_468 : i32 to index
          %get3A_471 = tpu.vector_load %arg7[%get3A_469, %get3A_470] {strides = array<i32>} : memref<8x1024xf32, #tpu.memory_space<vmem>>, vector<1x16xf32>,
          %get3A_472 = vector.shape_cast %get3A_471 : vector<1x16xf32> to vector<16xf32>
          %mul3A_473 = arith.constant 3.200000e+01 : f32
          %mul3A_474 = vector.broadcast %mul3A_473 : f32 to vector<16xf32>
          %mul3A_475 = arith.mulf %get3A_472, %mul3A_474 : vector<16xf32>
          %swap3A_476 = arith.index_cast %scan3A_382 : i32 to index
          %swap3A_477 = arith.index_cast %mul3A_468 : i32 to index
          %swap3A_478 = tpu.vector_load %arg7[%swap3A_476, %swap3A_477] {strides = array<i32>} : memref<8x1024xf32, #tpu.memory_space<vmem>>, vector<1x16xf32>,
          %swap3A_479 = vector.shape_cast %swap3A_478 : vector<1x16xf32> to vector<16xf32>
          %swap3A_480 = vector.shape_cast %mul3A_475 : vector<16xf32> to vector<1x16xf32>
          tpu.vector_store %arg7[%swap3A_476, %swap3A_477], %swap3A_480 {strides = array<i32>} : memref<8x1024xf32, #tpu.memory_space<vmem>>, vector<1x16xf32>,
          %scan3A_481 = arith.constant 6 : i32
          %scan3A_482 = arith.addi %scan3A_388, %scan3A_481 : i32
          %mul3A_483 = arith.constant 16 : i32
          %mul3A_484 = arith.muli %scan3A_482, %mul3A_483 : i32
          %get3A_485 = arith.index_cast %scan3A_382 : i32 to index
          %get3A_486 = arith.index_cast %mul3A_484 : i32 to index
          %get3A_487 = tpu.vector_load %arg7[%get3A_485, %get3A_486] {strides = array<i32>} : memref<8x1024xf32, #tpu.memory_space<vmem>>, vector<1x16xf32>,
          %get3A_488 = vector.shape_cast %get3A_487 : vector<1x16xf32> to vector<16xf32>
          %mul3A_489 = arith.constant 3.200000e+01 : f32
          %mul3A_490 = vector.broadcast %mul3A_489 : f32 to vector<16xf32>
          %mul3A_491 = arith.mulf %get3A_488, %mul3A_490 : vector<16xf32>
          %swap3A_492 = arith.index_cast %scan3A_382 : i32 to index
          %swap3A_493 = arith.index_cast %mul3A_484 : i32 to index
          %swap3A_494 = tpu.vector_load %arg7[%swap3A_492, %swap3A_493] {strides = array<i32>} : memref<8x1024xf32, #tpu.memory_space<vmem>>, vector<1x16xf32>,
          %swap3A_495 = vector.shape_cast %swap3A_494 : vector<1x16xf32> to vector<16xf32>
          %swap3A_496 = vector.shape_cast %mul3A_491 : vector<16xf32> to vector<1x16xf32>
          tpu.vector_store %arg7[%swap3A_492, %swap3A_493], %swap3A_496 {strides = array<i32>} : memref<8x1024xf32, #tpu.memory_space<vmem>>, vector<1x16xf32>,
          %scan3A_497 = arith.constant 7 : i32
          %scan3A_498 = arith.addi %scan3A_388, %scan3A_497 : i32
          %mul3A_499 = arith.constant 16 : i32
          %mul3A_500 = arith.muli %scan3A_498, %mul3A_499 : i32
          %get3A_501 = arith.index_cast %scan3A_382 : i32 to index
          %get3A_502 = arith.index_cast %mul3A_500 : i32 to index
          %get3A_503 = tpu.vector_load %arg7[%get3A_501, %get3A_502] {strides = array<i32>} : memref<8x1024xf32, #tpu.memory_space<vmem>>, vector<1x16xf32>,
          %get3A_504 = vector.shape_cast %get3A_503 : vector<1x16xf32> to vector<16xf32>
          %mul3A_505 = arith.constant 3.200000e+01 : f32
          %mul3A_506 = vector.broadcast %mul3A_505 : f32 to vector<16xf32>
          %mul3A_507 = arith.mulf %get3A_504, %mul3A_506 : vector<16xf32>
          %swap3A_508 = arith.index_cast %scan3A_382 : i32 to index
          %swap3A_509 = arith.index_cast %mul3A_500 : i32 to index
          %swap3A_510 = tpu.vector_load %arg7[%swap3A_508, %swap3A_509] {strides = array<i32>} : memref<8x1024xf32, #tpu.memory_space<vmem>>, vector<1x16xf32>,
          %swap3A_511 = vector.shape_cast %swap3A_510 : vector<1x16xf32> to vector<16xf32>
          %swap3A_512 = vector.shape_cast %mul3A_507 : vector<16xf32> to vector<1x16xf32>
          tpu.vector_store %arg7[%swap3A_508, %swap3A_509], %swap3A_512 {strides = array<i32>} : memref<8x1024xf32, #tpu.memory_space<vmem>>, vector<1x16xf32>,
        }
        %scan3A_387 = arith.constant 64 : i32
      }
      %scan3A_174 = arith.constant 8 : i32
      %mul3A_175 = arith.constant 8 : i32
      %mul3A_176 = arith.muli %add3A_154, %mul3A_175 : i32
      %add3A_177 = arith.addi %select_n3A_32, %mul3A_176 : i32
      %dma_start3A_178 = arith.constant 0 : i32
      %dma_start3A_179 = tpu.memref_slice %arg4[%select_n3A, %add3A_177, %dma_start3A_178] : memref<4x4096x1024xf32, #tpu.memory_space<hbm>> -> memref<1x8x1024xf32, #tpu.memory_space<hbm>>
      %dma_start3A_180 = tpu.memref_squeeze %dma_start3A_179 : memref<1x8x1024xf32, #tpu.memory_space<hbm>> -> memref<8x1024xf32, #tpu.memory_space<hbm>>
      %dma_start3A_181 = arith.constant 0 : i32
      %dma_start3A_182 = tpu.memref_slice %arg4[%select_n3A, %add3A_177, %dma_start3A_181] : memref<4x4096x1024xf32, #tpu.memory_space<hbm>> -> memref<1x8x1024xf32, #tpu.memory_space<hbm>>
      %dma_start3A_183 = tpu.memref_squeeze %dma_start3A_182 : memref<1x8x1024xf32, #tpu.memory_space<hbm>> -> memref<8x1024xf32, #tpu.memory_space<hbm>>
      tpu.enqueue_dma source(%arg7 : memref<8x1024xf32, #tpu.memory_space<vmem>>) target(%dma_start3A_183 : memref<8x1024xf32, #tpu.memory_space<hbm>>) target_semaphore(%arg23 : memref<!tpu.dma_semaphore, #tpu.memory_space<semaphore_mem>>)
      %mul3A_184 = arith.constant 8 : i32
      %mul3A_185 = arith.muli %scan3A_119, %mul3A_184 : i32
      %add3A_186 = arith.constant 2 : i32
      %add3A_187 = arith.addi %mul3A_185, %add3A_186 : i32
      %dma_wait3A_188 = arith.constant 0 : i32
      %dma_wait3A_189 = tpu.memref_slice %arg5[%dma_wait3A_188] : memref<512xi32, #tpu.memory_space<vmem>> -> memref<8xi32, #tpu.memory_space<vmem>>
      %dma_wait3A_190 = arith.constant 0 : i32
      %dma_wait3A_191 = arith.constant 0 : i32
      %dma_wait3A_192 = tpu.memref_slice %arg3[%dma_wait3A_190, %dma_wait3A_191] : memref<100000x1024xf32, #tpu.memory_space<hbm>> -> memref<100000x1024xf32, #tpu.memory_space<hbm>>
      tpu.wait_indirect_dma semaphore(%arg16 : memref<!tpu.dma_semaphore, #tpu.memory_space<semaphore_mem>>) src(%dma_wait3A_192 : memref<100000x1024xf32, #tpu.memory_space<hbm>>) dst(%arg8 : memref<8x1024xf32, #tpu.memory_space<vmem>>)
      %add3A_193 = arith.constant 8 : i32
      %add3A_194 = arith.addi %add3A_187, %add3A_193 : i32
      %sub3A_195 = arith.constant 1 : i32
      %sub3A_196 = arith.subi %add3A_194, %sub3A_195 : i32
      %lt3A_197 = arith.constant 64 : i32
      %lt3A_198 = arith.cmpi slt, %sub3A_196, %lt3A_197 : i32
      %convert_element_type3A_199 = arith.extui %lt3A_198 : i1 to i32
      %cond3A_200 = arith.constant 0 : i32
      %cond3A_201 = arith.cmpi ne, %convert_element_type3A_199, %cond3A_200 : i32
      scf.if %cond3A_201 {
        %ge3A = arith.constant 1 : i32
        %ge3A_382 = arith.cmpi sge, %add3A_187, %ge3A : i32
        %convert_element_type3A_383 = arith.extui %ge3A_382 : i1 to i32
        %cond3A_384 = arith.constant 0 : i32
        %cond3A_385 = arith.cmpi ne, %convert_element_type3A_383, %cond3A_384 : i32
        scf.if %cond3A_385 {
          %dma_wait3A_396 = arith.constant 0 : i32
          %dma_wait3A_397 = tpu.memref_slice %arg4[%select_n3A, %select_n3A_32, %dma_wait3A_396] : memref<4x4096x1024xf32, #tpu.memory_space<hbm>> -> memref<1x8x1024xf32, #tpu.memory_space<hbm>>
          %dma_wait3A_398 = tpu.memref_squeeze %dma_wait3A_397 : memref<1x8x1024xf32, #tpu.memory_space<hbm>> -> memref<8x1024xf32, #tpu.memory_space<hbm>>
          %dma_wait3A_399 = arith.constant 0 : i32
          %dma_wait3A_400 = tpu.memref_slice %arg4[%select_n3A, %select_n3A_32, %dma_wait3A_399] : memref<4x4096x1024xf32, #tpu.memory_space<hbm>> -> memref<1x8x1024xf32, #tpu.memory_space<hbm>>
          %dma_wait3A_401 = tpu.memref_squeeze %dma_wait3A_400 : memref<1x8x1024xf32, #tpu.memory_space<hbm>> -> memref<8x1024xf32, #tpu.memory_space<hbm>>
          tpu.wait_dma2 semaphore(%arg23 : memref<!tpu.dma_semaphore, #tpu.memory_space<semaphore_mem>>) src(%arg7 : memref<8x1024xf32, #tpu.memory_space<vmem>>) dst(%dma_wait3A_401 : memref<8x1024xf32, #tpu.memory_space<hbm>>)
        } else {
        }
        %add3A_386 = arith.constant 8 : i32
        %add3A_387 = arith.addi %add3A_187, %add3A_386 : i32
        %sub3A_388 = arith.constant 1 : i32
        %sub3A_389 = arith.subi %add3A_387, %sub3A_388 : i32
        %mul3A_390 = arith.constant 8 : i32
        %mul3A_391 = arith.muli %sub3A_389, %mul3A_390 : i32
        %dma_start3A_392 = tpu.memref_slice %arg5[%mul3A_391] : memref<512xi32, #tpu.memory_space<vmem>> -> memref<8xi32, #tpu.memory_space<vmem>>
        %dma_start3A_393 = arith.constant 0 : i32
        %dma_start3A_394 = arith.constant 0 : i32
        %dma_start3A_395 = tpu.memref_slice %arg3[%dma_start3A_393, %dma_start3A_394] : memref<100000x1024xf32, #tpu.memory_space<hbm>> -> memref<100000x1024xf32, #tpu.memory_space<hbm>>
        tpu.enqueue_indirect_dma source(%dma_start3A_395 : memref<100000x1024xf32, #tpu.memory_space<hbm>>) target(%arg7 : memref<8x1024xf32, #tpu.memory_space<vmem>>) offsets(%dma_start3A_392 : memref<8xi32, #tpu.memory_space<vmem>>) semaphore(%arg15 : memref<!tpu.dma_semaphore, #tpu.memory_space<semaphore_mem>>)
      } else {
      }
      %scan3A_202 = arith.constant 0 : i32
      %scan3A_203 = arith.constant 0 : i32
      %scan3A_204 = arith.constant 8 : i32
      %scan3A_205 = arith.addi %scan3A_203, %scan3A_204 : i32
      %scan3A_206 = arith.constant 1 : i32
      scf.for %scan3A_382 = %scan3A_203 to %scan3A_205 step %scan3A_206  : i32 {
        %scan3A_383 = arith.constant 0 : i32
        %scan3A_384 = arith.constant 64 : i32
        %scan3A_385 = arith.addi %scan3A_383, %scan3A_384 : i32
        %scan3A_386 = arith.constant 8 : i32
        scf.for %scan3A_388 = %scan3A_383 to %scan3A_385 step %scan3A_386  : i32 {
          %mul3A_389 = arith.constant 16 : i32
          %mul3A_390 = arith.muli %scan3A_388, %mul3A_389 : i32
          %get3A = arith.index_cast %scan3A_382 : i32 to index
          %get3A_391 = arith.index_cast %mul3A_390 : i32 to index
          %get3A_392 = tpu.vector_load %arg8[%get3A, %get3A_391] {strides = array<i32>} : memref<8x1024xf32, #tpu.memory_space<vmem>>, vector<1x16xf32>,
          %get3A_393 = vector.shape_cast %get3A_392 : vector<1x16xf32> to vector<16xf32>
          %mul3A_394 = arith.constant 3.200000e+01 : f32
          %mul3A_395 = vector.broadcast %mul3A_394 : f32 to vector<16xf32>
          %mul3A_396 = arith.mulf %get3A_393, %mul3A_395 : vector<16xf32>
          %swap3A = arith.index_cast %scan3A_382 : i32 to index
          %swap3A_397 = arith.index_cast %mul3A_390 : i32 to index
          %swap3A_398 = tpu.vector_load %arg8[%swap3A, %swap3A_397] {strides = array<i32>} : memref<8x1024xf32, #tpu.memory_space<vmem>>, vector<1x16xf32>,
          %swap3A_399 = vector.shape_cast %swap3A_398 : vector<1x16xf32> to vector<16xf32>
          %swap3A_400 = vector.shape_cast %mul3A_396 : vector<16xf32> to vector<1x16xf32>
          tpu.vector_store %arg8[%swap3A, %swap3A_397], %swap3A_400 {strides = array<i32>} : memref<8x1024xf32, #tpu.memory_space<vmem>>, vector<1x16xf32>,
          %scan3A_401 = arith.constant 1 : i32
          %scan3A_402 = arith.addi %scan3A_388, %scan3A_401 : i32
          %mul3A_403 = arith.constant 16 : i32
          %mul3A_404 = arith.muli %scan3A_402, %mul3A_403 : i32
          %get3A_405 = arith.index_cast %scan3A_382 : i32 to index
          %get3A_406 = arith.index_cast %mul3A_404 : i32 to index
          %get3A_407 = tpu.vector_load %arg8[%get3A_405, %get3A_406] {strides = array<i32>} : memref<8x1024xf32, #tpu.memory_space<vmem>>, vector<1x16xf32>,
          %get3A_408 = vector.shape_cast %get3A_407 : vector<1x16xf32> to vector<16xf32>
          %mul3A_409 = arith.constant 3.200000e+01 : f32
          %mul3A_410 = vector.broadcast %mul3A_409 : f32 to vector<16xf32>
          %mul3A_411 = arith.mulf %get3A_408, %mul3A_410 : vector<16xf32>
          %swap3A_412 = arith.index_cast %scan3A_382 : i32 to index
          %swap3A_413 = arith.index_cast %mul3A_404 : i32 to index
          %swap3A_414 = tpu.vector_load %arg8[%swap3A_412, %swap3A_413] {strides = array<i32>} : memref<8x1024xf32, #tpu.memory_space<vmem>>, vector<1x16xf32>,
          %swap3A_415 = vector.shape_cast %swap3A_414 : vector<1x16xf32> to vector<16xf32>
          %swap3A_416 = vector.shape_cast %mul3A_411 : vector<16xf32> to vector<1x16xf32>
          tpu.vector_store %arg8[%swap3A_412, %swap3A_413], %swap3A_416 {strides = array<i32>} : memref<8x1024xf32, #tpu.memory_space<vmem>>, vector<1x16xf32>,
          %scan3A_417 = arith.constant 2 : i32
          %scan3A_418 = arith.addi %scan3A_388, %scan3A_417 : i32
          %mul3A_419 = arith.constant 16 : i32
          %mul3A_420 = arith.muli %scan3A_418, %mul3A_419 : i32
          %get3A_421 = arith.index_cast %scan3A_382 : i32 to index
          %get3A_422 = arith.index_cast %mul3A_420 : i32 to index
          %get3A_423 = tpu.vector_load %arg8[%get3A_421, %get3A_422] {strides = array<i32>} : memref<8x1024xf32, #tpu.memory_space<vmem>>, vector<1x16xf32>,
          %get3A_424 = vector.shape_cast %get3A_423 : vector<1x16xf32> to vector<16xf32>
          %mul3A_425 = arith.constant 3.200000e+01 : f32
          %mul3A_426 = vector.broadcast %mul3A_425 : f32 to vector<16xf32>
          %mul3A_427 = arith.mulf %get3A_424, %mul3A_426 : vector<16xf32>
          %swap3A_428 = arith.index_cast %scan3A_382 : i32 to index
          %swap3A_429 = arith.index_cast %mul3A_420 : i32 to index
          %swap3A_430 = tpu.vector_load %arg8[%swap3A_428, %swap3A_429] {strides = array<i32>} : memref<8x1024xf32, #tpu.memory_space<vmem>>, vector<1x16xf32>,
          %swap3A_431 = vector.shape_cast %swap3A_430 : vector<1x16xf32> to vector<16xf32>
          %swap3A_432 = vector.shape_cast %mul3A_427 : vector<16xf32> to vector<1x16xf32>
          tpu.vector_store %arg8[%swap3A_428, %swap3A_429], %swap3A_432 {strides = array<i32>} : memref<8x1024xf32, #tpu.memory_space<vmem>>, vector<1x16xf32>,
          %scan3A_433 = arith.constant 3 : i32
          %scan3A_434 = arith.addi %scan3A_388, %scan3A_433 : i32
          %mul3A_435 = arith.constant 16 : i32
          %mul3A_436 = arith.muli %scan3A_434, %mul3A_435 : i32
          %get3A_437 = arith.index_cast %scan3A_382 : i32 to index
          %get3A_438 = arith.index_cast %mul3A_436 : i32 to index
          %get3A_439 = tpu.vector_load %arg8[%get3A_437, %get3A_438] {strides = array<i32>} : memref<8x1024xf32, #tpu.memory_space<vmem>>, vector<1x16xf32>,
          %get3A_440 = vector.shape_cast %get3A_439 : vector<1x16xf32> to vector<16xf32>
          %mul3A_441 = arith.constant 3.200000e+01 : f32
          %mul3A_442 = vector.broadcast %mul3A_441 : f32 to vector<16xf32>
          %mul3A_443 = arith.mulf %get3A_440, %mul3A_442 : vector<16xf32>
          %swap3A_444 = arith.index_cast %scan3A_382 : i32 to index
          %swap3A_445 = arith.index_cast %mul3A_436 : i32 to index
          %swap3A_446 = tpu.vector_load %arg8[%swap3A_444, %swap3A_445] {strides = array<i32>} : memref<8x1024xf32, #tpu.memory_space<vmem>>, vector<1x16xf32>,
          %swap3A_447 = vector.shape_cast %swap3A_446 : vector<1x16xf32> to vector<16xf32>
          %swap3A_448 = vector.shape_cast %mul3A_443 : vector<16xf32> to vector<1x16xf32>
          tpu.vector_store %arg8[%swap3A_444, %swap3A_445], %swap3A_448 {strides = array<i32>} : memref<8x1024xf32, #tpu.memory_space<vmem>>, vector<1x16xf32>,
          %scan3A_449 = arith.constant 4 : i32
          %scan3A_450 = arith.addi %scan3A_388, %scan3A_449 : i32
          %mul3A_451 = arith.constant 16 : i32
          %mul3A_452 = arith.muli %scan3A_450, %mul3A_451 : i32
          %get3A_453 = arith.index_cast %scan3A_382 : i32 to index
          %get3A_454 = arith.index_cast %mul3A_452 : i32 to index
          %get3A_455 = tpu.vector_load %arg8[%get3A_453, %get3A_454] {strides = array<i32>} : memref<8x1024xf32, #tpu.memory_space<vmem>>, vector<1x16xf32>,
          %get3A_456 = vector.shape_cast %get3A_455 : vector<1x16xf32> to vector<16xf32>
          %mul3A_457 = arith.constant 3.200000e+01 : f32
          %mul3A_458 = vector.broadcast %mul3A_457 : f32 to vector<16xf32>
          %mul3A_459 = arith.mulf %get3A_456, %mul3A_458 : vector<16xf32>
          %swap3A_460 = arith.index_cast %scan3A_382 : i32 to index
          %swap3A_461 = arith.index_cast %mul3A_452 : i32 to index
          %swap3A_462 = tpu.vector_load %arg8[%swap3A_460, %swap3A_461] {strides = array<i32>} : memref<8x1024xf32, #tpu.memory_space<vmem>>, vector<1x16xf32>,
          %swap3A_463 = vector.shape_cast %swap3A_462 : vector<1x16xf32> to vector<16xf32>
          %swap3A_464 = vector.shape_cast %mul3A_459 : vector<16xf32> to vector<1x16xf32>
          tpu.vector_store %arg8[%swap3A_460, %swap3A_461], %swap3A_464 {strides = array<i32>} : memref<8x1024xf32, #tpu.memory_space<vmem>>, vector<1x16xf32>,
          %scan3A_465 = arith.constant 5 : i32
          %scan3A_466 = arith.addi %scan3A_388, %scan3A_465 : i32
          %mul3A_467 = arith.constant 16 : i32
          %mul3A_468 = arith.muli %scan3A_466, %mul3A_467 : i32
          %get3A_469 = arith.index_cast %scan3A_382 : i32 to index
          %get3A_470 = arith.index_cast %mul3A_468 : i32 to index
          %get3A_471 = tpu.vector_load %arg8[%get3A_469, %get3A_470] {strides = array<i32>} : memref<8x1024xf32, #tpu.memory_space<vmem>>, vector<1x16xf32>,
          %get3A_472 = vector.shape_cast %get3A_471 : vector<1x16xf32> to vector<16xf32>
          %mul3A_473 = arith.constant 3.200000e+01 : f32
          %mul3A_474 = vector.broadcast %mul3A_473 : f32 to vector<16xf32>
          %mul3A_475 = arith.mulf %get3A_472, %mul3A_474 : vector<16xf32>
          %swap3A_476 = arith.index_cast %scan3A_382 : i32 to index
          %swap3A_477 = arith.index_cast %mul3A_468 : i32 to index
          %swap3A_478 = tpu.vector_load %arg8[%swap3A_476, %swap3A_477] {strides = array<i32>} : memref<8x1024xf32, #tpu.memory_space<vmem>>, vector<1x16xf32>,
          %swap3A_479 = vector.shape_cast %swap3A_478 : vector<1x16xf32> to vector<16xf32>
          %swap3A_480 = vector.shape_cast %mul3A_475 : vector<16xf32> to vector<1x16xf32>
          tpu.vector_store %arg8[%swap3A_476, %swap3A_477], %swap3A_480 {strides = array<i32>} : memref<8x1024xf32, #tpu.memory_space<vmem>>, vector<1x16xf32>,
          %scan3A_481 = arith.constant 6 : i32
          %scan3A_482 = arith.addi %scan3A_388, %scan3A_481 : i32
          %mul3A_483 = arith.constant 16 : i32
          %mul3A_484 = arith.muli %scan3A_482, %mul3A_483 : i32
          %get3A_485 = arith.index_cast %scan3A_382 : i32 to index
          %get3A_486 = arith.index_cast %mul3A_484 : i32 to index
          %get3A_487 = tpu.vector_load %arg8[%get3A_485, %get3A_486] {strides = array<i32>} : memref<8x1024xf32, #tpu.memory_space<vmem>>, vector<1x16xf32>,
          %get3A_488 = vector.shape_cast %get3A_487 : vector<1x16xf32> to vector<16xf32>
          %mul3A_489 = arith.constant 3.200000e+01 : f32
          %mul3A_490 = vector.broadcast %mul3A_489 : f32 to vector<16xf32>
          %mul3A_491 = arith.mulf %get3A_488, %mul3A_490 : vector<16xf32>
          %swap3A_492 = arith.index_cast %scan3A_382 : i32 to index
          %swap3A_493 = arith.index_cast %mul3A_484 : i32 to index
          %swap3A_494 = tpu.vector_load %arg8[%swap3A_492, %swap3A_493] {strides = array<i32>} : memref<8x1024xf32, #tpu.memory_space<vmem>>, vector<1x16xf32>,
          %swap3A_495 = vector.shape_cast %swap3A_494 : vector<1x16xf32> to vector<16xf32>
          %swap3A_496 = vector.shape_cast %mul3A_491 : vector<16xf32> to vector<1x16xf32>
          tpu.vector_store %arg8[%swap3A_492, %swap3A_493], %swap3A_496 {strides = array<i32>} : memref<8x1024xf32, #tpu.memory_space<vmem>>, vector<1x16xf32>,
          %scan3A_497 = arith.constant 7 : i32
          %scan3A_498 = arith.addi %scan3A_388, %scan3A_497 : i32
          %mul3A_499 = arith.constant 16 : i32
          %mul3A_500 = arith.muli %scan3A_498, %mul3A_499 : i32
          %get3A_501 = arith.index_cast %scan3A_382 : i32 to index
          %get3A_502 = arith.index_cast %mul3A_500 : i32 to index
          %get3A_503 = tpu.vector_load %arg8[%get3A_501, %get3A_502] {strides = array<i32>} : memref<8x1024xf32, #tpu.memory_space<vmem>>, vector<1x16xf32>,
          %get3A_504 = vector.shape_cast %get3A_503 : vector<1x16xf32> to vector<16xf32>
          %mul3A_505 = arith.constant 3.200000e+01 : f32
          %mul3A_506 = vector.broadcast %mul3A_505 : f32 to vector<16xf32>
          %mul3A_507 = arith.mulf %get3A_504, %mul3A_506 : vector<16xf32>
          %swap3A_508 = arith.index_cast %scan3A_382 : i32 to index
          %swap3A_509 = arith.index_cast %mul3A_500 : i32 to index
          %swap3A_510 = tpu.vector_load %arg8[%swap3A_508, %swap3A_509] {strides = array<i32>} : memref<8x1024xf32, #tpu.memory_space<vmem>>, vector<1x16xf32>,
          %swap3A_511 = vector.shape_cast %swap3A_510 : vector<1x16xf32> to vector<16xf32>
          %swap3A_512 = vector.shape_cast %mul3A_507 : vector<16xf32> to vector<1x16xf32>
          tpu.vector_store %arg8[%swap3A_508, %swap3A_509], %swap3A_512 {strides = array<i32>} : memref<8x1024xf32, #tpu.memory_space<vmem>>, vector<1x16xf32>,
        }
        %scan3A_387 = arith.constant 64 : i32
      }
      %scan3A_207 = arith.constant 8 : i32
      %mul3A_208 = arith.constant 8 : i32
      %mul3A_209 = arith.muli %add3A_187, %mul3A_208 : i32
      %add3A_210 = arith.addi %select_n3A_32, %mul3A_209 : i32
      %dma_start3A_211 = arith.constant 0 : i32
      %dma_start3A_212 = tpu.memref_slice %arg4[%select_n3A, %add3A_210, %dma_start3A_211] : memref<4x4096x1024xf32, #tpu.memory_space<hbm>> -> memref<1x8x1024xf32, #tpu.memory_space<hbm>>
      %dma_start3A_213 = tpu.memref_squeeze %dma_start3A_212 : memref<1x8x1024xf32, #tpu.memory_space<hbm>> -> memref<8x1024xf32, #tpu.memory_space<hbm>>
      %dma_start3A_214 = arith.constant 0 : i32
      %dma_start3A_215 = tpu.memref_slice %arg4[%select_n3A, %add3A_210, %dma_start3A_214] : memref<4x4096x1024xf32, #tpu.memory_space<hbm>> -> memref<1x8x1024xf32, #tpu.memory_space<hbm>>
      %dma_start3A_216 = tpu.memref_squeeze %dma_start3A_215 : memref<1x8x1024xf32, #tpu.memory_space<hbm>> -> memref<8x1024xf32, #tpu.memory_space<hbm>>
      tpu.enqueue_dma source(%arg8 : memref<8x1024xf32, #tpu.memory_space<vmem>>) target(%dma_start3A_216 : memref<8x1024xf32, #tpu.memory_space<hbm>>) target_semaphore(%arg24 : memref<!tpu.dma_semaphore, #tpu.memory_space<semaphore_mem>>)
      %mul3A_217 = arith.constant 8 : i32
      %mul3A_218 = arith.muli %scan3A_119, %mul3A_217 : i32
      %add3A_219 = arith.constant 3 : i32
      %add3A_220 = arith.addi %mul3A_218, %add3A_219 : i32
      %dma_wait3A_221 = arith.constant 0 : i32
      %dma_wait3A_222 = tpu.memref_slice %arg5[%dma_wait3A_221] : memref<512xi32, #tpu.memory_space<vmem>> -> memref<8xi32, #tpu.memory_space<vmem>>
      %dma_wait3A_223 = arith.constant 0 : i32
      %dma_wait3A_224 = arith.constant 0 : i32
      %dma_wait3A_225 = tpu.memref_slice %arg3[%dma_wait3A_223, %dma_wait3A_224] : memref<100000x1024xf32, #tpu.memory_space<hbm>> -> memref<100000x1024xf32, #tpu.memory_space<hbm>>
      tpu.wait_indirect_dma semaphore(%arg17 : memref<!tpu.dma_semaphore, #tpu.memory_space<semaphore_mem>>) src(%dma_wait3A_225 : memref<100000x1024xf32, #tpu.memory_space<hbm>>) dst(%arg9 : memref<8x1024xf32, #tpu.memory_space<vmem>>)
      %add3A_226 = arith.constant 8 : i32
      %add3A_227 = arith.addi %add3A_220, %add3A_226 : i32
      %sub3A_228 = arith.constant 1 : i32
      %sub3A_229 = arith.subi %add3A_227, %sub3A_228 : i32
      %lt3A_230 = arith.constant 64 : i32
      %lt3A_231 = arith.cmpi slt, %sub3A_229, %lt3A_230 : i32
      %convert_element_type3A_232 = arith.extui %lt3A_231 : i1 to i32
      %cond3A_233 = arith.constant 0 : i32
      %cond3A_234 = arith.cmpi ne, %convert_element_type3A_232, %cond3A_233 : i32
      scf.if %cond3A_234 {
        %ge3A = arith.constant 1 : i32
        %ge3A_382 = arith.cmpi sge, %add3A_220, %ge3A : i32
        %convert_element_type3A_383 = arith.extui %ge3A_382 : i1 to i32
        %cond3A_384 = arith.constant 0 : i32
        %cond3A_385 = arith.cmpi ne, %convert_element_type3A_383, %cond3A_384 : i32
        scf.if %cond3A_385 {
          %dma_wait3A_396 = arith.constant 0 : i32
          %dma_wait3A_397 = tpu.memref_slice %arg4[%select_n3A, %select_n3A_32, %dma_wait3A_396] : memref<4x4096x1024xf32, #tpu.memory_space<hbm>> -> memref<1x8x1024xf32, #tpu.memory_space<hbm>>
          %dma_wait3A_398 = tpu.memref_squeeze %dma_wait3A_397 : memref<1x8x1024xf32, #tpu.memory_space<hbm>> -> memref<8x1024xf32, #tpu.memory_space<hbm>>
          %dma_wait3A_399 = arith.constant 0 : i32
          %dma_wait3A_400 = tpu.memref_slice %arg4[%select_n3A, %select_n3A_32, %dma_wait3A_399] : memref<4x4096x1024xf32, #tpu.memory_space<hbm>> -> memref<1x8x1024xf32, #tpu.memory_space<hbm>>
          %dma_wait3A_401 = tpu.memref_squeeze %dma_wait3A_400 : memref<1x8x1024xf32, #tpu.memory_space<hbm>> -> memref<8x1024xf32, #tpu.memory_space<hbm>>
          tpu.wait_dma2 semaphore(%arg24 : memref<!tpu.dma_semaphore, #tpu.memory_space<semaphore_mem>>) src(%arg8 : memref<8x1024xf32, #tpu.memory_space<vmem>>) dst(%dma_wait3A_401 : memref<8x1024xf32, #tpu.memory_space<hbm>>)
        } else {
        }
        %add3A_386 = arith.constant 8 : i32
        %add3A_387 = arith.addi %add3A_220, %add3A_386 : i32
        %sub3A_388 = arith.constant 1 : i32
        %sub3A_389 = arith.subi %add3A_387, %sub3A_388 : i32
        %mul3A_390 = arith.constant 8 : i32
        %mul3A_391 = arith.muli %sub3A_389, %mul3A_390 : i32
        %dma_start3A_392 = tpu.memref_slice %arg5[%mul3A_391] : memref<512xi32, #tpu.memory_space<vmem>> -> memref<8xi32, #tpu.memory_space<vmem>>
        %dma_start3A_393 = arith.constant 0 : i32
        %dma_start3A_394 = arith.constant 0 : i32
        %dma_start3A_395 = tpu.memref_slice %arg3[%dma_start3A_393, %dma_start3A_394] : memref<100000x1024xf32, #tpu.memory_space<hbm>> -> memref<100000x1024xf32, #tpu.memory_space<hbm>>
        tpu.enqueue_indirect_dma source(%dma_start3A_395 : memref<100000x1024xf32, #tpu.memory_space<hbm>>) target(%arg8 : memref<8x1024xf32, #tpu.memory_space<vmem>>) offsets(%dma_start3A_392 : memref<8xi32, #tpu.memory_space<vmem>>) semaphore(%arg16 : memref<!tpu.dma_semaphore, #tpu.memory_space<semaphore_mem>>)
      } else {
      }
      %scan3A_235 = arith.constant 0 : i32
      %scan3A_236 = arith.constant 0 : i32
      %scan3A_237 = arith.constant 8 : i32
      %scan3A_238 = arith.addi %scan3A_236, %scan3A_237 : i32
      %scan3A_239 = arith.constant 1 : i32
      scf.for %scan3A_382 = %scan3A_236 to %scan3A_238 step %scan3A_239  : i32 {
        %scan3A_383 = arith.constant 0 : i32
        %scan3A_384 = arith.constant 64 : i32
        %scan3A_385 = arith.addi %scan3A_383, %scan3A_384 : i32
        %scan3A_386 = arith.constant 8 : i32
        scf.for %scan3A_388 = %scan3A_383 to %scan3A_385 step %scan3A_386  : i32 {
          %mul3A_389 = arith.constant 16 : i32
          %mul3A_390 = arith.muli %scan3A_388, %mul3A_389 : i32
          %get3A = arith.index_cast %scan3A_382 : i32 to index
          %get3A_391 = arith.index_cast %mul3A_390 : i32 to index
          %get3A_392 = tpu.vector_load %arg9[%get3A, %get3A_391] {strides = array<i32>} : memref<8x1024xf32, #tpu.memory_space<vmem>>, vector<1x16xf32>,
          %get3A_393 = vector.shape_cast %get3A_392 : vector<1x16xf32> to vector<16xf32>
          %mul3A_394 = arith.constant 3.200000e+01 : f32
          %mul3A_395 = vector.broadcast %mul3A_394 : f32 to vector<16xf32>
          %mul3A_396 = arith.mulf %get3A_393, %mul3A_395 : vector<16xf32>
          %swap3A = arith.index_cast %scan3A_382 : i32 to index
          %swap3A_397 = arith.index_cast %mul3A_390 : i32 to index
          %swap3A_398 = tpu.vector_load %arg9[%swap3A, %swap3A_397] {strides = array<i32>} : memref<8x1024xf32, #tpu.memory_space<vmem>>, vector<1x16xf32>,
          %swap3A_399 = vector.shape_cast %swap3A_398 : vector<1x16xf32> to vector<16xf32>
          %swap3A_400 = vector.shape_cast %mul3A_396 : vector<16xf32> to vector<1x16xf32>
          tpu.vector_store %arg9[%swap3A, %swap3A_397], %swap3A_400 {strides = array<i32>} : memref<8x1024xf32, #tpu.memory_space<vmem>>, vector<1x16xf32>,
          %scan3A_401 = arith.constant 1 : i32
          %scan3A_402 = arith.addi %scan3A_388, %scan3A_401 : i32
          %mul3A_403 = arith.constant 16 : i32
          %mul3A_404 = arith.muli %scan3A_402, %mul3A_403 : i32
          %get3A_405 = arith.index_cast %scan3A_382 : i32 to index
          %get3A_406 = arith.index_cast %mul3A_404 : i32 to index
          %get3A_407 = tpu.vector_load %arg9[%get3A_405, %get3A_406] {strides = array<i32>} : memref<8x1024xf32, #tpu.memory_space<vmem>>, vector<1x16xf32>,
          %get3A_408 = vector.shape_cast %get3A_407 : vector<1x16xf32> to vector<16xf32>
          %mul3A_409 = arith.constant 3.200000e+01 : f32
          %mul3A_410 = vector.broadcast %mul3A_409 : f32 to vector<16xf32>
          %mul3A_411 = arith.mulf %get3A_408, %mul3A_410 : vector<16xf32>
          %swap3A_412 = arith.index_cast %scan3A_382 : i32 to index
          %swap3A_413 = arith.index_cast %mul3A_404 : i32 to index
          %swap3A_414 = tpu.vector_load %arg9[%swap3A_412, %swap3A_413] {strides = array<i32>} : memref<8x1024xf32, #tpu.memory_space<vmem>>, vector<1x16xf32>,
          %swap3A_415 = vector.shape_cast %swap3A_414 : vector<1x16xf32> to vector<16xf32>
          %swap3A_416 = vector.shape_cast %mul3A_411 : vector<16xf32> to vector<1x16xf32>
          tpu.vector_store %arg9[%swap3A_412, %swap3A_413], %swap3A_416 {strides = array<i32>} : memref<8x1024xf32, #tpu.memory_space<vmem>>, vector<1x16xf32>,
          %scan3A_417 = arith.constant 2 : i32
          %scan3A_418 = arith.addi %scan3A_388, %scan3A_417 : i32
          %mul3A_419 = arith.constant 16 : i32
          %mul3A_420 = arith.muli %scan3A_418, %mul3A_419 : i32
          %get3A_421 = arith.index_cast %scan3A_382 : i32 to index
          %get3A_422 = arith.index_cast %mul3A_420 : i32 to index
          %get3A_423 = tpu.vector_load %arg9[%get3A_421, %get3A_422] {strides = array<i32>} : memref<8x1024xf32, #tpu.memory_space<vmem>>, vector<1x16xf32>,
          %get3A_424 = vector.shape_cast %get3A_423 : vector<1x16xf32> to vector<16xf32>
          %mul3A_425 = arith.constant 3.200000e+01 : f32
          %mul3A_426 = vector.broadcast %mul3A_425 : f32 to vector<16xf32>
          %mul3A_427 = arith.mulf %get3A_424, %mul3A_426 : vector<16xf32>
          %swap3A_428 = arith.index_cast %scan3A_382 : i32 to index
          %swap3A_429 = arith.index_cast %mul3A_420 : i32 to index
          %swap3A_430 = tpu.vector_load %arg9[%swap3A_428, %swap3A_429] {strides = array<i32>} : memref<8x1024xf32, #tpu.memory_space<vmem>>, vector<1x16xf32>,
          %swap3A_431 = vector.shape_cast %swap3A_430 : vector<1x16xf32> to vector<16xf32>
          %swap3A_432 = vector.shape_cast %mul3A_427 : vector<16xf32> to vector<1x16xf32>
          tpu.vector_store %arg9[%swap3A_428, %swap3A_429], %swap3A_432 {strides = array<i32>} : memref<8x1024xf32, #tpu.memory_space<vmem>>, vector<1x16xf32>,
          %scan3A_433 = arith.constant 3 : i32
          %scan3A_434 = arith.addi %scan3A_388, %scan3A_433 : i32
          %mul3A_435 = arith.constant 16 : i32
          %mul3A_436 = arith.muli %scan3A_434, %mul3A_435 : i32
          %get3A_437 = arith.index_cast %scan3A_382 : i32 to index
          %get3A_438 = arith.index_cast %mul3A_436 : i32 to index
          %get3A_439 = tpu.vector_load %arg9[%get3A_437, %get3A_438] {strides = array<i32>} : memref<8x1024xf32, #tpu.memory_space<vmem>>, vector<1x16xf32>,
          %get3A_440 = vector.shape_cast %get3A_439 : vector<1x16xf32> to vector<16xf32>
          %mul3A_441 = arith.constant 3.200000e+01 : f32
          %mul3A_442 = vector.broadcast %mul3A_441 : f32 to vector<16xf32>
          %mul3A_443 = arith.mulf %get3A_440, %mul3A_442 : vector<16xf32>
          %swap3A_444 = arith.index_cast %scan3A_382 : i32 to index
          %swap3A_445 = arith.index_cast %mul3A_436 : i32 to index
          %swap3A_446 = tpu.vector_load %arg9[%swap3A_444, %swap3A_445] {strides = array<i32>} : memref<8x1024xf32, #tpu.memory_space<vmem>>, vector<1x16xf32>,
          %swap3A_447 = vector.shape_cast %swap3A_446 : vector<1x16xf32> to vector<16xf32>
          %swap3A_448 = vector.shape_cast %mul3A_443 : vector<16xf32> to vector<1x16xf32>
          tpu.vector_store %arg9[%swap3A_444, %swap3A_445], %swap3A_448 {strides = array<i32>} : memref<8x1024xf32, #tpu.memory_space<vmem>>, vector<1x16xf32>,
          %scan3A_449 = arith.constant 4 : i32
          %scan3A_450 = arith.addi %scan3A_388, %scan3A_449 : i32
          %mul3A_451 = arith.constant 16 : i32
          %mul3A_452 = arith.muli %scan3A_450, %mul3A_451 : i32
          %get3A_453 = arith.index_cast %scan3A_382 : i32 to index
          %get3A_454 = arith.index_cast %mul3A_452 : i32 to index
          %get3A_455 = tpu.vector_load %arg9[%get3A_453, %get3A_454] {strides = array<i32>} : memref<8x1024xf32, #tpu.memory_space<vmem>>, vector<1x16xf32>,
          %get3A_456 = vector.shape_cast %get3A_455 : vector<1x16xf32> to vector<16xf32>
          %mul3A_457 = arith.constant 3.200000e+01 : f32
          %mul3A_458 = vector.broadcast %mul3A_457 : f32 to vector<16xf32>
          %mul3A_459 = arith.mulf %get3A_456, %mul3A_458 : vector<16xf32>
          %swap3A_460 = arith.index_cast %scan3A_382 : i32 to index
          %swap3A_461 = arith.index_cast %mul3A_452 : i32 to index
          %swap3A_462 = tpu.vector_load %arg9[%swap3A_460, %swap3A_461] {strides = array<i32>} : memref<8x1024xf32, #tpu.memory_space<vmem>>, vector<1x16xf32>,
          %swap3A_463 = vector.shape_cast %swap3A_462 : vector<1x16xf32> to vector<16xf32>
          %swap3A_464 = vector.shape_cast %mul3A_459 : vector<16xf32> to vector<1x16xf32>
          tpu.vector_store %arg9[%swap3A_460, %swap3A_461], %swap3A_464 {strides = array<i32>} : memref<8x1024xf32, #tpu.memory_space<vmem>>, vector<1x16xf32>,
          %scan3A_465 = arith.constant 5 : i32
          %scan3A_466 = arith.addi %scan3A_388, %scan3A_465 : i32
          %mul3A_467 = arith.constant 16 : i32
          %mul3A_468 = arith.muli %scan3A_466, %mul3A_467 : i32
          %get3A_469 = arith.index_cast %scan3A_382 : i32 to index
          %get3A_470 = arith.index_cast %mul3A_468 : i32 to index
          %get3A_471 = tpu.vector_load %arg9[%get3A_469, %get3A_470] {strides = array<i32>} : memref<8x1024xf32, #tpu.memory_space<vmem>>, vector<1x16xf32>,
          %get3A_472 = vector.shape_cast %get3A_471 : vector<1x16xf32> to vector<16xf32>
          %mul3A_473 = arith.constant 3.200000e+01 : f32
          %mul3A_474 = vector.broadcast %mul3A_473 : f32 to vector<16xf32>
          %mul3A_475 = arith.mulf %get3A_472, %mul3A_474 : vector<16xf32>
          %swap3A_476 = arith.index_cast %scan3A_382 : i32 to index
          %swap3A_477 = arith.index_cast %mul3A_468 : i32 to index
          %swap3A_478 = tpu.vector_load %arg9[%swap3A_476, %swap3A_477] {strides = array<i32>} : memref<8x1024xf32, #tpu.memory_space<vmem>>, vector<1x16xf32>,
          %swap3A_479 = vector.shape_cast %swap3A_478 : vector<1x16xf32> to vector<16xf32>
          %swap3A_480 = vector.shape_cast %mul3A_475 : vector<16xf32> to vector<1x16xf32>
          tpu.vector_store %arg9[%swap3A_476, %swap3A_477], %swap3A_480 {strides = array<i32>} : memref<8x1024xf32, #tpu.memory_space<vmem>>, vector<1x16xf32>,
          %scan3A_481 = arith.constant 6 : i32
          %scan3A_482 = arith.addi %scan3A_388, %scan3A_481 : i32
          %mul3A_483 = arith.constant 16 : i32
          %mul3A_484 = arith.muli %scan3A_482, %mul3A_483 : i32
          %get3A_485 = arith.index_cast %scan3A_382 : i32 to index
          %get3A_486 = arith.index_cast %mul3A_484 : i32 to index
          %get3A_487 = tpu.vector_load %arg9[%get3A_485, %get3A_486] {strides = array<i32>} : memref<8x1024xf32, #tpu.memory_space<vmem>>, vector<1x16xf32>,
          %get3A_488 = vector.shape_cast %get3A_487 : vector<1x16xf32> to vector<16xf32>
          %mul3A_489 = arith.constant 3.200000e+01 : f32
          %mul3A_490 = vector.broadcast %mul3A_489 : f32 to vector<16xf32>
          %mul3A_491 = arith.mulf %get3A_488, %mul3A_490 : vector<16xf32>
          %swap3A_492 = arith.index_cast %scan3A_382 : i32 to index
          %swap3A_493 = arith.index_cast %mul3A_484 : i32 to index
          %swap3A_494 = tpu.vector_load %arg9[%swap3A_492, %swap3A_493] {strides = array<i32>} : memref<8x1024xf32, #tpu.memory_space<vmem>>, vector<1x16xf32>,
          %swap3A_495 = vector.shape_cast %swap3A_494 : vector<1x16xf32> to vector<16xf32>
          %swap3A_496 = vector.shape_cast %mul3A_491 : vector<16xf32> to vector<1x16xf32>
          tpu.vector_store %arg9[%swap3A_492, %swap3A_493], %swap3A_496 {strides = array<i32>} : memref<8x1024xf32, #tpu.memory_space<vmem>>, vector<1x16xf32>,
          %scan3A_497 = arith.constant 7 : i32
          %scan3A_498 = arith.addi %scan3A_388, %scan3A_497 : i32
          %mul3A_499 = arith.constant 16 : i32
          %mul3A_500 = arith.muli %scan3A_498, %mul3A_499 : i32
          %get3A_501 = arith.index_cast %scan3A_382 : i32 to index
          %get3A_502 = arith.index_cast %mul3A_500 : i32 to index
          %get3A_503 = tpu.vector_load %arg9[%get3A_501, %get3A_502] {strides = array<i32>} : memref<8x1024xf32, #tpu.memory_space<vmem>>, vector<1x16xf32>,
          %get3A_504 = vector.shape_cast %get3A_503 : vector<1x16xf32> to vector<16xf32>
          %mul3A_505 = arith.constant 3.200000e+01 : f32
          %mul3A_506 = vector.broadcast %mul3A_505 : f32 to vector<16xf32>
          %mul3A_507 = arith.mulf %get3A_504, %mul3A_506 : vector<16xf32>
          %swap3A_508 = arith.index_cast %scan3A_382 : i32 to index
          %swap3A_509 = arith.index_cast %mul3A_500 : i32 to index
          %swap3A_510 = tpu.vector_load %arg9[%swap3A_508, %swap3A_509] {strides = array<i32>} : memref<8x1024xf32, #tpu.memory_space<vmem>>, vector<1x16xf32>,
          %swap3A_511 = vector.shape_cast %swap3A_510 : vector<1x16xf32> to vector<16xf32>
          %swap3A_512 = vector.shape_cast %mul3A_507 : vector<16xf32> to vector<1x16xf32>
          tpu.vector_store %arg9[%swap3A_508, %swap3A_509], %swap3A_512 {strides = array<i32>} : memref<8x1024xf32, #tpu.memory_space<vmem>>, vector<1x16xf32>,
        }
        %scan3A_387 = arith.constant 64 : i32
      }
      %scan3A_240 = arith.constant 8 : i32
      %mul3A_241 = arith.constant 8 : i32
      %mul3A_242 = arith.muli %add3A_220, %mul3A_241 : i32
      %add3A_243 = arith.addi %select_n3A_32, %mul3A_242 : i32
      %dma_start3A_244 = arith.constant 0 : i32
      %dma_start3A_245 = tpu.memref_slice %arg4[%select_n3A, %add3A_243, %dma_start3A_244] : memref<4x4096x1024xf32, #tpu.memory_space<hbm>> -> memref<1x8x1024xf32, #tpu.memory_space<hbm>>
      %dma_start3A_246 = tpu.memref_squeeze %dma_start3A_245 : memref<1x8x1024xf32, #tpu.memory_space<hbm>> -> memref<8x1024xf32, #tpu.memory_space<hbm>>
      %dma_start3A_247 = arith.constant 0 : i32
      %dma_start3A_248 = tpu.memref_slice %arg4[%select_n3A, %add3A_243, %dma_start3A_247] : memref<4x4096x1024xf32, #tpu.memory_space<hbm>> -> memref<1x8x1024xf32, #tpu.memory_space<hbm>>
      %dma_start3A_249 = tpu.memref_squeeze %dma_start3A_248 : memref<1x8x1024xf32, #tpu.memory_space<hbm>> -> memref<8x1024xf32, #tpu.memory_space<hbm>>
      tpu.enqueue_dma source(%arg9 : memref<8x1024xf32, #tpu.memory_space<vmem>>) target(%dma_start3A_249 : memref<8x1024xf32, #tpu.memory_space<hbm>>) target_semaphore(%arg25 : memref<!tpu.dma_semaphore, #tpu.memory_space<semaphore_mem>>)
      %mul3A_250 = arith.constant 8 : i32
      %mul3A_251 = arith.muli %scan3A_119, %mul3A_250 : i32
      %add3A_252 = arith.constant 4 : i32
      %add3A_253 = arith.addi %mul3A_251, %add3A_252 : i32
      %dma_wait3A_254 = arith.constant 0 : i32
      %dma_wait3A_255 = tpu.memref_slice %arg5[%dma_wait3A_254] : memref<512xi32, #tpu.memory_space<vmem>> -> memref<8xi32, #tpu.memory_space<vmem>>
      %dma_wait3A_256 = arith.constant 0 : i32
      %dma_wait3A_257 = arith.constant 0 : i32
      %dma_wait3A_258 = tpu.memref_slice %arg3[%dma_wait3A_256, %dma_wait3A_257] : memref<100000x1024xf32, #tpu.memory_space<hbm>> -> memref<100000x1024xf32, #tpu.memory_space<hbm>>
      tpu.wait_indirect_dma semaphore(%arg18 : memref<!tpu.dma_semaphore, #tpu.memory_space<semaphore_mem>>) src(%dma_wait3A_258 : memref<100000x1024xf32, #tpu.memory_space<hbm>>) dst(%arg10 : memref<8x1024xf32, #tpu.memory_space<vmem>>)
      %add3A_259 = arith.constant 8 : i32
      %add3A_260 = arith.addi %add3A_253, %add3A_259 : i32
      %sub3A_261 = arith.constant 1 : i32
      %sub3A_262 = arith.subi %add3A_260, %sub3A_261 : i32
      %lt3A_263 = arith.constant 64 : i32
      %lt3A_264 = arith.cmpi slt, %sub3A_262, %lt3A_263 : i32
      %convert_element_type3A_265 = arith.extui %lt3A_264 : i1 to i32
      %cond3A_266 = arith.constant 0 : i32
      %cond3A_267 = arith.cmpi ne, %convert_element_type3A_265, %cond3A_266 : i32
      scf.if %cond3A_267 {
        %ge3A = arith.constant 1 : i32
        %ge3A_382 = arith.cmpi sge, %add3A_253, %ge3A : i32
        %convert_element_type3A_383 = arith.extui %ge3A_382 : i1 to i32
        %cond3A_384 = arith.constant 0 : i32
        %cond3A_385 = arith.cmpi ne, %convert_element_type3A_383, %cond3A_384 : i32
        scf.if %cond3A_385 {
          %dma_wait3A_396 = arith.constant 0 : i32
          %dma_wait3A_397 = tpu.memref_slice %arg4[%select_n3A, %select_n3A_32, %dma_wait3A_396] : memref<4x4096x1024xf32, #tpu.memory_space<hbm>> -> memref<1x8x1024xf32, #tpu.memory_space<hbm>>
          %dma_wait3A_398 = tpu.memref_squeeze %dma_wait3A_397 : memref<1x8x1024xf32, #tpu.memory_space<hbm>> -> memref<8x1024xf32, #tpu.memory_space<hbm>>
          %dma_wait3A_399 = arith.constant 0 : i32
          %dma_wait3A_400 = tpu.memref_slice %arg4[%select_n3A, %select_n3A_32, %dma_wait3A_399] : memref<4x4096x1024xf32, #tpu.memory_space<hbm>> -> memref<1x8x1024xf32, #tpu.memory_space<hbm>>
          %dma_wait3A_401 = tpu.memref_squeeze %dma_wait3A_400 : memref<1x8x1024xf32, #tpu.memory_space<hbm>> -> memref<8x1024xf32, #tpu.memory_space<hbm>>
          tpu.wait_dma2 semaphore(%arg25 : memref<!tpu.dma_semaphore, #tpu.memory_space<semaphore_mem>>) src(%arg9 : memref<8x1024xf32, #tpu.memory_space<vmem>>) dst(%dma_wait3A_401 : memref<8x1024xf32, #tpu.memory_space<hbm>>)
        } else {
        }
        %add3A_386 = arith.constant 8 : i32
        %add3A_387 = arith.addi %add3A_253, %add3A_386 : i32
        %sub3A_388 = arith.constant 1 : i32
        %sub3A_389 = arith.subi %add3A_387, %sub3A_388 : i32
        %mul3A_390 = arith.constant 8 : i32
        %mul3A_391 = arith.muli %sub3A_389, %mul3A_390 : i32
        %dma_start3A_392 = tpu.memref_slice %arg5[%mul3A_391] : memref<512xi32, #tpu.memory_space<vmem>> -> memref<8xi32, #tpu.memory_space<vmem>>
        %dma_start3A_393 = arith.constant 0 : i32
        %dma_start3A_394 = arith.constant 0 : i32
        %dma_start3A_395 = tpu.memref_slice %arg3[%dma_start3A_393, %dma_start3A_394] : memref<100000x1024xf32, #tpu.memory_space<hbm>> -> memref<100000x1024xf32, #tpu.memory_space<hbm>>
        tpu.enqueue_indirect_dma source(%dma_start3A_395 : memref<100000x1024xf32, #tpu.memory_space<hbm>>) target(%arg9 : memref<8x1024xf32, #tpu.memory_space<vmem>>) offsets(%dma_start3A_392 : memref<8xi32, #tpu.memory_space<vmem>>) semaphore(%arg17 : memref<!tpu.dma_semaphore, #tpu.memory_space<semaphore_mem>>)
      } else {
      }
      %scan3A_268 = arith.constant 0 : i32
      %scan3A_269 = arith.constant 0 : i32
      %scan3A_270 = arith.constant 8 : i32
      %scan3A_271 = arith.addi %scan3A_269, %scan3A_270 : i32
      %scan3A_272 = arith.constant 1 : i32
      scf.for %scan3A_382 = %scan3A_269 to %scan3A_271 step %scan3A_272  : i32 {
        %scan3A_383 = arith.constant 0 : i32
        %scan3A_384 = arith.constant 64 : i32
        %scan3A_385 = arith.addi %scan3A_383, %scan3A_384 : i32
        %scan3A_386 = arith.constant 8 : i32
        scf.for %scan3A_388 = %scan3A_383 to %scan3A_385 step %scan3A_386  : i32 {
          %mul3A_389 = arith.constant 16 : i32
          %mul3A_390 = arith.muli %scan3A_388, %mul3A_389 : i32
          %get3A = arith.index_cast %scan3A_382 : i32 to index
          %get3A_391 = arith.index_cast %mul3A_390 : i32 to index
          %get3A_392 = tpu.vector_load %arg10[%get3A, %get3A_391] {strides = array<i32>} : memref<8x1024xf32, #tpu.memory_space<vmem>>, vector<1x16xf32>,
          %get3A_393 = vector.shape_cast %get3A_392 : vector<1x16xf32> to vector<16xf32>
          %mul3A_394 = arith.constant 3.200000e+01 : f32
          %mul3A_395 = vector.broadcast %mul3A_394 : f32 to vector<16xf32>
          %mul3A_396 = arith.mulf %get3A_393, %mul3A_395 : vector<16xf32>
          %swap3A = arith.index_cast %scan3A_382 : i32 to index
          %swap3A_397 = arith.index_cast %mul3A_390 : i32 to index
          %swap3A_398 = tpu.vector_load %arg10[%swap3A, %swap3A_397] {strides = array<i32>} : memref<8x1024xf32, #tpu.memory_space<vmem>>, vector<1x16xf32>,
          %swap3A_399 = vector.shape_cast %swap3A_398 : vector<1x16xf32> to vector<16xf32>
          %swap3A_400 = vector.shape_cast %mul3A_396 : vector<16xf32> to vector<1x16xf32>
          tpu.vector_store %arg10[%swap3A, %swap3A_397], %swap3A_400 {strides = array<i32>} : memref<8x1024xf32, #tpu.memory_space<vmem>>, vector<1x16xf32>,
          %scan3A_401 = arith.constant 1 : i32
          %scan3A_402 = arith.addi %scan3A_388, %scan3A_401 : i32
          %mul3A_403 = arith.constant 16 : i32
          %mul3A_404 = arith.muli %scan3A_402, %mul3A_403 : i32
          %get3A_405 = arith.index_cast %scan3A_382 : i32 to index
          %get3A_406 = arith.index_cast %mul3A_404 : i32 to index
          %get3A_407 = tpu.vector_load %arg10[%get3A_405, %get3A_406] {strides = array<i32>} : memref<8x1024xf32, #tpu.memory_space<vmem>>, vector<1x16xf32>,
          %get3A_408 = vector.shape_cast %get3A_407 : vector<1x16xf32> to vector<16xf32>
          %mul3A_409 = arith.constant 3.200000e+01 : f32
          %mul3A_410 = vector.broadcast %mul3A_409 : f32 to vector<16xf32>
          %mul3A_411 = arith.mulf %get3A_408, %mul3A_410 : vector<16xf32>
          %swap3A_412 = arith.index_cast %scan3A_382 : i32 to index
          %swap3A_413 = arith.index_cast %mul3A_404 : i32 to index
          %swap3A_414 = tpu.vector_load %arg10[%swap3A_412, %swap3A_413] {strides = array<i32>} : memref<8x1024xf32, #tpu.memory_space<vmem>>, vector<1x16xf32>,
          %swap3A_415 = vector.shape_cast %swap3A_414 : vector<1x16xf32> to vector<16xf32>
          %swap3A_416 = vector.shape_cast %mul3A_411 : vector<16xf32> to vector<1x16xf32>
          tpu.vector_store %arg10[%swap3A_412, %swap3A_413], %swap3A_416 {strides = array<i32>} : memref<8x1024xf32, #tpu.memory_space<vmem>>, vector<1x16xf32>,
          %scan3A_417 = arith.constant 2 : i32
          %scan3A_418 = arith.addi %scan3A_388, %scan3A_417 : i32
          %mul3A_419 = arith.constant 16 : i32
          %mul3A_420 = arith.muli %scan3A_418, %mul3A_419 : i32
          %get3A_421 = arith.index_cast %scan3A_382 : i32 to index
          %get3A_422 = arith.index_cast %mul3A_420 : i32 to index
          %get3A_423 = tpu.vector_load %arg10[%get3A_421, %get3A_422] {strides = array<i32>} : memref<8x1024xf32, #tpu.memory_space<vmem>>, vector<1x16xf32>,
          %get3A_424 = vector.shape_cast %get3A_423 : vector<1x16xf32> to vector<16xf32>
          %mul3A_425 = arith.constant 3.200000e+01 : f32
          %mul3A_426 = vector.broadcast %mul3A_425 : f32 to vector<16xf32>
          %mul3A_427 = arith.mulf %get3A_424, %mul3A_426 : vector<16xf32>
          %swap3A_428 = arith.index_cast %scan3A_382 : i32 to index
          %swap3A_429 = arith.index_cast %mul3A_420 : i32 to index
          %swap3A_430 = tpu.vector_load %arg10[%swap3A_428, %swap3A_429] {strides = array<i32>} : memref<8x1024xf32, #tpu.memory_space<vmem>>, vector<1x16xf32>,
          %swap3A_431 = vector.shape_cast %swap3A_430 : vector<1x16xf32> to vector<16xf32>
          %swap3A_432 = vector.shape_cast %mul3A_427 : vector<16xf32> to vector<1x16xf32>
          tpu.vector_store %arg10[%swap3A_428, %swap3A_429], %swap3A_432 {strides = array<i32>} : memref<8x1024xf32, #tpu.memory_space<vmem>>, vector<1x16xf32>,
          %scan3A_433 = arith.constant 3 : i32
          %scan3A_434 = arith.addi %scan3A_388, %scan3A_433 : i32
          %mul3A_435 = arith.constant 16 : i32
          %mul3A_436 = arith.muli %scan3A_434, %mul3A_435 : i32
          %get3A_437 = arith.index_cast %scan3A_382 : i32 to index
          %get3A_438 = arith.index_cast %mul3A_436 : i32 to index
          %get3A_439 = tpu.vector_load %arg10[%get3A_437, %get3A_438] {strides = array<i32>} : memref<8x1024xf32, #tpu.memory_space<vmem>>, vector<1x16xf32>,
          %get3A_440 = vector.shape_cast %get3A_439 : vector<1x16xf32> to vector<16xf32>
          %mul3A_441 = arith.constant 3.200000e+01 : f32
          %mul3A_442 = vector.broadcast %mul3A_441 : f32 to vector<16xf32>
          %mul3A_443 = arith.mulf %get3A_440, %mul3A_442 : vector<16xf32>
          %swap3A_444 = arith.index_cast %scan3A_382 : i32 to index
          %swap3A_445 = arith.index_cast %mul3A_436 : i32 to index
          %swap3A_446 = tpu.vector_load %arg10[%swap3A_444, %swap3A_445] {strides = array<i32>} : memref<8x1024xf32, #tpu.memory_space<vmem>>, vector<1x16xf32>,
          %swap3A_447 = vector.shape_cast %swap3A_446 : vector<1x16xf32> to vector<16xf32>
          %swap3A_448 = vector.shape_cast %mul3A_443 : vector<16xf32> to vector<1x16xf32>
          tpu.vector_store %arg10[%swap3A_444, %swap3A_445], %swap3A_448 {strides = array<i32>} : memref<8x1024xf32, #tpu.memory_space<vmem>>, vector<1x16xf32>,
          %scan3A_449 = arith.constant 4 : i32
          %scan3A_450 = arith.addi %scan3A_388, %scan3A_449 : i32
          %mul3A_451 = arith.constant 16 : i32
          %mul3A_452 = arith.muli %scan3A_450, %mul3A_451 : i32
          %get3A_453 = arith.index_cast %scan3A_382 : i32 to index
          %get3A_454 = arith.index_cast %mul3A_452 : i32 to index
          %get3A_455 = tpu.vector_load %arg10[%get3A_453, %get3A_454] {strides = array<i32>} : memref<8x1024xf32, #tpu.memory_space<vmem>>, vector<1x16xf32>,
          %get3A_456 = vector.shape_cast %get3A_455 : vector<1x16xf32> to vector<16xf32>
          %mul3A_457 = arith.constant 3.200000e+01 : f32
          %mul3A_458 = vector.broadcast %mul3A_457 : f32 to vector<16xf32>
          %mul3A_459 = arith.mulf %get3A_456, %mul3A_458 : vector<16xf32>
          %swap3A_460 = arith.index_cast %scan3A_382 : i32 to index
          %swap3A_461 = arith.index_cast %mul3A_452 : i32 to index
          %swap3A_462 = tpu.vector_load %arg10[%swap3A_460, %swap3A_461] {strides = array<i32>} : memref<8x1024xf32, #tpu.memory_space<vmem>>, vector<1x16xf32>,
          %swap3A_463 = vector.shape_cast %swap3A_462 : vector<1x16xf32> to vector<16xf32>
          %swap3A_464 = vector.shape_cast %mul3A_459 : vector<16xf32> to vector<1x16xf32>
          tpu.vector_store %arg10[%swap3A_460, %swap3A_461], %swap3A_464 {strides = array<i32>} : memref<8x1024xf32, #tpu.memory_space<vmem>>, vector<1x16xf32>,
          %scan3A_465 = arith.constant 5 : i32
          %scan3A_466 = arith.addi %scan3A_388, %scan3A_465 : i32
          %mul3A_467 = arith.constant 16 : i32
          %mul3A_468 = arith.muli %scan3A_466, %mul3A_467 : i32
          %get3A_469 = arith.index_cast %scan3A_382 : i32 to index
          %get3A_470 = arith.index_cast %mul3A_468 : i32 to index
          %get3A_471 = tpu.vector_load %arg10[%get3A_469, %get3A_470] {strides = array<i32>} : memref<8x1024xf32, #tpu.memory_space<vmem>>, vector<1x16xf32>,
          %get3A_472 = vector.shape_cast %get3A_471 : vector<1x16xf32> to vector<16xf32>
          %mul3A_473 = arith.constant 3.200000e+01 : f32
          %mul3A_474 = vector.broadcast %mul3A_473 : f32 to vector<16xf32>
          %mul3A_475 = arith.mulf %get3A_472, %mul3A_474 : vector<16xf32>
          %swap3A_476 = arith.index_cast %scan3A_382 : i32 to index
          %swap3A_477 = arith.index_cast %mul3A_468 : i32 to index
          %swap3A_478 = tpu.vector_load %arg10[%swap3A_476, %swap3A_477] {strides = array<i32>} : memref<8x1024xf32, #tpu.memory_space<vmem>>, vector<1x16xf32>,
          %swap3A_479 = vector.shape_cast %swap3A_478 : vector<1x16xf32> to vector<16xf32>
          %swap3A_480 = vector.shape_cast %mul3A_475 : vector<16xf32> to vector<1x16xf32>
          tpu.vector_store %arg10[%swap3A_476, %swap3A_477], %swap3A_480 {strides = array<i32>} : memref<8x1024xf32, #tpu.memory_space<vmem>>, vector<1x16xf32>,
          %scan3A_481 = arith.constant 6 : i32
          %scan3A_482 = arith.addi %scan3A_388, %scan3A_481 : i32
          %mul3A_483 = arith.constant 16 : i32
          %mul3A_484 = arith.muli %scan3A_482, %mul3A_483 : i32
          %get3A_485 = arith.index_cast %scan3A_382 : i32 to index
          %get3A_486 = arith.index_cast %mul3A_484 : i32 to index
          %get3A_487 = tpu.vector_load %arg10[%get3A_485, %get3A_486] {strides = array<i32>} : memref<8x1024xf32, #tpu.memory_space<vmem>>, vector<1x16xf32>,
          %get3A_488 = vector.shape_cast %get3A_487 : vector<1x16xf32> to vector<16xf32>
          %mul3A_489 = arith.constant 3.200000e+01 : f32
          %mul3A_490 = vector.broadcast %mul3A_489 : f32 to vector<16xf32>
          %mul3A_491 = arith.mulf %get3A_488, %mul3A_490 : vector<16xf32>
          %swap3A_492 = arith.index_cast %scan3A_382 : i32 to index
          %swap3A_493 = arith.index_cast %mul3A_484 : i32 to index
          %swap3A_494 = tpu.vector_load %arg10[%swap3A_492, %swap3A_493] {strides = array<i32>} : memref<8x1024xf32, #tpu.memory_space<vmem>>, vector<1x16xf32>,
          %swap3A_495 = vector.shape_cast %swap3A_494 : vector<1x16xf32> to vector<16xf32>
          %swap3A_496 = vector.shape_cast %mul3A_491 : vector<16xf32> to vector<1x16xf32>
          tpu.vector_store %arg10[%swap3A_492, %swap3A_493], %swap3A_496 {strides = array<i32>} : memref<8x1024xf32, #tpu.memory_space<vmem>>, vector<1x16xf32>,
          %scan3A_497 = arith.constant 7 : i32
          %scan3A_498 = arith.addi %scan3A_388, %scan3A_497 : i32
          %mul3A_499 = arith.constant 16 : i32
          %mul3A_500 = arith.muli %scan3A_498, %mul3A_499 : i32
          %get3A_501 = arith.index_cast %scan3A_382 : i32 to index
          %get3A_502 = arith.index_cast %mul3A_500 : i32 to index
          %get3A_503 = tpu.vector_load %arg10[%get3A_501, %get3A_502] {strides = array<i32>} : memref<8x1024xf32, #tpu.memory_space<vmem>>, vector<1x16xf32>,
          %get3A_504 = vector.shape_cast %get3A_503 : vector<1x16xf32> to vector<16xf32>
          %mul3A_505 = arith.constant 3.200000e+01 : f32
          %mul3A_506 = vector.broadcast %mul3A_505 : f32 to vector<16xf32>
          %mul3A_507 = arith.mulf %get3A_504, %mul3A_506 : vector<16xf32>
          %swap3A_508 = arith.index_cast %scan3A_382 : i32 to index
          %swap3A_509 = arith.index_cast %mul3A_500 : i32 to index
          %swap3A_510 = tpu.vector_load %arg10[%swap3A_508, %swap3A_509] {strides = array<i32>} : memref<8x1024xf32, #tpu.memory_space<vmem>>, vector<1x16xf32>,
          %swap3A_511 = vector.shape_cast %swap3A_510 : vector<1x16xf32> to vector<16xf32>
          %swap3A_512 = vector.shape_cast %mul3A_507 : vector<16xf32> to vector<1x16xf32>
          tpu.vector_store %arg10[%swap3A_508, %swap3A_509], %swap3A_512 {strides = array<i32>} : memref<8x1024xf32, #tpu.memory_space<vmem>>, vector<1x16xf32>,
        }
        %scan3A_387 = arith.constant 64 : i32
      }
      %scan3A_273 = arith.constant 8 : i32
      %mul3A_274 = arith.constant 8 : i32
      %mul3A_275 = arith.muli %add3A_253, %mul3A_274 : i32
      %add3A_276 = arith.addi %select_n3A_32, %mul3A_275 : i32
      %dma_start3A_277 = arith.constant 0 : i32
      %dma_start3A_278 = tpu.memref_slice %arg4[%select_n3A, %add3A_276, %dma_start3A_277] : memref<4x4096x1024xf32, #tpu.memory_space<hbm>> -> memref<1x8x1024xf32, #tpu.memory_space<hbm>>
      %dma_start3A_279 = tpu.memref_squeeze %dma_start3A_278 : memref<1x8x1024xf32, #tpu.memory_space<hbm>> -> memref<8x1024xf32, #tpu.memory_space<hbm>>
      %dma_start3A_280 = arith.constant 0 : i32
      %dma_start3A_281 = tpu.memref_slice %arg4[%select_n3A, %add3A_276, %dma_start3A_280] : memref<4x4096x1024xf32, #tpu.memory_space<hbm>> -> memref<1x8x1024xf32, #tpu.memory_space<hbm>>
      %dma_start3A_282 = tpu.memref_squeeze %dma_start3A_281 : memref<1x8x1024xf32, #tpu.memory_space<hbm>> -> memref<8x1024xf32, #tpu.memory_space<hbm>>
      tpu.enqueue_dma source(%arg10 : memref<8x1024xf32, #tpu.memory_space<vmem>>) target(%dma_start3A_282 : memref<8x1024xf32, #tpu.memory_space<hbm>>) target_semaphore(%arg26 : memref<!tpu.dma_semaphore, #tpu.memory_space<semaphore_mem>>)
      %mul3A_283 = arith.constant 8 : i32
      %mul3A_284 = arith.muli %scan3A_119, %mul3A_283 : i32
      %add3A_285 = arith.constant 5 : i32
      %add3A_286 = arith.addi %mul3A_284, %add3A_285 : i32
      %dma_wait3A_287 = arith.constant 0 : i32
      %dma_wait3A_288 = tpu.memref_slice %arg5[%dma_wait3A_287] : memref<512xi32, #tpu.memory_space<vmem>> -> memref<8xi32, #tpu.memory_space<vmem>>
      %dma_wait3A_289 = arith.constant 0 : i32
      %dma_wait3A_290 = arith.constant 0 : i32
      %dma_wait3A_291 = tpu.memref_slice %arg3[%dma_wait3A_289, %dma_wait3A_290] : memref<100000x1024xf32, #tpu.memory_space<hbm>> -> memref<100000x1024xf32, #tpu.memory_space<hbm>>
      tpu.wait_indirect_dma semaphore(%arg19 : memref<!tpu.dma_semaphore, #tpu.memory_space<semaphore_mem>>) src(%dma_wait3A_291 : memref<100000x1024xf32, #tpu.memory_space<hbm>>) dst(%arg11 : memref<8x1024xf32, #tpu.memory_space<vmem>>)
      %add3A_292 = arith.constant 8 : i32
      %add3A_293 = arith.addi %add3A_286, %add3A_292 : i32
      %sub3A_294 = arith.constant 1 : i32
      %sub3A_295 = arith.subi %add3A_293, %sub3A_294 : i32
      %lt3A_296 = arith.constant 64 : i32
      %lt3A_297 = arith.cmpi slt, %sub3A_295, %lt3A_296 : i32
      %convert_element_type3A_298 = arith.extui %lt3A_297 : i1 to i32
      %cond3A_299 = arith.constant 0 : i32
      %cond3A_300 = arith.cmpi ne, %convert_element_type3A_298, %cond3A_299 : i32
      scf.if %cond3A_300 {
        %ge3A = arith.constant 1 : i32
        %ge3A_382 = arith.cmpi sge, %add3A_286, %ge3A : i32
        %convert_element_type3A_383 = arith.extui %ge3A_382 : i1 to i32
        %cond3A_384 = arith.constant 0 : i32
        %cond3A_385 = arith.cmpi ne, %convert_element_type3A_383, %cond3A_384 : i32
        scf.if %cond3A_385 {
          %dma_wait3A_396 = arith.constant 0 : i32
          %dma_wait3A_397 = tpu.memref_slice %arg4[%select_n3A, %select_n3A_32, %dma_wait3A_396] : memref<4x4096x1024xf32, #tpu.memory_space<hbm>> -> memref<1x8x1024xf32, #tpu.memory_space<hbm>>
          %dma_wait3A_398 = tpu.memref_squeeze %dma_wait3A_397 : memref<1x8x1024xf32, #tpu.memory_space<hbm>> -> memref<8x1024xf32, #tpu.memory_space<hbm>>
          %dma_wait3A_399 = arith.constant 0 : i32
          %dma_wait3A_400 = tpu.memref_slice %arg4[%select_n3A, %select_n3A_32, %dma_wait3A_399] : memref<4x4096x1024xf32, #tpu.memory_space<hbm>> -> memref<1x8x1024xf32, #tpu.memory_space<hbm>>
          %dma_wait3A_401 = tpu.memref_squeeze %dma_wait3A_400 : memref<1x8x1024xf32, #tpu.memory_space<hbm>> -> memref<8x1024xf32, #tpu.memory_space<hbm>>
          tpu.wait_dma2 semaphore(%arg26 : memref<!tpu.dma_semaphore, #tpu.memory_space<semaphore_mem>>) src(%arg10 : memref<8x1024xf32, #tpu.memory_space<vmem>>) dst(%dma_wait3A_401 : memref<8x1024xf32, #tpu.memory_space<hbm>>)
        } else {
        }
        %add3A_386 = arith.constant 8 : i32
        %add3A_387 = arith.addi %add3A_286, %add3A_386 : i32
        %sub3A_388 = arith.constant 1 : i32
        %sub3A_389 = arith.subi %add3A_387, %sub3A_388 : i32
        %mul3A_390 = arith.constant 8 : i32
        %mul3A_391 = arith.muli %sub3A_389, %mul3A_390 : i32
        %dma_start3A_392 = tpu.memref_slice %arg5[%mul3A_391] : memref<512xi32, #tpu.memory_space<vmem>> -> memref<8xi32, #tpu.memory_space<vmem>>
        %dma_start3A_393 = arith.constant 0 : i32
        %dma_start3A_394 = arith.constant 0 : i32
        %dma_start3A_395 = tpu.memref_slice %arg3[%dma_start3A_393, %dma_start3A_394] : memref<100000x1024xf32, #tpu.memory_space<hbm>> -> memref<100000x1024xf32, #tpu.memory_space<hbm>>
        tpu.enqueue_indirect_dma source(%dma_start3A_395 : memref<100000x1024xf32, #tpu.memory_space<hbm>>) target(%arg10 : memref<8x1024xf32, #tpu.memory_space<vmem>>) offsets(%dma_start3A_392 : memref<8xi32, #tpu.memory_space<vmem>>) semaphore(%arg18 : memref<!tpu.dma_semaphore, #tpu.memory_space<semaphore_mem>>)
      } else {
      }
      %scan3A_301 = arith.constant 0 : i32
      %scan3A_302 = arith.constant 0 : i32
      %scan3A_303 = arith.constant 8 : i32
      %scan3A_304 = arith.addi %scan3A_302, %scan3A_303 : i32
      %scan3A_305 = arith.constant 1 : i32
      scf.for %scan3A_382 = %scan3A_302 to %scan3A_304 step %scan3A_305  : i32 {
        %scan3A_383 = arith.constant 0 : i32
        %scan3A_384 = arith.constant 64 : i32
        %scan3A_385 = arith.addi %scan3A_383, %scan3A_384 : i32
        %scan3A_386 = arith.constant 8 : i32
        scf.for %scan3A_388 = %scan3A_383 to %scan3A_385 step %scan3A_386  : i32 {
          %mul3A_389 = arith.constant 16 : i32
          %mul3A_390 = arith.muli %scan3A_388, %mul3A_389 : i32
          %get3A = arith.index_cast %scan3A_382 : i32 to index
          %get3A_391 = arith.index_cast %mul3A_390 : i32 to index
          %get3A_392 = tpu.vector_load %arg11[%get3A, %get3A_391] {strides = array<i32>} : memref<8x1024xf32, #tpu.memory_space<vmem>>, vector<1x16xf32>,
          %get3A_393 = vector.shape_cast %get3A_392 : vector<1x16xf32> to vector<16xf32>
          %mul3A_394 = arith.constant 3.200000e+01 : f32
          %mul3A_395 = vector.broadcast %mul3A_394 : f32 to vector<16xf32>
          %mul3A_396 = arith.mulf %get3A_393, %mul3A_395 : vector<16xf32>
          %swap3A = arith.index_cast %scan3A_382 : i32 to index
          %swap3A_397 = arith.index_cast %mul3A_390 : i32 to index
          %swap3A_398 = tpu.vector_load %arg11[%swap3A, %swap3A_397] {strides = array<i32>} : memref<8x1024xf32, #tpu.memory_space<vmem>>, vector<1x16xf32>,
          %swap3A_399 = vector.shape_cast %swap3A_398 : vector<1x16xf32> to vector<16xf32>
          %swap3A_400 = vector.shape_cast %mul3A_396 : vector<16xf32> to vector<1x16xf32>
          tpu.vector_store %arg11[%swap3A, %swap3A_397], %swap3A_400 {strides = array<i32>} : memref<8x1024xf32, #tpu.memory_space<vmem>>, vector<1x16xf32>,
          %scan3A_401 = arith.constant 1 : i32
          %scan3A_402 = arith.addi %scan3A_388, %scan3A_401 : i32
          %mul3A_403 = arith.constant 16 : i32
          %mul3A_404 = arith.muli %scan3A_402, %mul3A_403 : i32
          %get3A_405 = arith.index_cast %scan3A_382 : i32 to index
          %get3A_406 = arith.index_cast %mul3A_404 : i32 to index
          %get3A_407 = tpu.vector_load %arg11[%get3A_405, %get3A_406] {strides = array<i32>} : memref<8x1024xf32, #tpu.memory_space<vmem>>, vector<1x16xf32>,
          %get3A_408 = vector.shape_cast %get3A_407 : vector<1x16xf32> to vector<16xf32>
          %mul3A_409 = arith.constant 3.200000e+01 : f32
          %mul3A_410 = vector.broadcast %mul3A_409 : f32 to vector<16xf32>
          %mul3A_411 = arith.mulf %get3A_408, %mul3A_410 : vector<16xf32>
          %swap3A_412 = arith.index_cast %scan3A_382 : i32 to index
          %swap3A_413 = arith.index_cast %mul3A_404 : i32 to index
          %swap3A_414 = tpu.vector_load %arg11[%swap3A_412, %swap3A_413] {strides = array<i32>} : memref<8x1024xf32, #tpu.memory_space<vmem>>, vector<1x16xf32>,
          %swap3A_415 = vector.shape_cast %swap3A_414 : vector<1x16xf32> to vector<16xf32>
          %swap3A_416 = vector.shape_cast %mul3A_411 : vector<16xf32> to vector<1x16xf32>
          tpu.vector_store %arg11[%swap3A_412, %swap3A_413], %swap3A_416 {strides = array<i32>} : memref<8x1024xf32, #tpu.memory_space<vmem>>, vector<1x16xf32>,
          %scan3A_417 = arith.constant 2 : i32
          %scan3A_418 = arith.addi %scan3A_388, %scan3A_417 : i32
          %mul3A_419 = arith.constant 16 : i32
          %mul3A_420 = arith.muli %scan3A_418, %mul3A_419 : i32
          %get3A_421 = arith.index_cast %scan3A_382 : i32 to index
          %get3A_422 = arith.index_cast %mul3A_420 : i32 to index
          %get3A_423 = tpu.vector_load %arg11[%get3A_421, %get3A_422] {strides = array<i32>} : memref<8x1024xf32, #tpu.memory_space<vmem>>, vector<1x16xf32>,
          %get3A_424 = vector.shape_cast %get3A_423 : vector<1x16xf32> to vector<16xf32>
          %mul3A_425 = arith.constant 3.200000e+01 : f32
          %mul3A_426 = vector.broadcast %mul3A_425 : f32 to vector<16xf32>
          %mul3A_427 = arith.mulf %get3A_424, %mul3A_426 : vector<16xf32>
          %swap3A_428 = arith.index_cast %scan3A_382 : i32 to index
          %swap3A_429 = arith.index_cast %mul3A_420 : i32 to index
          %swap3A_430 = tpu.vector_load %arg11[%swap3A_428, %swap3A_429] {strides = array<i32>} : memref<8x1024xf32, #tpu.memory_space<vmem>>, vector<1x16xf32>,
          %swap3A_431 = vector.shape_cast %swap3A_430 : vector<1x16xf32> to vector<16xf32>
          %swap3A_432 = vector.shape_cast %mul3A_427 : vector<16xf32> to vector<1x16xf32>
          tpu.vector_store %arg11[%swap3A_428, %swap3A_429], %swap3A_432 {strides = array<i32>} : memref<8x1024xf32, #tpu.memory_space<vmem>>, vector<1x16xf32>,
          %scan3A_433 = arith.constant 3 : i32
          %scan3A_434 = arith.addi %scan3A_388, %scan3A_433 : i32
          %mul3A_435 = arith.constant 16 : i32
          %mul3A_436 = arith.muli %scan3A_434, %mul3A_435 : i32
          %get3A_437 = arith.index_cast %scan3A_382 : i32 to index
          %get3A_438 = arith.index_cast %mul3A_436 : i32 to index
          %get3A_439 = tpu.vector_load %arg11[%get3A_437, %get3A_438] {strides = array<i32>} : memref<8x1024xf32, #tpu.memory_space<vmem>>, vector<1x16xf32>,
          %get3A_440 = vector.shape_cast %get3A_439 : vector<1x16xf32> to vector<16xf32>
          %mul3A_441 = arith.constant 3.200000e+01 : f32
          %mul3A_442 = vector.broadcast %mul3A_441 : f32 to vector<16xf32>
          %mul3A_443 = arith.mulf %get3A_440, %mul3A_442 : vector<16xf32>
          %swap3A_444 = arith.index_cast %scan3A_382 : i32 to index
          %swap3A_445 = arith.index_cast %mul3A_436 : i32 to index
          %swap3A_446 = tpu.vector_load %arg11[%swap3A_444, %swap3A_445] {strides = array<i32>} : memref<8x1024xf32, #tpu.memory_space<vmem>>, vector<1x16xf32>,
          %swap3A_447 = vector.shape_cast %swap3A_446 : vector<1x16xf32> to vector<16xf32>
          %swap3A_448 = vector.shape_cast %mul3A_443 : vector<16xf32> to vector<1x16xf32>
          tpu.vector_store %arg11[%swap3A_444, %swap3A_445], %swap3A_448 {strides = array<i32>} : memref<8x1024xf32, #tpu.memory_space<vmem>>, vector<1x16xf32>,
          %scan3A_449 = arith.constant 4 : i32
          %scan3A_450 = arith.addi %scan3A_388, %scan3A_449 : i32
          %mul3A_451 = arith.constant 16 : i32
          %mul3A_452 = arith.muli %scan3A_450, %mul3A_451 : i32
          %get3A_453 = arith.index_cast %scan3A_382 : i32 to index
          %get3A_454 = arith.index_cast %mul3A_452 : i32 to index
          %get3A_455 = tpu.vector_load %arg11[%get3A_453, %get3A_454] {strides = array<i32>} : memref<8x1024xf32, #tpu.memory_space<vmem>>, vector<1x16xf32>,
          %get3A_456 = vector.shape_cast %get3A_455 : vector<1x16xf32> to vector<16xf32>
          %mul3A_457 = arith.constant 3.200000e+01 : f32
          %mul3A_458 = vector.broadcast %mul3A_457 : f32 to vector<16xf32>
          %mul3A_459 = arith.mulf %get3A_456, %mul3A_458 : vector<16xf32>
          %swap3A_460 = arith.index_cast %scan3A_382 : i32 to index
          %swap3A_461 = arith.index_cast %mul3A_452 : i32 to index
          %swap3A_462 = tpu.vector_load %arg11[%swap3A_460, %swap3A_461] {strides = array<i32>} : memref<8x1024xf32, #tpu.memory_space<vmem>>, vector<1x16xf32>,
          %swap3A_463 = vector.shape_cast %swap3A_462 : vector<1x16xf32> to vector<16xf32>
          %swap3A_464 = vector.shape_cast %mul3A_459 : vector<16xf32> to vector<1x16xf32>
          tpu.vector_store %arg11[%swap3A_460, %swap3A_461], %swap3A_464 {strides = array<i32>} : memref<8x1024xf32, #tpu.memory_space<vmem>>, vector<1x16xf32>,
          %scan3A_465 = arith.constant 5 : i32
          %scan3A_466 = arith.addi %scan3A_388, %scan3A_465 : i32
          %mul3A_467 = arith.constant 16 : i32
          %mul3A_468 = arith.muli %scan3A_466, %mul3A_467 : i32
          %get3A_469 = arith.index_cast %scan3A_382 : i32 to index
          %get3A_470 = arith.index_cast %mul3A_468 : i32 to index
          %get3A_471 = tpu.vector_load %arg11[%get3A_469, %get3A_470] {strides = array<i32>} : memref<8x1024xf32, #tpu.memory_space<vmem>>, vector<1x16xf32>,
          %get3A_472 = vector.shape_cast %get3A_471 : vector<1x16xf32> to vector<16xf32>
          %mul3A_473 = arith.constant 3.200000e+01 : f32
          %mul3A_474 = vector.broadcast %mul3A_473 : f32 to vector<16xf32>
          %mul3A_475 = arith.mulf %get3A_472, %mul3A_474 : vector<16xf32>
          %swap3A_476 = arith.index_cast %scan3A_382 : i32 to index
          %swap3A_477 = arith.index_cast %mul3A_468 : i32 to index
          %swap3A_478 = tpu.vector_load %arg11[%swap3A_476, %swap3A_477] {strides = array<i32>} : memref<8x1024xf32, #tpu.memory_space<vmem>>, vector<1x16xf32>,
          %swap3A_479 = vector.shape_cast %swap3A_478 : vector<1x16xf32> to vector<16xf32>
          %swap3A_480 = vector.shape_cast %mul3A_475 : vector<16xf32> to vector<1x16xf32>
          tpu.vector_store %arg11[%swap3A_476, %swap3A_477], %swap3A_480 {strides = array<i32>} : memref<8x1024xf32, #tpu.memory_space<vmem>>, vector<1x16xf32>,
          %scan3A_481 = arith.constant 6 : i32
          %scan3A_482 = arith.addi %scan3A_388, %scan3A_481 : i32
          %mul3A_483 = arith.constant 16 : i32
          %mul3A_484 = arith.muli %scan3A_482, %mul3A_483 : i32
          %get3A_485 = arith.index_cast %scan3A_382 : i32 to index
          %get3A_486 = arith.index_cast %mul3A_484 : i32 to index
          %get3A_487 = tpu.vector_load %arg11[%get3A_485, %get3A_486] {strides = array<i32>} : memref<8x1024xf32, #tpu.memory_space<vmem>>, vector<1x16xf32>,
          %get3A_488 = vector.shape_cast %get3A_487 : vector<1x16xf32> to vector<16xf32>
          %mul3A_489 = arith.constant 3.200000e+01 : f32
          %mul3A_490 = vector.broadcast %mul3A_489 : f32 to vector<16xf32>
          %mul3A_491 = arith.mulf %get3A_488, %mul3A_490 : vector<16xf32>
          %swap3A_492 = arith.index_cast %scan3A_382 : i32 to index
          %swap3A_493 = arith.index_cast %mul3A_484 : i32 to index
          %swap3A_494 = tpu.vector_load %arg11[%swap3A_492, %swap3A_493] {strides = array<i32>} : memref<8x1024xf32, #tpu.memory_space<vmem>>, vector<1x16xf32>,
          %swap3A_495 = vector.shape_cast %swap3A_494 : vector<1x16xf32> to vector<16xf32>
          %swap3A_496 = vector.shape_cast %mul3A_491 : vector<16xf32> to vector<1x16xf32>
          tpu.vector_store %arg11[%swap3A_492, %swap3A_493], %swap3A_496 {strides = array<i32>} : memref<8x1024xf32, #tpu.memory_space<vmem>>, vector<1x16xf32>,
          %scan3A_497 = arith.constant 7 : i32
          %scan3A_498 = arith.addi %scan3A_388, %scan3A_497 : i32
          %mul3A_499 = arith.constant 16 : i32
          %mul3A_500 = arith.muli %scan3A_498, %mul3A_499 : i32
          %get3A_501 = arith.index_cast %scan3A_382 : i32 to index
          %get3A_502 = arith.index_cast %mul3A_500 : i32 to index
          %get3A_503 = tpu.vector_load %arg11[%get3A_501, %get3A_502] {strides = array<i32>} : memref<8x1024xf32, #tpu.memory_space<vmem>>, vector<1x16xf32>,
          %get3A_504 = vector.shape_cast %get3A_503 : vector<1x16xf32> to vector<16xf32>
          %mul3A_505 = arith.constant 3.200000e+01 : f32
          %mul3A_506 = vector.broadcast %mul3A_505 : f32 to vector<16xf32>
          %mul3A_507 = arith.mulf %get3A_504, %mul3A_506 : vector<16xf32>
          %swap3A_508 = arith.index_cast %scan3A_382 : i32 to index
          %swap3A_509 = arith.index_cast %mul3A_500 : i32 to index
          %swap3A_510 = tpu.vector_load %arg11[%swap3A_508, %swap3A_509] {strides = array<i32>} : memref<8x1024xf32, #tpu.memory_space<vmem>>, vector<1x16xf32>,
          %swap3A_511 = vector.shape_cast %swap3A_510 : vector<1x16xf32> to vector<16xf32>
          %swap3A_512 = vector.shape_cast %mul3A_507 : vector<16xf32> to vector<1x16xf32>
          tpu.vector_store %arg11[%swap3A_508, %swap3A_509], %swap3A_512 {strides = array<i32>} : memref<8x1024xf32, #tpu.memory_space<vmem>>, vector<1x16xf32>,
        }
        %scan3A_387 = arith.constant 64 : i32
      }
      %scan3A_306 = arith.constant 8 : i32
      %mul3A_307 = arith.constant 8 : i32
      %mul3A_308 = arith.muli %add3A_286, %mul3A_307 : i32
      %add3A_309 = arith.addi %select_n3A_32, %mul3A_308 : i32
      %dma_start3A_310 = arith.constant 0 : i32
      %dma_start3A_311 = tpu.memref_slice %arg4[%select_n3A, %add3A_309, %dma_start3A_310] : memref<4x4096x1024xf32, #tpu.memory_space<hbm>> -> memref<1x8x1024xf32, #tpu.memory_space<hbm>>
      %dma_start3A_312 = tpu.memref_squeeze %dma_start3A_311 : memref<1x8x1024xf32, #tpu.memory_space<hbm>> -> memref<8x1024xf32, #tpu.memory_space<hbm>>
      %dma_start3A_313 = arith.constant 0 : i32
      %dma_start3A_314 = tpu.memref_slice %arg4[%select_n3A, %add3A_309, %dma_start3A_313] : memref<4x4096x1024xf32, #tpu.memory_space<hbm>> -> memref<1x8x1024xf32, #tpu.memory_space<hbm>>
      %dma_start3A_315 = tpu.memref_squeeze %dma_start3A_314 : memref<1x8x1024xf32, #tpu.memory_space<hbm>> -> memref<8x1024xf32, #tpu.memory_space<hbm>>
      tpu.enqueue_dma source(%arg11 : memref<8x1024xf32, #tpu.memory_space<vmem>>) target(%dma_start3A_315 : memref<8x1024xf32, #tpu.memory_space<hbm>>) target_semaphore(%arg27 : memref<!tpu.dma_semaphore, #tpu.memory_space<semaphore_mem>>)
      %mul3A_316 = arith.constant 8 : i32
      %mul3A_317 = arith.muli %scan3A_119, %mul3A_316 : i32
      %add3A_318 = arith.constant 6 : i32
      %add3A_319 = arith.addi %mul3A_317, %add3A_318 : i32
      %dma_wait3A_320 = arith.constant 0 : i32
      %dma_wait3A_321 = tpu.memref_slice %arg5[%dma_wait3A_320] : memref<512xi32, #tpu.memory_space<vmem>> -> memref<8xi32, #tpu.memory_space<vmem>>
      %dma_wait3A_322 = arith.constant 0 : i32
      %dma_wait3A_323 = arith.constant 0 : i32
      %dma_wait3A_324 = tpu.memref_slice %arg3[%dma_wait3A_322, %dma_wait3A_323] : memref<100000x1024xf32, #tpu.memory_space<hbm>> -> memref<100000x1024xf32, #tpu.memory_space<hbm>>
      tpu.wait_indirect_dma semaphore(%arg20 : memref<!tpu.dma_semaphore, #tpu.memory_space<semaphore_mem>>) src(%dma_wait3A_324 : memref<100000x1024xf32, #tpu.memory_space<hbm>>) dst(%arg12 : memref<8x1024xf32, #tpu.memory_space<vmem>>)
      %add3A_325 = arith.constant 8 : i32
      %add3A_326 = arith.addi %add3A_319, %add3A_325 : i32
      %sub3A_327 = arith.constant 1 : i32
      %sub3A_328 = arith.subi %add3A_326, %sub3A_327 : i32
      %lt3A_329 = arith.constant 64 : i32
      %lt3A_330 = arith.cmpi slt, %sub3A_328, %lt3A_329 : i32
      %convert_element_type3A_331 = arith.extui %lt3A_330 : i1 to i32
      %cond3A_332 = arith.constant 0 : i32
      %cond3A_333 = arith.cmpi ne, %convert_element_type3A_331, %cond3A_332 : i32
      scf.if %cond3A_333 {
        %ge3A = arith.constant 1 : i32
        %ge3A_382 = arith.cmpi sge, %add3A_319, %ge3A : i32
        %convert_element_type3A_383 = arith.extui %ge3A_382 : i1 to i32
        %cond3A_384 = arith.constant 0 : i32
        %cond3A_385 = arith.cmpi ne, %convert_element_type3A_383, %cond3A_384 : i32
        scf.if %cond3A_385 {
          %dma_wait3A_396 = arith.constant 0 : i32
          %dma_wait3A_397 = tpu.memref_slice %arg4[%select_n3A, %select_n3A_32, %dma_wait3A_396] : memref<4x4096x1024xf32, #tpu.memory_space<hbm>> -> memref<1x8x1024xf32, #tpu.memory_space<hbm>>
          %dma_wait3A_398 = tpu.memref_squeeze %dma_wait3A_397 : memref<1x8x1024xf32, #tpu.memory_space<hbm>> -> memref<8x1024xf32, #tpu.memory_space<hbm>>
          %dma_wait3A_399 = arith.constant 0 : i32
          %dma_wait3A_400 = tpu.memref_slice %arg4[%select_n3A, %select_n3A_32, %dma_wait3A_399] : memref<4x4096x1024xf32, #tpu.memory_space<hbm>> -> memref<1x8x1024xf32, #tpu.memory_space<hbm>>
          %dma_wait3A_401 = tpu.memref_squeeze %dma_wait3A_400 : memref<1x8x1024xf32, #tpu.memory_space<hbm>> -> memref<8x1024xf32, #tpu.memory_space<hbm>>
          tpu.wait_dma2 semaphore(%arg27 : memref<!tpu.dma_semaphore, #tpu.memory_space<semaphore_mem>>) src(%arg11 : memref<8x1024xf32, #tpu.memory_space<vmem>>) dst(%dma_wait3A_401 : memref<8x1024xf32, #tpu.memory_space<hbm>>)
        } else {
        }
        %add3A_386 = arith.constant 8 : i32
        %add3A_387 = arith.addi %add3A_319, %add3A_386 : i32
        %sub3A_388 = arith.constant 1 : i32
        %sub3A_389 = arith.subi %add3A_387, %sub3A_388 : i32
        %mul3A_390 = arith.constant 8 : i32
        %mul3A_391 = arith.muli %sub3A_389, %mul3A_390 : i32
        %dma_start3A_392 = tpu.memref_slice %arg5[%mul3A_391] : memref<512xi32, #tpu.memory_space<vmem>> -> memref<8xi32, #tpu.memory_space<vmem>>
        %dma_start3A_393 = arith.constant 0 : i32
        %dma_start3A_394 = arith.constant 0 : i32
        %dma_start3A_395 = tpu.memref_slice %arg3[%dma_start3A_393, %dma_start3A_394] : memref<100000x1024xf32, #tpu.memory_space<hbm>> -> memref<100000x1024xf32, #tpu.memory_space<hbm>>
        tpu.enqueue_indirect_dma source(%dma_start3A_395 : memref<100000x1024xf32, #tpu.memory_space<hbm>>) target(%arg11 : memref<8x1024xf32, #tpu.memory_space<vmem>>) offsets(%dma_start3A_392 : memref<8xi32, #tpu.memory_space<vmem>>) semaphore(%arg19 : memref<!tpu.dma_semaphore, #tpu.memory_space<semaphore_mem>>)
      } else {
      }
      %scan3A_334 = arith.constant 0 : i32
      %scan3A_335 = arith.constant 0 : i32
      %scan3A_336 = arith.constant 8 : i32
      %scan3A_337 = arith.addi %scan3A_335, %scan3A_336 : i32
      %scan3A_338 = arith.constant 1 : i32
      scf.for %scan3A_382 = %scan3A_335 to %scan3A_337 step %scan3A_338  : i32 {
        %scan3A_383 = arith.constant 0 : i32
        %scan3A_384 = arith.constant 64 : i32
        %scan3A_385 = arith.addi %scan3A_383, %scan3A_384 : i32
        %scan3A_386 = arith.constant 8 : i32
        scf.for %scan3A_388 = %scan3A_383 to %scan3A_385 step %scan3A_386  : i32 {
          %mul3A_389 = arith.constant 16 : i32
          %mul3A_390 = arith.muli %scan3A_388, %mul3A_389 : i32
          %get3A = arith.index_cast %scan3A_382 : i32 to index
          %get3A_391 = arith.index_cast %mul3A_390 : i32 to index
          %get3A_392 = tpu.vector_load %arg12[%get3A, %get3A_391] {strides = array<i32>} : memref<8x1024xf32, #tpu.memory_space<vmem>>, vector<1x16xf32>,
          %get3A_393 = vector.shape_cast %get3A_392 : vector<1x16xf32> to vector<16xf32>
          %mul3A_394 = arith.constant 3.200000e+01 : f32
          %mul3A_395 = vector.broadcast %mul3A_394 : f32 to vector<16xf32>
          %mul3A_396 = arith.mulf %get3A_393, %mul3A_395 : vector<16xf32>
          %swap3A = arith.index_cast %scan3A_382 : i32 to index
          %swap3A_397 = arith.index_cast %mul3A_390 : i32 to index
          %swap3A_398 = tpu.vector_load %arg12[%swap3A, %swap3A_397] {strides = array<i32>} : memref<8x1024xf32, #tpu.memory_space<vmem>>, vector<1x16xf32>,
          %swap3A_399 = vector.shape_cast %swap3A_398 : vector<1x16xf32> to vector<16xf32>
          %swap3A_400 = vector.shape_cast %mul3A_396 : vector<16xf32> to vector<1x16xf32>
          tpu.vector_store %arg12[%swap3A, %swap3A_397], %swap3A_400 {strides = array<i32>} : memref<8x1024xf32, #tpu.memory_space<vmem>>, vector<1x16xf32>,
          %scan3A_401 = arith.constant 1 : i32
          %scan3A_402 = arith.addi %scan3A_388, %scan3A_401 : i32
          %mul3A_403 = arith.constant 16 : i32
          %mul3A_404 = arith.muli %scan3A_402, %mul3A_403 : i32
          %get3A_405 = arith.index_cast %scan3A_382 : i32 to index
          %get3A_406 = arith.index_cast %mul3A_404 : i32 to index
          %get3A_407 = tpu.vector_load %arg12[%get3A_405, %get3A_406] {strides = array<i32>} : memref<8x1024xf32, #tpu.memory_space<vmem>>, vector<1x16xf32>,
          %get3A_408 = vector.shape_cast %get3A_407 : vector<1x16xf32> to vector<16xf32>
          %mul3A_409 = arith.constant 3.200000e+01 : f32
          %mul3A_410 = vector.broadcast %mul3A_409 : f32 to vector<16xf32>
          %mul3A_411 = arith.mulf %get3A_408, %mul3A_410 : vector<16xf32>
          %swap3A_412 = arith.index_cast %scan3A_382 : i32 to index
          %swap3A_413 = arith.index_cast %mul3A_404 : i32 to index
          %swap3A_414 = tpu.vector_load %arg12[%swap3A_412, %swap3A_413] {strides = array<i32>} : memref<8x1024xf32, #tpu.memory_space<vmem>>, vector<1x16xf32>,
          %swap3A_415 = vector.shape_cast %swap3A_414 : vector<1x16xf32> to vector<16xf32>
          %swap3A_416 = vector.shape_cast %mul3A_411 : vector<16xf32> to vector<1x16xf32>
          tpu.vector_store %arg12[%swap3A_412, %swap3A_413], %swap3A_416 {strides = array<i32>} : memref<8x1024xf32, #tpu.memory_space<vmem>>, vector<1x16xf32>,
          %scan3A_417 = arith.constant 2 : i32
          %scan3A_418 = arith.addi %scan3A_388, %scan3A_417 : i32
          %mul3A_419 = arith.constant 16 : i32
          %mul3A_420 = arith.muli %scan3A_418, %mul3A_419 : i32
          %get3A_421 = arith.index_cast %scan3A_382 : i32 to index
          %get3A_422 = arith.index_cast %mul3A_420 : i32 to index
          %get3A_423 = tpu.vector_load %arg12[%get3A_421, %get3A_422] {strides = array<i32>} : memref<8x1024xf32, #tpu.memory_space<vmem>>, vector<1x16xf32>,
          %get3A_424 = vector.shape_cast %get3A_423 : vector<1x16xf32> to vector<16xf32>
          %mul3A_425 = arith.constant 3.200000e+01 : f32
          %mul3A_426 = vector.broadcast %mul3A_425 : f32 to vector<16xf32>
          %mul3A_427 = arith.mulf %get3A_424, %mul3A_426 : vector<16xf32>
          %swap3A_428 = arith.index_cast %scan3A_382 : i32 to index
          %swap3A_429 = arith.index_cast %mul3A_420 : i32 to index
          %swap3A_430 = tpu.vector_load %arg12[%swap3A_428, %swap3A_429] {strides = array<i32>} : memref<8x1024xf32, #tpu.memory_space<vmem>>, vector<1x16xf32>,
          %swap3A_431 = vector.shape_cast %swap3A_430 : vector<1x16xf32> to vector<16xf32>
          %swap3A_432 = vector.shape_cast %mul3A_427 : vector<16xf32> to vector<1x16xf32>
          tpu.vector_store %arg12[%swap3A_428, %swap3A_429], %swap3A_432 {strides = array<i32>} : memref<8x1024xf32, #tpu.memory_space<vmem>>, vector<1x16xf32>,
          %scan3A_433 = arith.constant 3 : i32
          %scan3A_434 = arith.addi %scan3A_388, %scan3A_433 : i32
          %mul3A_435 = arith.constant 16 : i32
          %mul3A_436 = arith.muli %scan3A_434, %mul3A_435 : i32
          %get3A_437 = arith.index_cast %scan3A_382 : i32 to index
          %get3A_438 = arith.index_cast %mul3A_436 : i32 to index
          %get3A_439 = tpu.vector_load %arg12[%get3A_437, %get3A_438] {strides = array<i32>} : memref<8x1024xf32, #tpu.memory_space<vmem>>, vector<1x16xf32>,
          %get3A_440 = vector.shape_cast %get3A_439 : vector<1x16xf32> to vector<16xf32>
          %mul3A_441 = arith.constant 3.200000e+01 : f32
          %mul3A_442 = vector.broadcast %mul3A_441 : f32 to vector<16xf32>
          %mul3A_443 = arith.mulf %get3A_440, %mul3A_442 : vector<16xf32>
          %swap3A_444 = arith.index_cast %scan3A_382 : i32 to index
          %swap3A_445 = arith.index_cast %mul3A_436 : i32 to index
          %swap3A_446 = tpu.vector_load %arg12[%swap3A_444, %swap3A_445] {strides = array<i32>} : memref<8x1024xf32, #tpu.memory_space<vmem>>, vector<1x16xf32>,
          %swap3A_447 = vector.shape_cast %swap3A_446 : vector<1x16xf32> to vector<16xf32>
          %swap3A_448 = vector.shape_cast %mul3A_443 : vector<16xf32> to vector<1x16xf32>
          tpu.vector_store %arg12[%swap3A_444, %swap3A_445], %swap3A_448 {strides = array<i32>} : memref<8x1024xf32, #tpu.memory_space<vmem>>, vector<1x16xf32>,
          %scan3A_449 = arith.constant 4 : i32
          %scan3A_450 = arith.addi %scan3A_388, %scan3A_449 : i32
          %mul3A_451 = arith.constant 16 : i32
          %mul3A_452 = arith.muli %scan3A_450, %mul3A_451 : i32
          %get3A_453 = arith.index_cast %scan3A_382 : i32 to index
          %get3A_454 = arith.index_cast %mul3A_452 : i32 to index
          %get3A_455 = tpu.vector_load %arg12[%get3A_453, %get3A_454] {strides = array<i32>} : memref<8x1024xf32, #tpu.memory_space<vmem>>, vector<1x16xf32>,
          %get3A_456 = vector.shape_cast %get3A_455 : vector<1x16xf32> to vector<16xf32>
          %mul3A_457 = arith.constant 3.200000e+01 : f32
          %mul3A_458 = vector.broadcast %mul3A_457 : f32 to vector<16xf32>
          %mul3A_459 = arith.mulf %get3A_456, %mul3A_458 : vector<16xf32>
          %swap3A_460 = arith.index_cast %scan3A_382 : i32 to index
          %swap3A_461 = arith.index_cast %mul3A_452 : i32 to index
          %swap3A_462 = tpu.vector_load %arg12[%swap3A_460, %swap3A_461] {strides = array<i32>} : memref<8x1024xf32, #tpu.memory_space<vmem>>, vector<1x16xf32>,
          %swap3A_463 = vector.shape_cast %swap3A_462 : vector<1x16xf32> to vector<16xf32>
          %swap3A_464 = vector.shape_cast %mul3A_459 : vector<16xf32> to vector<1x16xf32>
          tpu.vector_store %arg12[%swap3A_460, %swap3A_461], %swap3A_464 {strides = array<i32>} : memref<8x1024xf32, #tpu.memory_space<vmem>>, vector<1x16xf32>,
          %scan3A_465 = arith.constant 5 : i32
          %scan3A_466 = arith.addi %scan3A_388, %scan3A_465 : i32
          %mul3A_467 = arith.constant 16 : i32
          %mul3A_468 = arith.muli %scan3A_466, %mul3A_467 : i32
          %get3A_469 = arith.index_cast %scan3A_382 : i32 to index
          %get3A_470 = arith.index_cast %mul3A_468 : i32 to index
          %get3A_471 = tpu.vector_load %arg12[%get3A_469, %get3A_470] {strides = array<i32>} : memref<8x1024xf32, #tpu.memory_space<vmem>>, vector<1x16xf32>,
          %get3A_472 = vector.shape_cast %get3A_471 : vector<1x16xf32> to vector<16xf32>
          %mul3A_473 = arith.constant 3.200000e+01 : f32
          %mul3A_474 = vector.broadcast %mul3A_473 : f32 to vector<16xf32>
          %mul3A_475 = arith.mulf %get3A_472, %mul3A_474 : vector<16xf32>
          %swap3A_476 = arith.index_cast %scan3A_382 : i32 to index
          %swap3A_477 = arith.index_cast %mul3A_468 : i32 to index
          %swap3A_478 = tpu.vector_load %arg12[%swap3A_476, %swap3A_477] {strides = array<i32>} : memref<8x1024xf32, #tpu.memory_space<vmem>>, vector<1x16xf32>,
          %swap3A_479 = vector.shape_cast %swap3A_478 : vector<1x16xf32> to vector<16xf32>
          %swap3A_480 = vector.shape_cast %mul3A_475 : vector<16xf32> to vector<1x16xf32>
          tpu.vector_store %arg12[%swap3A_476, %swap3A_477], %swap3A_480 {strides = array<i32>} : memref<8x1024xf32, #tpu.memory_space<vmem>>, vector<1x16xf32>,
          %scan3A_481 = arith.constant 6 : i32
          %scan3A_482 = arith.addi %scan3A_388, %scan3A_481 : i32
          %mul3A_483 = arith.constant 16 : i32
          %mul3A_484 = arith.muli %scan3A_482, %mul3A_483 : i32
          %get3A_485 = arith.index_cast %scan3A_382 : i32 to index
          %get3A_486 = arith.index_cast %mul3A_484 : i32 to index
          %get3A_487 = tpu.vector_load %arg12[%get3A_485, %get3A_486] {strides = array<i32>} : memref<8x1024xf32, #tpu.memory_space<vmem>>, vector<1x16xf32>,
          %get3A_488 = vector.shape_cast %get3A_487 : vector<1x16xf32> to vector<16xf32>
          %mul3A_489 = arith.constant 3.200000e+01 : f32
          %mul3A_490 = vector.broadcast %mul3A_489 : f32 to vector<16xf32>
          %mul3A_491 = arith.mulf %get3A_488, %mul3A_490 : vector<16xf32>
          %swap3A_492 = arith.index_cast %scan3A_382 : i32 to index
          %swap3A_493 = arith.index_cast %mul3A_484 : i32 to index
          %swap3A_494 = tpu.vector_load %arg12[%swap3A_492, %swap3A_493] {strides = array<i32>} : memref<8x1024xf32, #tpu.memory_space<vmem>>, vector<1x16xf32>,
          %swap3A_495 = vector.shape_cast %swap3A_494 : vector<1x16xf32> to vector<16xf32>
          %swap3A_496 = vector.shape_cast %mul3A_491 : vector<16xf32> to vector<1x16xf32>
          tpu.vector_store %arg12[%swap3A_492, %swap3A_493], %swap3A_496 {strides = array<i32>} : memref<8x1024xf32, #tpu.memory_space<vmem>>, vector<1x16xf32>,
          %scan3A_497 = arith.constant 7 : i32
          %scan3A_498 = arith.addi %scan3A_388, %scan3A_497 : i32
          %mul3A_499 = arith.constant 16 : i32
          %mul3A_500 = arith.muli %scan3A_498, %mul3A_499 : i32
          %get3A_501 = arith.index_cast %scan3A_382 : i32 to index
          %get3A_502 = arith.index_cast %mul3A_500 : i32 to index
          %get3A_503 = tpu.vector_load %arg12[%get3A_501, %get3A_502] {strides = array<i32>} : memref<8x1024xf32, #tpu.memory_space<vmem>>, vector<1x16xf32>,
          %get3A_504 = vector.shape_cast %get3A_503 : vector<1x16xf32> to vector<16xf32>
          %mul3A_505 = arith.constant 3.200000e+01 : f32
          %mul3A_506 = vector.broadcast %mul3A_505 : f32 to vector<16xf32>
          %mul3A_507 = arith.mulf %get3A_504, %mul3A_506 : vector<16xf32>
          %swap3A_508 = arith.index_cast %scan3A_382 : i32 to index
          %swap3A_509 = arith.index_cast %mul3A_500 : i32 to index
          %swap3A_510 = tpu.vector_load %arg12[%swap3A_508, %swap3A_509] {strides = array<i32>} : memref<8x1024xf32, #tpu.memory_space<vmem>>, vector<1x16xf32>,
          %swap3A_511 = vector.shape_cast %swap3A_510 : vector<1x16xf32> to vector<16xf32>
          %swap3A_512 = vector.shape_cast %mul3A_507 : vector<16xf32> to vector<1x16xf32>
          tpu.vector_store %arg12[%swap3A_508, %swap3A_509], %swap3A_512 {strides = array<i32>} : memref<8x1024xf32, #tpu.memory_space<vmem>>, vector<1x16xf32>,
        }
        %scan3A_387 = arith.constant 64 : i32
      }
      %scan3A_339 = arith.constant 8 : i32
      %mul3A_340 = arith.constant 8 : i32
      %mul3A_341 = arith.muli %add3A_319, %mul3A_340 : i32
      %add3A_342 = arith.addi %select_n3A_32, %mul3A_341 : i32
      %dma_start3A_343 = arith.constant 0 : i32
      %dma_start3A_344 = tpu.memref_slice %arg4[%select_n3A, %add3A_342, %dma_start3A_343] : memref<4x4096x1024xf32, #tpu.memory_space<hbm>> -> memref<1x8x1024xf32, #tpu.memory_space<hbm>>
      %dma_start3A_345 = tpu.memref_squeeze %dma_start3A_344 : memref<1x8x1024xf32, #tpu.memory_space<hbm>> -> memref<8x1024xf32, #tpu.memory_space<hbm>>
      %dma_start3A_346 = arith.constant 0 : i32
      %dma_start3A_347 = tpu.memref_slice %arg4[%select_n3A, %add3A_342, %dma_start3A_346] : memref<4x4096x1024xf32, #tpu.memory_space<hbm>> -> memref<1x8x1024xf32, #tpu.memory_space<hbm>>
      %dma_start3A_348 = tpu.memref_squeeze %dma_start3A_347 : memref<1x8x1024xf32, #tpu.memory_space<hbm>> -> memref<8x1024xf32, #tpu.memory_space<hbm>>
      tpu.enqueue_dma source(%arg12 : memref<8x1024xf32, #tpu.memory_space<vmem>>) target(%dma_start3A_348 : memref<8x1024xf32, #tpu.memory_space<hbm>>) target_semaphore(%arg28 : memref<!tpu.dma_semaphore, #tpu.memory_space<semaphore_mem>>)
      %mul3A_349 = arith.constant 8 : i32
      %mul3A_350 = arith.muli %scan3A_119, %mul3A_349 : i32
      %add3A_351 = arith.constant 7 : i32
      %add3A_352 = arith.addi %mul3A_350, %add3A_351 : i32
      %dma_wait3A_353 = arith.constant 0 : i32
      %dma_wait3A_354 = tpu.memref_slice %arg5[%dma_wait3A_353] : memref<512xi32, #tpu.memory_space<vmem>> -> memref<8xi32, #tpu.memory_space<vmem>>
      %dma_wait3A_355 = arith.constant 0 : i32
      %dma_wait3A_356 = arith.constant 0 : i32
      %dma_wait3A_357 = tpu.memref_slice %arg3[%dma_wait3A_355, %dma_wait3A_356] : memref<100000x1024xf32, #tpu.memory_space<hbm>> -> memref<100000x1024xf32, #tpu.memory_space<hbm>>
      tpu.wait_indirect_dma semaphore(%arg21 : memref<!tpu.dma_semaphore, #tpu.memory_space<semaphore_mem>>) src(%dma_wait3A_357 : memref<100000x1024xf32, #tpu.memory_space<hbm>>) dst(%arg13 : memref<8x1024xf32, #tpu.memory_space<vmem>>)
      %add3A_358 = arith.constant 8 : i32
      %add3A_359 = arith.addi %add3A_352, %add3A_358 : i32
      %sub3A_360 = arith.constant 1 : i32
      %sub3A_361 = arith.subi %add3A_359, %sub3A_360 : i32
      %lt3A_362 = arith.constant 64 : i32
      %lt3A_363 = arith.cmpi slt, %sub3A_361, %lt3A_362 : i32
      %convert_element_type3A_364 = arith.extui %lt3A_363 : i1 to i32
      %cond3A_365 = arith.constant 0 : i32
      %cond3A_366 = arith.cmpi ne, %convert_element_type3A_364, %cond3A_365 : i32
      scf.if %cond3A_366 {
        %ge3A = arith.constant 1 : i32
        %ge3A_382 = arith.cmpi sge, %add3A_352, %ge3A : i32
        %convert_element_type3A_383 = arith.extui %ge3A_382 : i1 to i32
        %cond3A_384 = arith.constant 0 : i32
        %cond3A_385 = arith.cmpi ne, %convert_element_type3A_383, %cond3A_384 : i32
        scf.if %cond3A_385 {
          %dma_wait3A_396 = arith.constant 0 : i32
          %dma_wait3A_397 = tpu.memref_slice %arg4[%select_n3A, %select_n3A_32, %dma_wait3A_396] : memref<4x4096x1024xf32, #tpu.memory_space<hbm>> -> memref<1x8x1024xf32, #tpu.memory_space<hbm>>
          %dma_wait3A_398 = tpu.memref_squeeze %dma_wait3A_397 : memref<1x8x1024xf32, #tpu.memory_space<hbm>> -> memref<8x1024xf32, #tpu.memory_space<hbm>>
          %dma_wait3A_399 = arith.constant 0 : i32
          %dma_wait3A_400 = tpu.memref_slice %arg4[%select_n3A, %select_n3A_32, %dma_wait3A_399] : memref<4x4096x1024xf32, #tpu.memory_space<hbm>> -> memref<1x8x1024xf32, #tpu.memory_space<hbm>>
          %dma_wait3A_401 = tpu.memref_squeeze %dma_wait3A_400 : memref<1x8x1024xf32, #tpu.memory_space<hbm>> -> memref<8x1024xf32, #tpu.memory_space<hbm>>
          tpu.wait_dma2 semaphore(%arg28 : memref<!tpu.dma_semaphore, #tpu.memory_space<semaphore_mem>>) src(%arg12 : memref<8x1024xf32, #tpu.memory_space<vmem>>) dst(%dma_wait3A_401 : memref<8x1024xf32, #tpu.memory_space<hbm>>)
        } else {
        }
        %add3A_386 = arith.constant 8 : i32
        %add3A_387 = arith.addi %add3A_352, %add3A_386 : i32
        %sub3A_388 = arith.constant 1 : i32
        %sub3A_389 = arith.subi %add3A_387, %sub3A_388 : i32
        %mul3A_390 = arith.constant 8 : i32
        %mul3A_391 = arith.muli %sub3A_389, %mul3A_390 : i32
        %dma_start3A_392 = tpu.memref_slice %arg5[%mul3A_391] : memref<512xi32, #tpu.memory_space<vmem>> -> memref<8xi32, #tpu.memory_space<vmem>>
        %dma_start3A_393 = arith.constant 0 : i32
        %dma_start3A_394 = arith.constant 0 : i32
        %dma_start3A_395 = tpu.memref_slice %arg3[%dma_start3A_393, %dma_start3A_394] : memref<100000x1024xf32, #tpu.memory_space<hbm>> -> memref<100000x1024xf32, #tpu.memory_space<hbm>>
        tpu.enqueue_indirect_dma source(%dma_start3A_395 : memref<100000x1024xf32, #tpu.memory_space<hbm>>) target(%arg12 : memref<8x1024xf32, #tpu.memory_space<vmem>>) offsets(%dma_start3A_392 : memref<8xi32, #tpu.memory_space<vmem>>) semaphore(%arg20 : memref<!tpu.dma_semaphore, #tpu.memory_space<semaphore_mem>>)
      } else {
      }
      %scan3A_367 = arith.constant 0 : i32
      %scan3A_368 = arith.constant 0 : i32
      %scan3A_369 = arith.constant 8 : i32
      %scan3A_370 = arith.addi %scan3A_368, %scan3A_369 : i32
      %scan3A_371 = arith.constant 1 : i32
      scf.for %scan3A_382 = %scan3A_368 to %scan3A_370 step %scan3A_371  : i32 {
        %scan3A_383 = arith.constant 0 : i32
        %scan3A_384 = arith.constant 64 : i32
        %scan3A_385 = arith.addi %scan3A_383, %scan3A_384 : i32
        %scan3A_386 = arith.constant 8 : i32
        scf.for %scan3A_388 = %scan3A_383 to %scan3A_385 step %scan3A_386  : i32 {
          %mul3A_389 = arith.constant 16 : i32
          %mul3A_390 = arith.muli %scan3A_388, %mul3A_389 : i32
          %get3A = arith.index_cast %scan3A_382 : i32 to index
          %get3A_391 = arith.index_cast %mul3A_390 : i32 to index
          %get3A_392 = tpu.vector_load %arg13[%get3A, %get3A_391] {strides = array<i32>} : memref<8x1024xf32, #tpu.memory_space<vmem>>, vector<1x16xf32>,
          %get3A_393 = vector.shape_cast %get3A_392 : vector<1x16xf32> to vector<16xf32>
          %mul3A_394 = arith.constant 3.200000e+01 : f32
          %mul3A_395 = vector.broadcast %mul3A_394 : f32 to vector<16xf32>
          %mul3A_396 = arith.mulf %get3A_393, %mul3A_395 : vector<16xf32>
          %swap3A = arith.index_cast %scan3A_382 : i32 to index
          %swap3A_397 = arith.index_cast %mul3A_390 : i32 to index
          %swap3A_398 = tpu.vector_load %arg13[%swap3A, %swap3A_397] {strides = array<i32>} : memref<8x1024xf32, #tpu.memory_space<vmem>>, vector<1x16xf32>,
          %swap3A_399 = vector.shape_cast %swap3A_398 : vector<1x16xf32> to vector<16xf32>
          %swap3A_400 = vector.shape_cast %mul3A_396 : vector<16xf32> to vector<1x16xf32>
          tpu.vector_store %arg13[%swap3A, %swap3A_397], %swap3A_400 {strides = array<i32>} : memref<8x1024xf32, #tpu.memory_space<vmem>>, vector<1x16xf32>,
          %scan3A_401 = arith.constant 1 : i32
          %scan3A_402 = arith.addi %scan3A_388, %scan3A_401 : i32
          %mul3A_403 = arith.constant 16 : i32
          %mul3A_404 = arith.muli %scan3A_402, %mul3A_403 : i32
          %get3A_405 = arith.index_cast %scan3A_382 : i32 to index
          %get3A_406 = arith.index_cast %mul3A_404 : i32 to index
          %get3A_407 = tpu.vector_load %arg13[%get3A_405, %get3A_406] {strides = array<i32>} : memref<8x1024xf32, #tpu.memory_space<vmem>>, vector<1x16xf32>,
          %get3A_408 = vector.shape_cast %get3A_407 : vector<1x16xf32> to vector<16xf32>
          %mul3A_409 = arith.constant 3.200000e+01 : f32
          %mul3A_410 = vector.broadcast %mul3A_409 : f32 to vector<16xf32>
          %mul3A_411 = arith.mulf %get3A_408, %mul3A_410 : vector<16xf32>
          %swap3A_412 = arith.index_cast %scan3A_382 : i32 to index
          %swap3A_413 = arith.index_cast %mul3A_404 : i32 to index
          %swap3A_414 = tpu.vector_load %arg13[%swap3A_412, %swap3A_413] {strides = array<i32>} : memref<8x1024xf32, #tpu.memory_space<vmem>>, vector<1x16xf32>,
          %swap3A_415 = vector.shape_cast %swap3A_414 : vector<1x16xf32> to vector<16xf32>
          %swap3A_416 = vector.shape_cast %mul3A_411 : vector<16xf32> to vector<1x16xf32>
          tpu.vector_store %arg13[%swap3A_412, %swap3A_413], %swap3A_416 {strides = array<i32>} : memref<8x1024xf32, #tpu.memory_space<vmem>>, vector<1x16xf32>,
          %scan3A_417 = arith.constant 2 : i32
          %scan3A_418 = arith.addi %scan3A_388, %scan3A_417 : i32
          %mul3A_419 = arith.constant 16 : i32
          %mul3A_420 = arith.muli %scan3A_418, %mul3A_419 : i32
          %get3A_421 = arith.index_cast %scan3A_382 : i32 to index
          %get3A_422 = arith.index_cast %mul3A_420 : i32 to index
          %get3A_423 = tpu.vector_load %arg13[%get3A_421, %get3A_422] {strides = array<i32>} : memref<8x1024xf32, #tpu.memory_space<vmem>>, vector<1x16xf32>,
          %get3A_424 = vector.shape_cast %get3A_423 : vector<1x16xf32> to vector<16xf32>
          %mul3A_425 = arith.constant 3.200000e+01 : f32
          %mul3A_426 = vector.broadcast %mul3A_425 : f32 to vector<16xf32>
          %mul3A_427 = arith.mulf %get3A_424, %mul3A_426 : vector<16xf32>
          %swap3A_428 = arith.index_cast %scan3A_382 : i32 to index
          %swap3A_429 = arith.index_cast %mul3A_420 : i32 to index
          %swap3A_430 = tpu.vector_load %arg13[%swap3A_428, %swap3A_429] {strides = array<i32>} : memref<8x1024xf32, #tpu.memory_space<vmem>>, vector<1x16xf32>,
          %swap3A_431 = vector.shape_cast %swap3A_430 : vector<1x16xf32> to vector<16xf32>
          %swap3A_432 = vector.shape_cast %mul3A_427 : vector<16xf32> to vector<1x16xf32>
          tpu.vector_store %arg13[%swap3A_428, %swap3A_429], %swap3A_432 {strides = array<i32>} : memref<8x1024xf32, #tpu.memory_space<vmem>>, vector<1x16xf32>,
          %scan3A_433 = arith.constant 3 : i32
          %scan3A_434 = arith.addi %scan3A_388, %scan3A_433 : i32
          %mul3A_435 = arith.constant 16 : i32
          %mul3A_436 = arith.muli %scan3A_434, %mul3A_435 : i32
          %get3A_437 = arith.index_cast %scan3A_382 : i32 to index
          %get3A_438 = arith.index_cast %mul3A_436 : i32 to index
          %get3A_439 = tpu.vector_load %arg13[%get3A_437, %get3A_438] {strides = array<i32>} : memref<8x1024xf32, #tpu.memory_space<vmem>>, vector<1x16xf32>,
          %get3A_440 = vector.shape_cast %get3A_439 : vector<1x16xf32> to vector<16xf32>
          %mul3A_441 = arith.constant 3.200000e+01 : f32
          %mul3A_442 = vector.broadcast %mul3A_441 : f32 to vector<16xf32>
          %mul3A_443 = arith.mulf %get3A_440, %mul3A_442 : vector<16xf32>
          %swap3A_444 = arith.index_cast %scan3A_382 : i32 to index
          %swap3A_445 = arith.index_cast %mul3A_436 : i32 to index
          %swap3A_446 = tpu.vector_load %arg13[%swap3A_444, %swap3A_445] {strides = array<i32>} : memref<8x1024xf32, #tpu.memory_space<vmem>>, vector<1x16xf32>,
          %swap3A_447 = vector.shape_cast %swap3A_446 : vector<1x16xf32> to vector<16xf32>
          %swap3A_448 = vector.shape_cast %mul3A_443 : vector<16xf32> to vector<1x16xf32>
          tpu.vector_store %arg13[%swap3A_444, %swap3A_445], %swap3A_448 {strides = array<i32>} : memref<8x1024xf32, #tpu.memory_space<vmem>>, vector<1x16xf32>,
          %scan3A_449 = arith.constant 4 : i32
          %scan3A_450 = arith.addi %scan3A_388, %scan3A_449 : i32
          %mul3A_451 = arith.constant 16 : i32
          %mul3A_452 = arith.muli %scan3A_450, %mul3A_451 : i32
          %get3A_453 = arith.index_cast %scan3A_382 : i32 to index
          %get3A_454 = arith.index_cast %mul3A_452 : i32 to index
          %get3A_455 = tpu.vector_load %arg13[%get3A_453, %get3A_454] {strides = array<i32>} : memref<8x1024xf32, #tpu.memory_space<vmem>>, vector<1x16xf32>,
          %get3A_456 = vector.shape_cast %get3A_455 : vector<1x16xf32> to vector<16xf32>
          %mul3A_457 = arith.constant 3.200000e+01 : f32
          %mul3A_458 = vector.broadcast %mul3A_457 : f32 to vector<16xf32>
          %mul3A_459 = arith.mulf %get3A_456, %mul3A_458 : vector<16xf32>
          %swap3A_460 = arith.index_cast %scan3A_382 : i32 to index
          %swap3A_461 = arith.index_cast %mul3A_452 : i32 to index
          %swap3A_462 = tpu.vector_load %arg13[%swap3A_460, %swap3A_461] {strides = array<i32>} : memref<8x1024xf32, #tpu.memory_space<vmem>>, vector<1x16xf32>,
          %swap3A_463 = vector.shape_cast %swap3A_462 : vector<1x16xf32> to vector<16xf32>
          %swap3A_464 = vector.shape_cast %mul3A_459 : vector<16xf32> to vector<1x16xf32>
          tpu.vector_store %arg13[%swap3A_460, %swap3A_461], %swap3A_464 {strides = array<i32>} : memref<8x1024xf32, #tpu.memory_space<vmem>>, vector<1x16xf32>,
          %scan3A_465 = arith.constant 5 : i32
          %scan3A_466 = arith.addi %scan3A_388, %scan3A_465 : i32
          %mul3A_467 = arith.constant 16 : i32
          %mul3A_468 = arith.muli %scan3A_466, %mul3A_467 : i32
          %get3A_469 = arith.index_cast %scan3A_382 : i32 to index
          %get3A_470 = arith.index_cast %mul3A_468 : i32 to index
          %get3A_471 = tpu.vector_load %arg13[%get3A_469, %get3A_470] {strides = array<i32>} : memref<8x1024xf32, #tpu.memory_space<vmem>>, vector<1x16xf32>,
          %get3A_472 = vector.shape_cast %get3A_471 : vector<1x16xf32> to vector<16xf32>
          %mul3A_473 = arith.constant 3.200000e+01 : f32
          %mul3A_474 = vector.broadcast %mul3A_473 : f32 to vector<16xf32>
          %mul3A_475 = arith.mulf %get3A_472, %mul3A_474 : vector<16xf32>
          %swap3A_476 = arith.index_cast %scan3A_382 : i32 to index
          %swap3A_477 = arith.index_cast %mul3A_468 : i32 to index
          %swap3A_478 = tpu.vector_load %arg13[%swap3A_476, %swap3A_477] {strides = array<i32>} : memref<8x1024xf32, #tpu.memory_space<vmem>>, vector<1x16xf32>,
          %swap3A_479 = vector.shape_cast %swap3A_478 : vector<1x16xf32> to vector<16xf32>
          %swap3A_480 = vector.shape_cast %mul3A_475 : vector<16xf32> to vector<1x16xf32>
          tpu.vector_store %arg13[%swap3A_476, %swap3A_477], %swap3A_480 {strides = array<i32>} : memref<8x1024xf32, #tpu.memory_space<vmem>>, vector<1x16xf32>,
          %scan3A_481 = arith.constant 6 : i32
          %scan3A_482 = arith.addi %scan3A_388, %scan3A_481 : i32
          %mul3A_483 = arith.constant 16 : i32
          %mul3A_484 = arith.muli %scan3A_482, %mul3A_483 : i32
          %get3A_485 = arith.index_cast %scan3A_382 : i32 to index
          %get3A_486 = arith.index_cast %mul3A_484 : i32 to index
          %get3A_487 = tpu.vector_load %arg13[%get3A_485, %get3A_486] {strides = array<i32>} : memref<8x1024xf32, #tpu.memory_space<vmem>>, vector<1x16xf32>,
          %get3A_488 = vector.shape_cast %get3A_487 : vector<1x16xf32> to vector<16xf32>
          %mul3A_489 = arith.constant 3.200000e+01 : f32
          %mul3A_490 = vector.broadcast %mul3A_489 : f32 to vector<16xf32>
          %mul3A_491 = arith.mulf %get3A_488, %mul3A_490 : vector<16xf32>
          %swap3A_492 = arith.index_cast %scan3A_382 : i32 to index
          %swap3A_493 = arith.index_cast %mul3A_484 : i32 to index
          %swap3A_494 = tpu.vector_load %arg13[%swap3A_492, %swap3A_493] {strides = array<i32>} : memref<8x1024xf32, #tpu.memory_space<vmem>>, vector<1x16xf32>,
          %swap3A_495 = vector.shape_cast %swap3A_494 : vector<1x16xf32> to vector<16xf32>
          %swap3A_496 = vector.shape_cast %mul3A_491 : vector<16xf32> to vector<1x16xf32>
          tpu.vector_store %arg13[%swap3A_492, %swap3A_493], %swap3A_496 {strides = array<i32>} : memref<8x1024xf32, #tpu.memory_space<vmem>>, vector<1x16xf32>,
          %scan3A_497 = arith.constant 7 : i32
          %scan3A_498 = arith.addi %scan3A_388, %scan3A_497 : i32
          %mul3A_499 = arith.constant 16 : i32
          %mul3A_500 = arith.muli %scan3A_498, %mul3A_499 : i32
          %get3A_501 = arith.index_cast %scan3A_382 : i32 to index
          %get3A_502 = arith.index_cast %mul3A_500 : i32 to index
          %get3A_503 = tpu.vector_load %arg13[%get3A_501, %get3A_502] {strides = array<i32>} : memref<8x1024xf32, #tpu.memory_space<vmem>>, vector<1x16xf32>,
          %get3A_504 = vector.shape_cast %get3A_503 : vector<1x16xf32> to vector<16xf32>
          %mul3A_505 = arith.constant 3.200000e+01 : f32
          %mul3A_506 = vector.broadcast %mul3A_505 : f32 to vector<16xf32>
          %mul3A_507 = arith.mulf %get3A_504, %mul3A_506 : vector<16xf32>
          %swap3A_508 = arith.index_cast %scan3A_382 : i32 to index
          %swap3A_509 = arith.index_cast %mul3A_500 : i32 to index
          %swap3A_510 = tpu.vector_load %arg13[%swap3A_508, %swap3A_509] {strides = array<i32>} : memref<8x1024xf32, #tpu.memory_space<vmem>>, vector<1x16xf32>,
          %swap3A_511 = vector.shape_cast %swap3A_510 : vector<1x16xf32> to vector<16xf32>
          %swap3A_512 = vector.shape_cast %mul3A_507 : vector<16xf32> to vector<1x16xf32>
          tpu.vector_store %arg13[%swap3A_508, %swap3A_509], %swap3A_512 {strides = array<i32>} : memref<8x1024xf32, #tpu.memory_space<vmem>>, vector<1x16xf32>,
        }
        %scan3A_387 = arith.constant 64 : i32
      }
      %scan3A_372 = arith.constant 8 : i32
      %mul3A_373 = arith.constant 8 : i32
      %mul3A_374 = arith.muli %add3A_352, %mul3A_373 : i32
      %add3A_375 = arith.addi %select_n3A_32, %mul3A_374 : i32
      %dma_start3A_376 = arith.constant 0 : i32
      %dma_start3A_377 = tpu.memref_slice %arg4[%select_n3A, %add3A_375, %dma_start3A_376] : memref<4x4096x1024xf32, #tpu.memory_space<hbm>> -> memref<1x8x1024xf32, #tpu.memory_space<hbm>>
      %dma_start3A_378 = tpu.memref_squeeze %dma_start3A_377 : memref<1x8x1024xf32, #tpu.memory_space<hbm>> -> memref<8x1024xf32, #tpu.memory_space<hbm>>
      %dma_start3A_379 = arith.constant 0 : i32
      %dma_start3A_380 = tpu.memref_slice %arg4[%select_n3A, %add3A_375, %dma_start3A_379] : memref<4x4096x1024xf32, #tpu.memory_space<hbm>> -> memref<1x8x1024xf32, #tpu.memory_space<hbm>>
      %dma_start3A_381 = tpu.memref_squeeze %dma_start3A_380 : memref<1x8x1024xf32, #tpu.memory_space<hbm>> -> memref<8x1024xf32, #tpu.memory_space<hbm>>
      tpu.enqueue_dma source(%arg13 : memref<8x1024xf32, #tpu.memory_space<vmem>>) target(%dma_start3A_381 : memref<8x1024xf32, #tpu.memory_space<hbm>>) target_semaphore(%arg29 : memref<!tpu.dma_semaphore, #tpu.memory_space<semaphore_mem>>)
    }
    %scan3A_71 = arith.constant 8 : i32
    %dma_wait3A = arith.constant 0 : i32
    %dma_wait3A_72 = tpu.memref_slice %arg4[%select_n3A, %select_n3A_32, %dma_wait3A] : memref<4x4096x1024xf32, #tpu.memory_space<hbm>> -> memref<1x8x1024xf32, #tpu.memory_space<hbm>>
    %dma_wait3A_73 = tpu.memref_squeeze %dma_wait3A_72 : memref<1x8x1024xf32, #tpu.memory_space<hbm>> -> memref<8x1024xf32, #tpu.memory_space<hbm>>
    %dma_wait3A_74 = arith.constant 0 : i32
    %dma_wait3A_75 = tpu.memref_slice %arg4[%select_n3A, %select_n3A_32, %dma_wait3A_74] : memref<4x4096x1024xf32, #tpu.memory_space<hbm>> -> memref<1x8x1024xf32, #tpu.memory_space<hbm>>
    %dma_wait3A_76 = tpu.memref_squeeze %dma_wait3A_75 : memref<1x8x1024xf32, #tpu.memory_space<hbm>> -> memref<8x1024xf32, #tpu.memory_space<hbm>>
    tpu.wait_dma2 semaphore(%arg22 : memref<!tpu.dma_semaphore, #tpu.memory_space<semaphore_mem>>) src(%arg6 : memref<8x1024xf32, #tpu.memory_space<vmem>>) dst(%dma_wait3A_76 : memref<8x1024xf32, #tpu.memory_space<hbm>>)
    %dma_wait3A_77 = arith.constant 0 : i32
    %dma_wait3A_78 = tpu.memref_slice %arg4[%select_n3A, %select_n3A_32, %dma_wait3A_77] : memref<4x4096x1024xf32, #tpu.memory_space<hbm>> -> memref<1x8x1024xf32, #tpu.memory_space<hbm>>
    %dma_wait3A_79 = tpu.memref_squeeze %dma_wait3A_78 : memref<1x8x1024xf32, #tpu.memory_space<hbm>> -> memref<8x1024xf32, #tpu.memory_space<hbm>>
    %dma_wait3A_80 = arith.constant 0 : i32
    %dma_wait3A_81 = tpu.memref_slice %arg4[%select_n3A, %select_n3A_32, %dma_wait3A_80] : memref<4x4096x1024xf32, #tpu.memory_space<hbm>> -> memref<1x8x1024xf32, #tpu.memory_space<hbm>>
    %dma_wait3A_82 = tpu.memref_squeeze %dma_wait3A_81 : memref<1x8x1024xf32, #tpu.memory_space<hbm>> -> memref<8x1024xf32, #tpu.memory_space<hbm>>
    tpu.wait_dma2 semaphore(%arg23 : memref<!tpu.dma_semaphore, #tpu.memory_space<semaphore_mem>>) src(%arg7 : memref<8x1024xf32, #tpu.memory_space<vmem>>) dst(%dma_wait3A_82 : memref<8x1024xf32, #tpu.memory_space<hbm>>)
    %dma_wait3A_83 = arith.constant 0 : i32
    %dma_wait3A_84 = tpu.memref_slice %arg4[%select_n3A, %select_n3A_32, %dma_wait3A_83] : memref<4x4096x1024xf32, #tpu.memory_space<hbm>> -> memref<1x8x1024xf32, #tpu.memory_space<hbm>>
    %dma_wait3A_85 = tpu.memref_squeeze %dma_wait3A_84 : memref<1x8x1024xf32, #tpu.memory_space<hbm>> -> memref<8x1024xf32, #tpu.memory_space<hbm>>
    %dma_wait3A_86 = arith.constant 0 : i32
    %dma_wait3A_87 = tpu.memref_slice %arg4[%select_n3A, %select_n3A_32, %dma_wait3A_86] : memref<4x4096x1024xf32, #tpu.memory_space<hbm>> -> memref<1x8x1024xf32, #tpu.memory_space<hbm>>
    %dma_wait3A_88 = tpu.memref_squeeze %dma_wait3A_87 : memref<1x8x1024xf32, #tpu.memory_space<hbm>> -> memref<8x1024xf32, #tpu.memory_space<hbm>>
    tpu.wait_dma2 semaphore(%arg24 : memref<!tpu.dma_semaphore, #tpu.memory_space<semaphore_mem>>) src(%arg8 : memref<8x1024xf32, #tpu.memory_space<vmem>>) dst(%dma_wait3A_88 : memref<8x1024xf32, #tpu.memory_space<hbm>>)
    %dma_wait3A_89 = arith.constant 0 : i32
    %dma_wait3A_90 = tpu.memref_slice %arg4[%select_n3A, %select_n3A_32, %dma_wait3A_89] : memref<4x4096x1024xf32, #tpu.memory_space<hbm>> -> memref<1x8x1024xf32, #tpu.memory_space<hbm>>
    %dma_wait3A_91 = tpu.memref_squeeze %dma_wait3A_90 : memref<1x8x1024xf32, #tpu.memory_space<hbm>> -> memref<8x1024xf32, #tpu.memory_space<hbm>>
    %dma_wait3A_92 = arith.constant 0 : i32
    %dma_wait3A_93 = tpu.memref_slice %arg4[%select_n3A, %select_n3A_32, %dma_wait3A_92] : memref<4x4096x1024xf32, #tpu.memory_space<hbm>> -> memref<1x8x1024xf32, #tpu.memory_space<hbm>>
    %dma_wait3A_94 = tpu.memref_squeeze %dma_wait3A_93 : memref<1x8x1024xf32, #tpu.memory_space<hbm>> -> memref<8x1024xf32, #tpu.memory_space<hbm>>
    tpu.wait_dma2 semaphore(%arg25 : memref<!tpu.dma_semaphore, #tpu.memory_space<semaphore_mem>>) src(%arg9 : memref<8x1024xf32, #tpu.memory_space<vmem>>) dst(%dma_wait3A_94 : memref<8x1024xf32, #tpu.memory_space<hbm>>)
    %dma_wait3A_95 = arith.constant 0 : i32
    %dma_wait3A_96 = tpu.memref_slice %arg4[%select_n3A, %select_n3A_32, %dma_wait3A_95] : memref<4x4096x1024xf32, #tpu.memory_space<hbm>> -> memref<1x8x1024xf32, #tpu.memory_space<hbm>>
    %dma_wait3A_97 = tpu.memref_squeeze %dma_wait3A_96 : memref<1x8x1024xf32, #tpu.memory_space<hbm>> -> memref<8x1024xf32, #tpu.memory_space<hbm>>
    %dma_wait3A_98 = arith.constant 0 : i32
    %dma_wait3A_99 = tpu.memref_slice %arg4[%select_n3A, %select_n3A_32, %dma_wait3A_98] : memref<4x4096x1024xf32, #tpu.memory_space<hbm>> -> memref<1x8x1024xf32, #tpu.memory_space<hbm>>
    %dma_wait3A_100 = tpu.memref_squeeze %dma_wait3A_99 : memref<1x8x1024xf32, #tpu.memory_space<hbm>> -> memref<8x1024xf32, #tpu.memory_space<hbm>>
    tpu.wait_dma2 semaphore(%arg26 : memref<!tpu.dma_semaphore, #tpu.memory_space<semaphore_mem>>) src(%arg10 : memref<8x1024xf32, #tpu.memory_space<vmem>>) dst(%dma_wait3A_100 : memref<8x1024xf32, #tpu.memory_space<hbm>>)
    %dma_wait3A_101 = arith.constant 0 : i32
    %dma_wait3A_102 = tpu.memref_slice %arg4[%select_n3A, %select_n3A_32, %dma_wait3A_101] : memref<4x4096x1024xf32, #tpu.memory_space<hbm>> -> memref<1x8x1024xf32, #tpu.memory_space<hbm>>
    %dma_wait3A_103 = tpu.memref_squeeze %dma_wait3A_102 : memref<1x8x1024xf32, #tpu.memory_space<hbm>> -> memref<8x1024xf32, #tpu.memory_space<hbm>>
    %dma_wait3A_104 = arith.constant 0 : i32
    %dma_wait3A_105 = tpu.memref_slice %arg4[%select_n3A, %select_n3A_32, %dma_wait3A_104] : memref<4x4096x1024xf32, #tpu.memory_space<hbm>> -> memref<1x8x1024xf32, #tpu.memory_space<hbm>>
    %dma_wait3A_106 = tpu.memref_squeeze %dma_wait3A_105 : memref<1x8x1024xf32, #tpu.memory_space<hbm>> -> memref<8x1024xf32, #tpu.memory_space<hbm>>
    tpu.wait_dma2 semaphore(%arg27 : memref<!tpu.dma_semaphore, #tpu.memory_space<semaphore_mem>>) src(%arg11 : memref<8x1024xf32, #tpu.memory_space<vmem>>) dst(%dma_wait3A_106 : memref<8x1024xf32, #tpu.memory_space<hbm>>)
    %dma_wait3A_107 = arith.constant 0 : i32
    %dma_wait3A_108 = tpu.memref_slice %arg4[%select_n3A, %select_n3A_32, %dma_wait3A_107] : memref<4x4096x1024xf32, #tpu.memory_space<hbm>> -> memref<1x8x1024xf32, #tpu.memory_space<hbm>>
    %dma_wait3A_109 = tpu.memref_squeeze %dma_wait3A_108 : memref<1x8x1024xf32, #tpu.memory_space<hbm>> -> memref<8x1024xf32, #tpu.memory_space<hbm>>
    %dma_wait3A_110 = arith.constant 0 : i32
    %dma_wait3A_111 = tpu.memref_slice %arg4[%select_n3A, %select_n3A_32, %dma_wait3A_110] : memref<4x4096x1024xf32, #tpu.memory_space<hbm>> -> memref<1x8x1024xf32, #tpu.memory_space<hbm>>
    %dma_wait3A_112 = tpu.memref_squeeze %dma_wait3A_111 : memref<1x8x1024xf32, #tpu.memory_space<hbm>> -> memref<8x1024xf32, #tpu.memory_space<hbm>>
    tpu.wait_dma2 semaphore(%arg28 : memref<!tpu.dma_semaphore, #tpu.memory_space<semaphore_mem>>) src(%arg12 : memref<8x1024xf32, #tpu.memory_space<vmem>>) dst(%dma_wait3A_112 : memref<8x1024xf32, #tpu.memory_space<hbm>>)
    %dma_wait3A_113 = arith.constant 0 : i32
    %dma_wait3A_114 = tpu.memref_slice %arg4[%select_n3A, %select_n3A_32, %dma_wait3A_113] : memref<4x4096x1024xf32, #tpu.memory_space<hbm>> -> memref<1x8x1024xf32, #tpu.memory_space<hbm>>
    %dma_wait3A_115 = tpu.memref_squeeze %dma_wait3A_114 : memref<1x8x1024xf32, #tpu.memory_space<hbm>> -> memref<8x1024xf32, #tpu.memory_space<hbm>>
    %dma_wait3A_116 = arith.constant 0 : i32
    %dma_wait3A_117 = tpu.memref_slice %arg4[%select_n3A, %select_n3A_32, %dma_wait3A_116] : memref<4x4096x1024xf32, #tpu.memory_space<hbm>> -> memref<1x8x1024xf32, #tpu.memory_space<hbm>>
    %dma_wait3A_118 = tpu.memref_squeeze %dma_wait3A_117 : memref<1x8x1024xf32, #tpu.memory_space<hbm>> -> memref<8x1024xf32, #tpu.memory_space<hbm>>
    tpu.wait_dma2 semaphore(%arg29 : memref<!tpu.dma_semaphore, #tpu.memory_space<semaphore_mem>>) src(%arg13 : memref<8x1024xf32, #tpu.memory_space<vmem>>) dst(%dma_wait3A_118 : memref<8x1024xf32, #tpu.memory_space<hbm>>)
    return
  }
}

</mosaic_0001>

<sc_bundles>
// kernel: kernel.3.cloned.1.call-start
scs
__scs_entry_jumppad:
0x0: {  	(pc) =	sbr.rel $0x88, $3  }
0x1: {  	(tag) =	ssettag $0x0;
	lr =	simm.s32 $0x1  }
0x2: {  	[smem:$0x3F9F] =	sst lr;
	_ =	strace $0xD0000000  }
0x3: {  	_ = 	snop  }
0x4: {  	_ = 	snop  }
0x5: {  	_ = 	snop  }
0x6: {  	_ = 	snop  }
0x7: {  	_ = 	snop  }
__scs_overlays_trampoline_lowered:
0x8: {  	[smem:$0x3FAE] =	sst s0  }
0x9: {  	[smem:$0x3FAF] =	sst s1  }
0xa: {  	[smem:$0x3FB0] =	sst s2  }
0xb: {  	[smem:$0x3FB1] =	sst s3  }
0xc: {  	[smem:$0x3FB2] =	sst s4  }
0xd: {  	[smem:$0x3FB3] =	sst s5  }
0xe: {  	[smem:$0x3FB4] =	sst s6  }
0xf: {  	[smem:$0x3FB5] =	sst s7  }
0x10: {  	[smem:$0x3FB6] =	sst s8  }
0x11: {  	[smem:$0x3FB7] =	sst s9;
	s0 =	simm.s32 @!p0 $0x0  }
0x12: {  	s1 =	sld [smem:$0x3F9D];
	s0 =	simm.s32 @p0 $0x1  }
0x13: {  	[smem:$0x3FB8] =	sst s0;
	s0 =	simm.s32 @!p1 $0x0  }
0x14: {  	s2 =	sld [smem:$0x3F9C];
	s0 =	simm.s32 @p1 $0x1  }
0x15: {  	[smem:$0x3FB9] =	sst s0;
	s0 =	simm.s32 @!p2 $0x0  }
0x16: {  	s3 =	sld [smem:$0x3FDB];
	s0 =	simm.s32 @p2 $0x1  }
0x17: {  	s4 =	simm.s32 $0x1BF5;
	[smem:$0x3FBB] =	sst s0  }
0x18: {  	s0 =	sld [smem:$0x3F9E];
	_ =	swait.ge [sflag:s4], $0x0  }
0x19: {  	s7 =	sld [smem:$0x3F9F]  }
0x1a: {  	s8 =	sadd.s32 $0xFFFFE003, lr  }
0x1b: {  	s9 =	sadd.s32 $0xFFFFFEF7, lr;
	s5 =	simm.s32 $0xFFFFFFFF;
	p2 =	slt.u32 s8, $0xFFFFF086  }
0x1c: {  	p1 =	slt.u32 s9, $0xF7A;
	s5 =	simm.s32 @!p2 $0x0  }
0x1d: {  	s5 =	simm.s32 @p1 $0x1;
	p0 =	seq.s32 s7, s2  }
0x1e: {  	s7 =	smul.u32 @!p0 $0xF7A, s2;
	p2 =	seq.s32 @!p0 s5, $0x0  }
0x1f: {  	s9 =	smul.u32 $0xF7A, s1;
	s8 =	simm.s32 @!p0 $0x1BF5;
	p2 =	por !p2, p0  }
0x20: {  	[sflag:s8] =	ssyncset.s32 @!p0 $0xFFFFF086;
	s6 =	sadd.s32 @!p0 s3, s7;
	s7 =	simm.s32 @!p0 $0x108  }
0x21: {  	s3 =	sadd.s32 s3, s9;
	s6 =	sadd.s32 @!p0 $0x88, s6;
	s7 =	simm.s32 @p2 $0x1082  }
0x22: {  	[simem:s7], [sflag:s8] =	dma.local @!p0 [hbm:s6], $0xF7A  }
0x23: {  	s9 =	sor.u32 $0xD0000000, s2;
	s6 =	simm.s32 $0x108;
	_ =	swait.ge @!p0 [sflag:s8], $0x0  }
0x24: {  	s3 =	sadd.s32 $0x88, s3;
	s6 =	simm.s32 @!p1 $0x1082;
	[sflag:s4] =	ssyncset.s32 $0xFFFFF086  }
0x25: {  	[simem:s6], [sflag:s4] =	dma.local [hbm:s3], $0xF7A  }
0x26: {  	[smem:$0x3F9F] =	sst s1;
	(tag) =	ssettag s2;
	_ =	strace s9  }
0x27: {  	s1 =	sld [smem:$0x3FAF]  }
0x28: {  	s2 =	sld [smem:$0x3FB0]  }
0x29: {  	s4 =	sld [smem:$0x3FB2]  }
0x2a: {  	p0 =	seq.s32 s5, $0x0;
	s5 =	sld [smem:$0x3FB3]  }
0x2b: {  	s6 =	sld [smem:$0x3FB4]  }
0x2c: {  	s7 =	sld [smem:$0x3FB5]  }
0x2d: {  	s3 =	simm.s32 $0x108;
	s8 =	sld [smem:$0x3FB6]  }
0x2e: {  	s3 =	simm.s32 @!p0 $0x1082;
	s9 =	sld [smem:$0x3FB7]  }
0x2f: {  	lr =	sadd.s32 s0, s3;
	s0 =	sld [smem:$0x3FAE]  }
0x30: {  	s3 =	sld [smem:$0x3FB1]  }
0x31: {  	[smem:$0x3FBA] =	sst s10  }
0x32: {  	s10 =	sld [smem:$0x3FB8];
	_ =	sdelay $0x3  }
0x33: {  	p0 =	seq.s32 s10, $0x1;
	s10 =	sld [smem:$0x3FBA];
	_ =	sdelay $0x3  }
0x34: {  	[smem:$0x3FBA] =	sst s10  }
0x35: {  	s10 =	sld [smem:$0x3FB9];
	_ =	sdelay $0x3  }
0x36: {  	p1 =	seq.s32 s10, $0x1;
	s10 =	sld [smem:$0x3FBA];
	_ =	sdelay $0x3  }
0x37: {  	[smem:$0x3FBA] =	sst s10  }
0x38: {  	s10 =	sld [smem:$0x3FBB]  }
0x39: {  	_ = 	snop;
	(pc) =	sbr.ind lr, $3  }
0x3a: {  	_ = 	snop  }
0x3b: {  	_ = 	snop  }
0x3c: {  	p2 =	seq.s32 s10, $0x1;
	s10 =	sld [smem:$0x3FBA]  }
0x3d: {  	_ =	shalt  }
0x3e: {  	_ =	shalt  }
0x3f: {  	_ =	shalt  }
0x40: {  	_ =	shalt  }
0x41: {  	_ =	shalt  }
0x42: {  	_ =	shalt  }
0x43: {  	_ =	shalt  }
0x44: {  	_ =	shalt  }
0x45: {  	_ =	shalt  }
0x46: {  	_ =	shalt  }
0x47: {  	_ =	shalt  }
0x48: {  	_ =	shalt  }
0x49: {  	_ =	shalt  }
0x4a: {  	_ =	shalt  }
0x4b: {  	_ =	shalt  }
0x4c: {  	_ =	shalt  }
0x4d: {  	_ =	shalt  }
0x4e: {  	_ =	shalt  }
0x4f: {  	_ =	shalt  }
0x50: {  	_ =	shalt  }
0x51: {  	_ =	shalt  }
0x52: {  	_ =	shalt  }
0x53: {  	_ =	shalt  }
0x54: {  	_ =	shalt  }
0x55: {  	_ =	shalt  }
0x56: {  	_ =	shalt  }
0x57: {  	_ =	shalt  }
0x58: {  	_ =	shalt  }
0x59: {  	_ =	shalt  }
0x5a: {  	_ =	shalt  }
0x5b: {  	_ =	shalt  }
0x5c: {  	_ =	shalt  }
0x5d: {  	_ =	shalt  }
0x5e: {  	_ =	shalt  }
0x5f: {  	_ =	shalt  }
0x60: {  	_ =	shalt  }
0x61: {  	_ =	shalt  }
0x62: {  	_ =	shalt  }
0x63: {  	_ =	shalt  }
0x64: {  	_ =	shalt  }
0x65: {  	_ =	shalt  }
0x66: {  	_ =	shalt  }
0x67: {  	_ =	shalt  }
0x68: {  	_ =	shalt  }
0x69: {  	_ =	shalt  }
0x6a: {  	_ =	shalt  }
0x6b: {  	_ =	shalt  }
0x6c: {  	_ =	shalt  }
0x6d: {  	_ =	shalt  }
0x6e: {  	_ =	shalt  }
0x6f: {  	_ =	shalt  }
0x70: {  	_ =	shalt  }
0x71: {  	_ =	shalt  }
0x72: {  	_ =	shalt  }
0x73: {  	_ =	shalt  }
0x74: {  	_ =	shalt  }
0x75: {  	_ =	shalt  }
0x76: {  	_ =	shalt  }
0x77: {  	_ =	shalt  }
0x78: {  	_ =	shalt  }
0x79: {  	_ =	shalt  }
0x7a: {  	_ =	shalt  }
0x7b: {  	_ =	shalt  }
0x7c: {  	_ =	shalt  }
0x7d: {  	_ =	shalt  }
0x7e: {  	_ =	shalt  }
0x7f: {  	_ =	shalt  }
0x80: {  	_ =	shalt  }
0x81: {  	_ =	shalt  }
0x82: {  	_ =	shalt  }
0x83: {  	_ =	shalt  }
0x84: {  	_ =	shalt  }
0x85: {  	_ =	shalt  }
0x86: {  	_ =	shalt  }
0x87: {  	_ =	shalt  }
.Lfunc_end0:
.L_simem_size_0:
called_computation_lowered:
.L_overlay_start_0:
0x88: {  	s2 =	sld [smem:$0x3FD9]  }
0x89: {  	s3 =	sld [smem:$0x3FFE];
	_ =	sdelay $0x1  }
0x8a: {  	s1 =	srdreg.scid  }
0x8b: {  	s0 =	sand.u32 $0x1, s1  }
0x8c: {  	s18 =	sshll.u32 s0, $0xA;
	s2 =	sadd.s32 s3, s2  }
0x8d: {  	s2 =	sadd.s32 s2, s18  }
0x8e: {  	[smem:$0x3FC6] =	sst s2  }
0x8f: {  	_ = 	snop  }
0x90: {  	s2 =	sld [smem:$0x3FC9]  }
0x91: {  	s19 =	sld [smem:$0x3FC8]  }
0x92: {  	s4 =	sld [smem:$0x3FD0];
	(tm) =	ssettm $0x1  }
0x93: {  	s5 =	sld [smem:$0x3FFB];
	_ =	sdelay $0x3  }
0x94: {  	_ =	strace s5  }
0x95: {  	s5 =	sld [smem:$0x3FFC];
	_ =	sdelay $0x3  }
0x96: {  	_ =	strace s5  }
0x97: {  	s5 =	sld [smem:$0x3FFD];
	_ =	sdelay $0x3  }
0x98: {  	_ =	strace s5  }
0x99: {  	_ =	strace $0x8FFFFFFF  }
0x9a: {  	s20 =	sld [smem:$0x3FDB];
	_ =	sdelay $0x1  }
0x9b: {  	s6 =	simm.s32 $_scs_section_size  }
0x9c: {  	s7 =	simm.s32 $_size__tile_overlayer_lowered;
	s8 =	simm.s32 $_tile_overlayer_lowered  }
0x9d: {  	s23 =	simm.s32 $0x1BFF;
	s22 =	sshll.u32 s8, $0x1;
	s5 =	sadd.s32 s6, s20  }
0x9e: {  	s9 =	simm.s32 $0x0;
	s21 =	sshll.u32 s7, $0x1;
	s7 =	sadd.s32 s22, s5  }
0x9f: {  	[timem:s9], [sflag:s23] =	dma.local [hbm:s7], s21  }
0xa0: {  	_ =	swait.ge [sflag:s23], s21  }
0xa1: {  	s6 =	ssub.s32 $0x0, s21;
	[sflag:s23] =	ssyncset.done $0x0  }
0xa2: {  	[sflag:s23] =	ssyncadd.s32 s6;
	_ =	sdelay $0x1  }
0xa3: {  	s24 =	simm.s32 $0x1B8B  }
0xa4: {  	_ =	swait.ge [sflag:s24], $0x1  }
0xa5: {  	[sflag:s24] =	ssyncset.done $0x0  }
0xa6: {  	s25 =	simm.s32 $0x1B8E;
	[sflag:s24] =	ssyncadd.s32 $0xFFFFFFFF  }
0xa7: {  	s26 =	simm.s32 $execute0_lowered;
	[smem:$0x3FD2] =	sst s25  }
0xa8: {  	s6 =	sshll.u32 s26, $0x1;
	_ =	strace $0x80000046;
	[dreg:$0x1] =	wrdreg $0xFFFFFFFF  }
0xa9: {  	s28 =	simm.s32 $_size_execute0_lowered;
	s5 =	sadd.s32 s5, s6;
	[dreg:$0x0] =	wrdreg $0x0  }
0xaa: {  	s6 =	sshll.u32 s28, $0x1;
	[dreg:$0x2] =	wrdreg s5  }
0xab: {  	[dreg:$0x3] =	wrdreg s6  }
0xac: {  	[dreg:$0x4] =	wrdreg $0xC0  }
0xad: {  	_ =	task [dreg:s9], $0x5FFFF  }
0xae: {  	[dreg:$0x1] =	wrdreg $0xFFFFFFFF  }
0xaf: {  	[dreg:$0x0] =	wrdreg $0x60  }
0xb0: {  	[dreg:$0x2] =	wrdreg s2  }
0xb1: {  	[dreg:$0x3] =	wrdreg s19  }
0xb2: {  	[dreg:$0x4] =	wrdreg s4  }
0xb3: {  	[dreg:$0x5] =	wrdreg $0x9  }
0xb4: {  	_ =	task.clear_ibuf [dreg:s9], $0x6FFFF;
	_ =	strace $0x90000046  }
0xb5: {  	s29 =	simm.s32 $0x9;
	_ =	strace $0x80000048  }
0xb6: {  	_ =	swait.ge [sflag:s29], $0x1  }
0xb7: {  	[sflag:s29] =	ssyncadd.s32 $0xFFFFFFFF  }
0xb8: {  	_ =	strace $0x90000048  }
0xb9: {  	_ =	sfence  }
0xba: {  	s30 =	sld [smem:$0x0];
	_ =	sdelay $0x2  }
0xbb: {  	s31 =	sshll.u32 s1, $0xD;
	s1 =	sshrl.u32 s1, $0x2  }
0xbc: {  	s3 =	sand.u32 $0x4000, s31;
	s1 =	sadd.s32 s1, s30  }
0xbd: {  	s0 =	sor.u32 s3, s0;
	s1 =	sshll.u32 s1, $0x11  }
0xbe: {  	s0 =	sor.u32 s1, s0  }
0xbf: {  	s0 =	sadd.s32 $0x8F2B, s0  }
0xc0: {  	[sflag:s0] =	ssyncadd.remote.s32 $0x1  }
0xc1: {  	_ =	sfence.sel $0xFFFF  }
0xc2: {  	[dreg:$0x0] =	wrdreg $0xFFFFFFFF;
	(pc) =	sbr.abs _section_cstart, $3  }
0xc3: {  	[dreg:$0x1] =	wrdreg $0xFFFFFFFF  }
0xc4: {  	_ =	task.clear_ibuf [dreg:s9], $0x2FFFF;
	_ =	strace $0x9FFFFFFF  }
0xc5: {  	(tm) =	ssettm $0x7FFFFFFF  }
tec
execute0_lowered:
.L_overlay_start_1:
0x0: {  	(tag) =	ssettag $0x1  }
0x1: {  	s0 =	rddreg [dreg:$0x0]  }
0x2: {  	s2 =	rddreg [dreg:$0x1];
	s1 =	srdreg.scid  }
0x3: {  	s7 =	stileid.u32;
	s3 =	rddreg [dreg:$0x2];
	s15 =	simm.s32 $0x200  }
0x4: {  	s19 =	simm.s32 $0xA200;
	s25 =	simm.s32 $0xC200;
	s31 =	simm.s32 $0x1  }
0x5: {  	s21 =	simm.s32 $0x2;
	s22 =	simm.s32 $0x3;
	s23 =	simm.s32 $0x4  }
0x6: {  	s28 =	simm.s32 $0x6;
	s30 =	simm.s32 $0x7;
	s14 =	simm.s32 $0x0  }
0x7: {  	s1 =	sand.u32 $0x1, s1;
	s4 =	sshll.u32 s7, $0xA;
	s10 =	sshrl.u32 s7, $0x2  }
0x8: {  	s9 =	sadd.s32 $0x300, s2;
	s5 =	sshll.u32 s1, $0x9;
	s6 =	sand.u32 $0xC00, s4  }
0x9: {  	s4 =	simm.s32 $0x0;
	s1 =	ssub.s32 $0x2, s1;
	s7 =	sshll.u32 s10, $0x7  }
0xa: {  	s10 =	sshll.u32 s10, $0x16;
	s5 =	sor.u32 s5, s6;
	[smem:$0x7FF] =	sst s4  }
0xb: {  	s8 =	sshrl.u32 s1, $0x1;
	s6 =	sshll.u32 s5, $0x2;
	_ =	strace $0x80000047  }
0xc: {  	s1 =	ssub.s32 s1, s8;
	s8 =	sadd.s32 $0x200, s2;
	s26 =	sshll.u32 s5, $0xA  }
0xd: {  	s12 =	sshrl.u32 s5, $0x3;
	s6 =	sor.u32 s7, s6;
	s7 =	sadd.s32 $0x100, s2  }
0xe: {  	v0 =	vlaneseq.u32;
	s11 =	sor.u32 s10, s26;
	s29 =	smax.u32 s1, $0x1;
	s6 =	sshrl.u32 s6, $0x3  }
0xf: {  	v1 =	vshrl.u32 v0, $0x3;
	s1 =	simm.s32 $0xE200;
	[dreg:$0x5] =	wrdreg s29;
	s0 =	sadd.s32 s0, s6  }
0x10: {  	vm0 =	vmmov $0xffff;
	v0 =	vand.u32 $0x7, v0;
	v1 =	vmul.u32 $0x8, v1;
	s26 =	simm.s32 $0x5;
	s6 =	simm.s32 $0x8;
	[dreg:$0x4] =	wrdreg s0  }
.LBB2_1:
0x11: {  	[dreg:$0x6] =	wrdreg s14  }
0x12: {  	s0 =	rddreg [dreg:$0x4];
	s13 =	simm.s32 $0x80;
	s24 =	simm.s32 $0x11  }
0x13: {  	[tilespmem:s4], [sflag:$0x11] =	stream.strided.gather [hbm4b:s0+s13], $0x200, s15, s13, $0x38;
	[tilespmem:$0x10200] =	vst v63  }
0x14: {  	_ =	swait.ge [sflag:s24], $0x200  }
0x15: {  	[sflag:s24] =	ssyncset.done $0x0  }
0x16: {  	[sflag:s24] =	ssyncadd.s32 $0xFFFFFE00  }
0x17: {  	v2 =	vld.msk [tilespmem:$0x0], $0xff;
	_ =	sdelay $0x4  }
0x18: {  	v3 =	vshll.u32 v2, $0x3  }
0x19: {  	v2 =	vand.u32 $0x7, v2;
	v3 =	vand.u32 $0xFFFFFFC0, v3  }
0x1a: {  	v2 =	vor.u32 v2, v3  }
0x1b: {  	v2 =	vperm.xlane v2, v0;
	_ =	sdelay $0x1  }
0x1c: {  	v2 =	vadd.s32 v1, v2;
	_ =	sdelay $0x4  }
0x1d: {  	[tilespmem:s15], [sflag:$0x1] =	stream.indirect_vreg.gather [hbm4b:s2+s4], $0x80, v2, vm0, $0xb8;
	[tilespmem:$0x10200] =	vst v63  }
0x1e: {  	s29 =	simm.s32 $0xA00  }
0x1f: {  	[tilespmem:s29], [sflag:$0x1] =	stream.indirect_vreg.gather [hbm4b:s7+s4], $0x80, v2, vm0, $0xb8;
	[tilespmem:$0x10200] =	vst v63  }
0x20: {  	s13 =	simm.s32 $0x1200  }
0x21: {  	[tilespmem:s13], [sflag:$0x1] =	stream.indirect_vreg.gather [hbm4b:s8+s4], $0x80, v2, vm0, $0xb8;
	[tilespmem:$0x10200] =	vst v63  }
0x22: {  	s14 =	simm.s32 $0x1A00  }
0x23: {  	[tilespmem:s14], [sflag:$0x1] =	stream.indirect_vreg.gather [hbm4b:s9+s4], $0x80, v2, vm0, $0xb8;
	[tilespmem:$0x10200] =	vst v63  }
0x24: {  	v2 =	vld.msk [tilespmem:$0x8], $0xff;
	_ =	sdelay $0x4  }
0x25: {  	v3 =	vshll.u32 v2, $0x3  }
0x26: {  	v2 =	vand.u32 $0x7, v2;
	v3 =	vand.u32 $0xFFFFFFC0, v3  }
0x27: {  	v2 =	vor.u32 v2, v3  }
0x28: {  	v2 =	vperm.xlane v2, v0;
	_ =	sdelay $0x1  }
0x29: {  	v2 =	vadd.s32 v1, v2;
	_ =	sdelay $0x3  }
0x2a: {  	s16 =	simm.s32 $0x2200  }
0x2b: {  	[tilespmem:s16], [sflag:$0x2] =	stream.indirect_vreg.gather [hbm4b:s2+s4], $0x80, v2, vm0, $0xb8;
	[tilespmem:$0x10200] =	vst v63  }
0x2c: {  	s17 =	simm.s32 $0x2A00  }
0x2d: {  	[tilespmem:s17], [sflag:$0x2] =	stream.indirect_vreg.gather [hbm4b:s7+s4], $0x80, v2, vm0, $0xb8;
	[tilespmem:$0x10200] =	vst v63  }
0x2e: {  	s18 =	simm.s32 $0x3200  }
0x2f: {  	[tilespmem:s18], [sflag:$0x2] =	stream.indirect_vreg.gather [hbm4b:s8+s4], $0x80, v2, vm0, $0xb8;
	[tilespmem:$0x10200] =	vst v63  }
0x30: {  	s20 =	simm.s32 $0x3A00  }
0x31: {  	[tilespmem:s20], [sflag:$0x2] =	stream.indirect_vreg.gather [hbm4b:s9+s4], $0x80, v2, vm0, $0xb8;
	[tilespmem:$0x10200] =	vst v63  }
0x32: {  	v2 =	vld.msk [tilespmem:$0x10], $0xff;
	_ =	sdelay $0x4  }
0x33: {  	v3 =	vshll.u32 v2, $0x3  }
0x34: {  	v2 =	vand.u32 $0x7, v2;
	v3 =	vand.u32 $0xFFFFFFC0, v3  }
0x35: {  	v2 =	vor.u32 v2, v3  }
0x36: {  	v2 =	vperm.xlane v2, v0;
	_ =	sdelay $0x1  }
0x37: {  	v2 =	vadd.s32 v1, v2;
	_ =	sdelay $0x3  }
0x38: {  	s24 =	simm.s32 $0x4200  }
0x39: {  	[tilespmem:s24], [sflag:$0x3] =	stream.indirect_vreg.gather [hbm4b:s2+s4], $0x80, v2, vm0, $0xb8;
	[tilespmem:$0x10200] =	vst v63  }
0x3a: {  	s29 =	simm.s32 $0x4A00  }
0x3b: {  	[tilespmem:s29], [sflag:$0x3] =	stream.indirect_vreg.gather [hbm4b:s7+s4], $0x80, v2, vm0, $0xb8;
	[tilespmem:$0x10200] =	vst v63  }
0x3c: {  	s13 =	simm.s32 $0x5200  }
0x3d: {  	[tilespmem:s13], [sflag:$0x3] =	stream.indirect_vreg.gather [hbm4b:s8+s4], $0x80, v2, vm0, $0xb8;
	[tilespmem:$0x10200] =	vst v63  }
0x3e: {  	s14 =	simm.s32 $0x5A00  }
0x3f: {  	[tilespmem:s14], [sflag:$0x3] =	stream.indirect_vreg.gather [hbm4b:s9+s4], $0x80, v2, vm0, $0xb8;
	[tilespmem:$0x10200] =	vst v63  }
0x40: {  	v2 =	vld.msk [tilespmem:$0x18], $0xff;
	_ =	sdelay $0x4  }
0x41: {  	v3 =	vshll.u32 v2, $0x3  }
0x42: {  	v2 =	vand.u32 $0x7, v2;
	v3 =	vand.u32 $0xFFFFFFC0, v3  }
0x43: {  	v2 =	vor.u32 v2, v3  }
0x44: {  	v2 =	vperm.xlane v2, v0;
	_ =	sdelay $0x1  }
0x45: {  	v2 =	vadd.s32 v1, v2;
	_ =	sdelay $0x3  }
0x46: {  	s16 =	simm.s32 $0x6200  }
0x47: {  	[tilespmem:s16], [sflag:$0x4] =	stream.indirect_vreg.gather [hbm4b:s2+s4], $0x80, v2, vm0, $0xb8;
	[tilespmem:$0x10200] =	vst v63  }
0x48: {  	s17 =	simm.s32 $0x6A00  }
0x49: {  	[tilespmem:s17], [sflag:$0x4] =	stream.indirect_vreg.gather [hbm4b:s7+s4], $0x80, v2, vm0, $0xb8;
	[tilespmem:$0x10200] =	vst v63  }
0x4a: {  	s18 =	simm.s32 $0x7200  }
0x4b: {  	[tilespmem:s18], [sflag:$0x4] =	stream.indirect_vreg.gather [hbm4b:s8+s4], $0x80, v2, vm0, $0xb8;
	[tilespmem:$0x10200] =	vst v63  }
0x4c: {  	s20 =	simm.s32 $0x7A00  }
0x4d: {  	[tilespmem:s20], [sflag:$0x4] =	stream.indirect_vreg.gather [hbm4b:s9+s4], $0x80, v2, vm0, $0xb8;
	[tilespmem:$0x10200] =	vst v63  }
0x4e: {  	v2 =	vld.msk [tilespmem:$0x20], $0xff;
	_ =	sdelay $0x4  }
0x4f: {  	v3 =	vshll.u32 v2, $0x3  }
0x50: {  	v2 =	vand.u32 $0x7, v2;
	v3 =	vand.u32 $0xFFFFFFC0, v3  }
0x51: {  	v2 =	vor.u32 v2, v3  }
0x52: {  	v2 =	vperm.xlane v2, v0;
	_ =	sdelay $0x1  }
0x53: {  	v2 =	vadd.s32 v1, v2;
	_ =	sdelay $0x3  }
0x54: {  	s24 =	simm.s32 $0x8200  }
0x55: {  	[tilespmem:s24], [sflag:$0x5] =	stream.indirect_vreg.gather [hbm4b:s2+s4], $0x80, v2, vm0, $0xb8;
	[tilespmem:$0x10200] =	vst v63  }
0x56: {  	s29 =	simm.s32 $0x8A00  }
0x57: {  	[tilespmem:s29], [sflag:$0x5] =	stream.indirect_vreg.gather [hbm4b:s7+s4], $0x80, v2, vm0, $0xb8;
	[tilespmem:$0x10200] =	vst v63  }
0x58: {  	s13 =	simm.s32 $0x9200  }
0x59: {  	[tilespmem:s13], [sflag:$0x5] =	stream.indirect_vreg.gather [hbm4b:s8+s4], $0x80, v2, vm0, $0xb8;
	[tilespmem:$0x10200] =	vst v63  }
0x5a: {  	s14 =	simm.s32 $0x9A00  }
0x5b: {  	[tilespmem:s14], [sflag:$0x5] =	stream.indirect_vreg.gather [hbm4b:s9+s4], $0x80, v2, vm0, $0xb8;
	[tilespmem:$0x10200] =	vst v63  }
0x5c: {  	v2 =	vld.msk [tilespmem:$0x28], $0xff;
	_ =	sdelay $0x4  }
0x5d: {  	v3 =	vshll.u32 v2, $0x3  }
0x5e: {  	v2 =	vand.u32 $0x7, v2;
	v3 =	vand.u32 $0xFFFFFFC0, v3  }
0x5f: {  	v2 =	vor.u32 v2, v3  }
0x60: {  	v2 =	vperm.xlane v2, v0;
	_ =	sdelay $0x1  }
0x61: {  	v2 =	vadd.s32 v1, v2;
	_ =	sdelay $0x4  }
0x62: {  	[tilespmem:s19], [sflag:$0x6] =	stream.indirect_vreg.gather [hbm4b:s2+s4], $0x80, v2, vm0, $0xb8;
	[tilespmem:$0x10200] =	vst v63  }
0x63: {  	s16 =	simm.s32 $0xAA00  }
0x64: {  	[tilespmem:s16], [sflag:$0x6] =	stream.indirect_vreg.gather [hbm4b:s7+s4], $0x80, v2, vm0, $0xb8;
	[tilespmem:$0x10200] =	vst v63  }
0x65: {  	s17 =	simm.s32 $0xB200  }
0x66: {  	[tilespmem:s17], [sflag:$0x6] =	stream.indirect_vreg.gather [hbm4b:s8+s4], $0x80, v2, vm0, $0xb8;
	[tilespmem:$0x10200] =	vst v63  }
0x67: {  	s18 =	simm.s32 $0xBA00  }
0x68: {  	[tilespmem:s18], [sflag:$0x6] =	stream.indirect_vreg.gather [hbm4b:s9+s4], $0x80, v2, vm0, $0xb8;
	[tilespmem:$0x10200] =	vst v63  }
0x69: {  	v2 =	vld.msk [tilespmem:$0x30], $0xff;
	_ =	sdelay $0x4  }
0x6a: {  	v3 =	vshll.u32 v2, $0x3  }
0x6b: {  	v2 =	vand.u32 $0x7, v2;
	v3 =	vand.u32 $0xFFFFFFC0, v3  }
0x6c: {  	v2 =	vor.u32 v2, v3  }
0x6d: {  	v2 =	vperm.xlane v2, v0;
	_ =	sdelay $0x1  }
0x6e: {  	v2 =	vadd.s32 v1, v2;
	_ =	sdelay $0x4  }
0x6f: {  	[tilespmem:s25], [sflag:$0x7] =	stream.indirect_vreg.gather [hbm4b:s2+s4], $0x80, v2, vm0, $0xb8;
	[tilespmem:$0x10200] =	vst v63  }
0x70: {  	s20 =	simm.s32 $0xCA00  }
0x71: {  	[tilespmem:s20], [sflag:$0x7] =	stream.indirect_vreg.gather [hbm4b:s7+s4], $0x80, v2, vm0, $0xb8;
	[tilespmem:$0x10200] =	vst v63  }
0x72: {  	s24 =	simm.s32 $0xD200  }
0x73: {  	[tilespmem:s24], [sflag:$0x7] =	stream.indirect_vreg.gather [hbm4b:s8+s4], $0x80, v2, vm0, $0xb8;
	[tilespmem:$0x10200] =	vst v63  }
0x74: {  	s29 =	simm.s32 $0xDA00;
	s16 =	simm.s32 $0x0  }
0x75: {  	[tilespmem:s29], [sflag:$0x7] =	stream.indirect_vreg.gather [hbm4b:s9+s4], $0x80, v2, vm0, $0xb8;
	[tilespmem:$0x10200] =	vst v63  }
.LBB2_2:
0x76: {  	_ =	swait.ge [sflag:s31], $0x2000  }
0x77: {  	p0 =	seq.s32 s16, $0x0;
	[sflag:s31] =	ssyncset.done $0x0  }
0x78: {  	s0 =	simm.s32 @!p0 $0x10;
	[sflag:s31] =	ssyncadd.s32 $0xFFFFE000  }
0x79: {  	s13 =	sshllo.u32 s16, $0x3;
	_ =	swait.ge @!p0 [sflag:s0], $0x2000  }
0x7a: {  	s14 =	sshll.u32 s13, $0x3;
	[sflag:s0] =	ssyncset.done @!p0 $0x0  }
0x7b: {  	s18 =	sand.u32 $0x3FFFFFF8, s14;
	[sflag:s0] =	ssyncadd.s32 @!p0 $0xFFFFE000  }
0x7c: {  	v2 =	vld.msk [tilespmem:s18+$0x0], $0xff;
	_ =	sdelay $0x4  }
0x7d: {  	v3 =	vshll.u32 v2, $0x3  }
0x7e: {  	v2 =	vand.u32 $0x7, v2;
	v3 =	vand.u32 $0xFFFFFFC0, v3  }
0x7f: {  	v2 =	vor.u32 v2, v3  }
0x80: {  	v2 =	vperm.xlane v2, v0;
	_ =	sdelay $0x1  }
0x81: {  	v2 =	vadd.s32 v1, v2;
	_ =	sdelay $0x3  }
0x82: {  	s14 =	simm.s32 $0x0  }
0x83: {  	[tilespmem:s1], [sflag:$0x8] =	stream.indirect_vreg.gather [hbm4b:s2+s14], $0x80, v2, vm0, $0xb8;
	[tilespmem:$0x10200] =	vst v63  }
0x84: {  	s20 =	simm.s32 $0xEA00  }
0x85: {  	[tilespmem:s20], [sflag:$0x8] =	stream.indirect_vreg.gather [hbm4b:s7+s14], $0x80, v2, vm0, $0xb8;
	[tilespmem:$0x10200] =	vst v63  }
0x86: {  	s24 =	simm.s32 $0xF200  }
0x87: {  	[tilespmem:s24], [sflag:$0x8] =	stream.indirect_vreg.gather [hbm4b:s8+s14], $0x80, v2, vm0, $0xb8;
	[tilespmem:$0x10200] =	vst v63  }
0x88: {  	s29 =	simm.s32 $0xFA00;
	s17 =	simm.s32 $0x240  }
0x89: {  	[tilespmem:s29], [sflag:$0x8] =	stream.indirect_vreg.gather [hbm4b:s9+s14], $0x80, v2, vm0, $0xb8;
	[tilespmem:$0x10200] =	vst v63  }
.LBB2_3:
0x8a: {  	v3 =	vld [tilespmem:s17+$0xFFFFFFC0];
	_ =	sdelay $0x1  }
0x8b: {  	v6 =	vld [tilespmem:s17+$0xFFFFFFD0]  }
0x8c: {  	v8 =	vld [tilespmem:s17+$0xFFFFFFE0]  }
0x8d: {  	v4 =	vld [tilespmem:s17+$0x0]  }
0x8e: {  	v2 =	vld [tilespmem:s17+$0x10];
	v7 =	vmul.f32 $3.200000000e+01, v3  }
0x8f: {  	v5 =	vld [tilespmem:s17+$0x20]  }
0x90: {  	v3 =	vld [tilespmem:s17+$0x30];
	[tilespmem:s17+$0xFFFFFFC0] =	vst v7;
	v7 =	vmul.f32 $3.200000000e+01, v6  }
0x91: {  	s20 =	simm.s32 $0x0;
	s24 =	sadd.s32 $0x400, s17;
	s18 =	smov.u32 s17;
	v8 =	vmul.f32 $3.200000000e+01, v8;
	v6 =	vld [tilespmem:s17+$0xFFFFFFF0]  }
.LBB2_4:
0x92: {  	v9 =	vld [tilespmem:s24+$0xFFFFFFC0];
	[tilespmem:s18+$0xFFFFFFD0] =	vst v7;
	v4 =	vmul.f32 $3.200000000e+01, v4  }
0x93: {  	s20 =	sadd.s32 $0x8, s20;
	v7 =	vld [tilespmem:s24+$0xFFFFFFD0];
	[tilespmem:s18+$0xFFFFFFE0] =	vst v8;
	v2 =	vmul.f32 $3.200000000e+01, v2  }
0x94: {  	p0 =	slt.u32 s20, $0x38;
	v8 =	vld [tilespmem:s24+$0xFFFFFFE0];
	[tilespmem:s18+$0x0] =	vst v4;
	v5 =	vmul.f32 $3.200000000e+01, v5  }
.Ltmp0:
0x95: {  	v4 =	vld [tilespmem:s24+$0x0];
	[tilespmem:s18+$0x10] =	vst v2;
	v3 =	vmul.f32 $3.200000000e+01, v3;
	(pc) =	sbr.rel @p0 .LBB2_4-.Ltmp0, $4  }
0x96: {  	v2 =	vld [tilespmem:s24+$0x10];
	v6 =	vmul.f32 $3.200000000e+01, v6;
	[tilespmem:s18+$0x20] =	vst v5  }
0x97: {  	v9 =	vmul.f32 $3.200000000e+01, v9;
	v5 =	vld [tilespmem:s24+$0x20];
	[tilespmem:s18+$0x30] =	vst v3  }
0x98: {  	v7 =	vmul.f32 $3.200000000e+01, v7;
	v3 =	vld [tilespmem:s24+$0x30];
	[tilespmem:s18+$0xFFFFFFF0] =	vst v6;
	s18 =	smov.u32 s24  }
0x99: {  	s24 =	sadd.s32 $0x400, s24;
	[tilespmem:s18+$0xFFFFFFC0] =	vst v9;
	v8 =	vmul.f32 $3.200000000e+01, v8;
	v6 =	vld [tilespmem:s18+$0xFFFFFFF0]  }
0x9a: {  	[tilespmem:s18+$0xFFFFFFD0] =	vst v7;
	v4 =	vmul.f32 $3.200000000e+01, v4;
	s14 =	sadd.s32 $0x1, s14  }
0x9b: {  	[tilespmem:s18+$0xFFFFFFE0] =	vst v8;
	v2 =	vmul.f32 $3.200000000e+01, v2;
	p0 =	sne.s32 s14, $0x8  }
.Ltmp1:
0x9c: {  	[tilespmem:s18+$0x0] =	vst v4;
	v63 =	vmul.f32 $3.200000000e+01, v5;
	(pc) =	sbr.rel @p0 .LBB2_3-.Ltmp1, $4  }
0x9d: {  	[tilespmem:s18+$0x10] =	vst v2;
	v2 =	vmul.f32 $3.200000000e+01, v3  }
0x9e: {  	v3 =	vmul.f32 $3.200000000e+01, v6;
	[tilespmem:s18+$0x20] =	vst v63  }
0x9f: {  	[tilespmem:s18+$0x30] =	vst v2  }
0xa0: {  	s17 =	sadd.s32 $0x80, s17;
	[tilespmem:s18+$0xFFFFFFF0] =	vst v3  }
0xa1: {  	s0 =	sshll.u32 s16, $0x10  }
0xa2: {  	s0 =	sadd.s32 s11, s0  }
0xa3: {  	s0 =	sshrl.u32 s0, $0x3  }
0xa4: {  	s0 =	sadd.s32 s3, s0  }
0xa5: {  	[hbm4b:s0+s4] =	stream.linear.scatter [tilespmem:s15], [sflag:$0x9], $0x2000, $0x38;
	[tilespmem:$0x10200] =	vst v63  }
0xa6: {  	_ =	swait.ge [sflag:s21], $0x2000  }
0xa7: {  	p0 =	seq.s32 s16, $0x7;
	[sflag:s21] =	ssyncset.done $0x0  }
0xa8: {  	s0 =	simm.s32 @!p0 $0x9;
	[sflag:s21] =	ssyncadd.s32 $0xFFFFE000  }
0xa9: {  	_ =	swait.ge @!p0 [sflag:s0], $0x2000  }
0xaa: {  	s14 =	sshll.u32 @!p0 s16, $0x6;
	[sflag:s0] =	ssyncset.done @!p0 $0x0  }
0xab: {  	s14 =	sand.u32 @!p0 $0x3FFFFFC0, s14;
	[sflag:s0] =	ssyncadd.s32 @!p0 $0xFFFFE000  }
0xac: {  	v2 =	vld.msk @!p0 [tilespmem:s14+$0x40], $0xff;
	_ =	sdelay $0x4  }
0xad: {  	v3 =	vshll.u32 @!p0 v2, $0x3  }
0xae: {  	v4 =	vlaneseq.u32 @!p0;
	v2 =	vand.u32 @!p0 $0x7, v2;
	v3 =	vand.u32 @!p0 $0xFFFFFFC0, v3  }
0xaf: {  	v2 =	vor.u32 @!p0 v2, v3;
	v3 =	vand.u32 @!p0 $0x7, v4;
	v4 =	vshrl.u32 @!p0 v4, $0x3  }
0xb0: {  	v2 =	vperm.xlane @!p0 v2, v3;
	v3 =	vmul.u32 @!p0 $0x8, v4;
	_ =	sdelay $0x1  }
0xb1: {  	v2 =	vadd.s32 @!p0 v3, v2;
	_ =	sdelay $0x3  }
0xb2: {  	vm1 =	vmmov @!p0 $0xffff;
	s17 =	simm.s32 @!p0 $0x200;
	s0 =	simm.s32 @!p0 $0x0  }
0xb3: {  	[tilespmem:s17], [sflag:$0x1] =	stream.indirect_vreg.gather @!p0 [hbm4b:s2+s0], $0x80, v2, vm1, $0xb8;
	[tilespmem:$0x10200] =	vst v63  }
0xb4: {  	s17 =	simm.s32 @!p0 $0xA00  }
0xb5: {  	[tilespmem:s17], [sflag:$0x1] =	stream.indirect_vreg.gather @!p0 [hbm4b:s7+s0], $0x80, v2, vm1, $0xb8;
	[tilespmem:$0x10200] =	vst v63  }
0xb6: {  	s17 =	simm.s32 @!p0 $0x1200  }
0xb7: {  	[tilespmem:s17], [sflag:$0x1] =	stream.indirect_vreg.gather @!p0 [hbm4b:s8+s0], $0x80, v2, vm1, $0xb8;
	[tilespmem:$0x10200] =	vst v63  }
0xb8: {  	s17 =	simm.s32 @!p0 $0x1A00  }
0xb9: {  	[tilespmem:s17], [sflag:$0x1] =	stream.indirect_vreg.gather @!p0 [hbm4b:s9+s0], $0x80, v2, vm1, $0xb8;
	[tilespmem:$0x10200] =	vst v63  }
0xba: {  	s18 =	simm.s32 $0x2240;
	s17 =	simm.s32 $0x0  }
.LBB2_7:
0xbb: {  	v3 =	vld [tilespmem:s18+$0xFFFFFFC0];
	_ =	sdelay $0x1  }
0xbc: {  	v6 =	vld [tilespmem:s18+$0xFFFFFFD0]  }
0xbd: {  	v8 =	vld [tilespmem:s18+$0xFFFFFFE0]  }
0xbe: {  	v4 =	vld [tilespmem:s18+$0x0]  }
0xbf: {  	v2 =	vld [tilespmem:s18+$0x10];
	v7 =	vmul.f32 $3.200000000e+01, v3  }
0xc0: {  	v5 =	vld [tilespmem:s18+$0x20]  }
0xc1: {  	v3 =	vld [tilespmem:s18+$0x30];
	[tilespmem:s18+$0xFFFFFFC0] =	vst v7;
	v7 =	vmul.f32 $3.200000000e+01, v6  }
0xc2: {  	s24 =	simm.s32 $0x0;
	s29 =	sadd.s32 $0x400, s18;
	s20 =	smov.u32 s18;
	v8 =	vmul.f32 $3.200000000e+01, v8;
	v6 =	vld [tilespmem:s18+$0xFFFFFFF0]  }
.LBB2_8:
0xc3: {  	v9 =	vld [tilespmem:s29+$0xFFFFFFC0];
	[tilespmem:s20+$0xFFFFFFD0] =	vst v7;
	v4 =	vmul.f32 $3.200000000e+01, v4  }
0xc4: {  	s24 =	sadd.s32 $0x8, s24;
	v7 =	vld [tilespmem:s29+$0xFFFFFFD0];
	[tilespmem:s20+$0xFFFFFFE0] =	vst v8;
	v2 =	vmul.f32 $3.200000000e+01, v2  }
0xc5: {  	p1 =	slt.u32 s24, $0x38;
	v8 =	vld [tilespmem:s29+$0xFFFFFFE0];
	[tilespmem:s20+$0x0] =	vst v4;
	v5 =	vmul.f32 $3.200000000e+01, v5  }
.Ltmp2:
0xc6: {  	v4 =	vld [tilespmem:s29+$0x0];
	[tilespmem:s20+$0x10] =	vst v2;
	v3 =	vmul.f32 $3.200000000e+01, v3;
	(pc) =	sbr.rel @p1 .LBB2_8-.Ltmp2, $4  }
0xc7: {  	v2 =	vld [tilespmem:s29+$0x10];
	v6 =	vmul.f32 $3.200000000e+01, v6;
	[tilespmem:s20+$0x20] =	vst v5  }
0xc8: {  	v9 =	vmul.f32 $3.200000000e+01, v9;
	v5 =	vld [tilespmem:s29+$0x20];
	[tilespmem:s20+$0x30] =	vst v3  }
0xc9: {  	v7 =	vmul.f32 $3.200000000e+01, v7;
	v3 =	vld [tilespmem:s29+$0x30];
	[tilespmem:s20+$0xFFFFFFF0] =	vst v6;
	s20 =	smov.u32 s29  }
0xca: {  	s29 =	sadd.s32 $0x400, s29;
	[tilespmem:s20+$0xFFFFFFC0] =	vst v9;
	v8 =	vmul.f32 $3.200000000e+01, v8;
	v6 =	vld [tilespmem:s20+$0xFFFFFFF0]  }
0xcb: {  	[tilespmem:s20+$0xFFFFFFD0] =	vst v7;
	v4 =	vmul.f32 $3.200000000e+01, v4;
	s17 =	sadd.s32 $0x1, s17  }
0xcc: {  	[tilespmem:s20+$0xFFFFFFE0] =	vst v8;
	v2 =	vmul.f32 $3.200000000e+01, v2;
	p1 =	sne.s32 s17, $0x8  }
.Ltmp3:
0xcd: {  	[tilespmem:s20+$0x0] =	vst v4;
	v63 =	vmul.f32 $3.200000000e+01, v5;
	(pc) =	sbr.rel @p1 .LBB2_7-.Ltmp3, $4  }
0xce: {  	[tilespmem:s20+$0x10] =	vst v2;
	v2 =	vmul.f32 $3.200000000e+01, v3  }
0xcf: {  	v3 =	vmul.f32 $3.200000000e+01, v6;
	[tilespmem:s20+$0x20] =	vst v63  }
0xd0: {  	[tilespmem:s20+$0x30] =	vst v2  }
0xd1: {  	s18 =	sadd.s32 $0x80, s18;
	[tilespmem:s20+$0xFFFFFFF0] =	vst v3  }
0xd2: {  	s0 =	sshll.u32 s16, $0x6  }
0xd3: {  	s0 =	sadd.s32 s0, s5  }
0xd4: {  	s0 =	sshll.u32 s0, $0xA  }
0xd5: {  	s17 =	sadd.s32 s10, s0  }
0xd6: {  	s0 =	sadd.s32 $0x2000, s17  }
0xd7: {  	s0 =	sshrl.u32 s0, $0x3  }
0xd8: {  	s18 =	simm.s32 $0x2200;
	s0 =	sadd.s32 s3, s0  }
0xd9: {  	[hbm4b:s0+s4] =	stream.linear.scatter [tilespmem:s18], [sflag:$0xA], $0x2000, $0x38;
	[tilespmem:$0x10200] =	vst v63  }
0xda: {  	_ =	swait.ge [sflag:s22], $0x2000  }
0xdb: {  	[sflag:s22] =	ssyncset.done $0x0  }
0xdc: {  	s0 =	simm.s32 @!p0 $0xA;
	[sflag:s22] =	ssyncadd.s32 $0xFFFFE000  }
0xdd: {  	_ =	swait.ge @!p0 [sflag:s0], $0x2000  }
0xde: {  	[sflag:s0] =	ssyncset.done @!p0 $0x0  }
0xdf: {  	[sflag:s0] =	ssyncadd.s32 @!p0 $0xFFFFE000  }
0xe0: {  	v2 =	vld.msk @!p0 [tilespmem:s14+$0x48], $0xff;
	_ =	sdelay $0x4  }
0xe1: {  	v3 =	vshll.u32 @!p0 v2, $0x3  }
0xe2: {  	v4 =	vlaneseq.u32 @!p0;
	v2 =	vand.u32 @!p0 $0x7, v2;
	v3 =	vand.u32 @!p0 $0xFFFFFFC0, v3  }
0xe3: {  	v2 =	vor.u32 @!p0 v2, v3;
	v3 =	vand.u32 @!p0 $0x7, v4;
	v4 =	vshrl.u32 @!p0 v4, $0x3  }
0xe4: {  	v2 =	vperm.xlane @!p0 v2, v3;
	v3 =	vmul.u32 @!p0 $0x8, v4;
	_ =	sdelay $0x1  }
0xe5: {  	v2 =	vadd.s32 @!p0 v3, v2;
	_ =	sdelay $0x3  }
0xe6: {  	s18 =	simm.s32 @!p0 $0x2200;
	s0 =	simm.s32 @!p0 $0x0  }
0xe7: {  	[tilespmem:s18], [sflag:$0x2] =	stream.indirect_vreg.gather @!p0 [hbm4b:s2+s0], $0x80, v2, vm1, $0xb8;
	[tilespmem:$0x10200] =	vst v63  }
0xe8: {  	s18 =	simm.s32 @!p0 $0x2A00  }
0xe9: {  	[tilespmem:s18], [sflag:$0x2] =	stream.indirect_vreg.gather @!p0 [hbm4b:s7+s0], $0x80, v2, vm1, $0xb8;
	[tilespmem:$0x10200] =	vst v63  }
0xea: {  	s18 =	simm.s32 @!p0 $0x3200  }
0xeb: {  	[tilespmem:s18], [sflag:$0x2] =	stream.indirect_vreg.gather @!p0 [hbm4b:s8+s0], $0x80, v2, vm1, $0xb8;
	[tilespmem:$0x10200] =	vst v63  }
0xec: {  	s18 =	simm.s32 @!p0 $0x3A00  }
0xed: {  	[tilespmem:s18], [sflag:$0x2] =	stream.indirect_vreg.gather @!p0 [hbm4b:s9+s0], $0x80, v2, vm1, $0xb8;
	[tilespmem:$0x10200] =	vst v63  }
0xee: {  	s24 =	simm.s32 $0x4240;
	s18 =	simm.s32 $0x0  }
.LBB2_11:
0xef: {  	v3 =	vld [tilespmem:s24+$0xFFFFFFC0];
	_ =	sdelay $0x1  }
0xf0: {  	v6 =	vld [tilespmem:s24+$0xFFFFFFD0]  }
0xf1: {  	v8 =	vld [tilespmem:s24+$0xFFFFFFE0]  }
0xf2: {  	v4 =	vld [tilespmem:s24+$0x0]  }
0xf3: {  	v2 =	vld [tilespmem:s24+$0x10];
	v7 =	vmul.f32 $3.200000000e+01, v3  }
0xf4: {  	v5 =	vld [tilespmem:s24+$0x20]  }
0xf5: {  	v3 =	vld [tilespmem:s24+$0x30];
	[tilespmem:s24+$0xFFFFFFC0] =	vst v7;
	v7 =	vmul.f32 $3.200000000e+01, v6  }
0xf6: {  	s29 =	simm.s32 $0x0;
	s0 =	sadd.s32 $0x400, s24;
	s20 =	smov.u32 s24;
	v8 =	vmul.f32 $3.200000000e+01, v8;
	v6 =	vld [tilespmem:s24+$0xFFFFFFF0]  }
.LBB2_12:
0xf7: {  	v9 =	vld [tilespmem:s0+$0xFFFFFFC0];
	[tilespmem:s20+$0xFFFFFFD0] =	vst v7;
	v4 =	vmul.f32 $3.200000000e+01, v4  }
0xf8: {  	s29 =	sadd.s32 $0x8, s29;
	v7 =	vld [tilespmem:s0+$0xFFFFFFD0];
	[tilespmem:s20+$0xFFFFFFE0] =	vst v8;
	v2 =	vmul.f32 $3.200000000e+01, v2  }
0xf9: {  	p1 =	slt.u32 s29, $0x38;
	v8 =	vld [tilespmem:s0+$0xFFFFFFE0];
	[tilespmem:s20+$0x0] =	vst v4;
	v5 =	vmul.f32 $3.200000000e+01, v5  }
.Ltmp4:
0xfa: {  	v4 =	vld [tilespmem:s0+$0x0];
	[tilespmem:s20+$0x10] =	vst v2;
	v3 =	vmul.f32 $3.200000000e+01, v3;
	(pc) =	sbr.rel @p1 .LBB2_12-.Ltmp4, $4  }
0xfb: {  	v2 =	vld [tilespmem:s0+$0x10];
	v6 =	vmul.f32 $3.200000000e+01, v6;
	[tilespmem:s20+$0x20] =	vst v5  }
0xfc: {  	v9 =	vmul.f32 $3.200000000e+01, v9;
	v5 =	vld [tilespmem:s0+$0x20];
	[tilespmem:s20+$0x30] =	vst v3  }
0xfd: {  	v7 =	vmul.f32 $3.200000000e+01, v7;
	v3 =	vld [tilespmem:s0+$0x30];
	[tilespmem:s20+$0xFFFFFFF0] =	vst v6;
	s20 =	smov.u32 s0  }
0xfe: {  	s0 =	sadd.s32 $0x400, s0;
	[tilespmem:s20+$0xFFFFFFC0] =	vst v9;
	v8 =	vmul.f32 $3.200000000e+01, v8;
	v6 =	vld [tilespmem:s20+$0xFFFFFFF0]  }
0xff: {  	[tilespmem:s20+$0xFFFFFFD0] =	vst v7;
	v4 =	vmul.f32 $3.200000000e+01, v4;
	s18 =	sadd.s32 $0x1, s18  }
0x100: {  	[tilespmem:s20+$0xFFFFFFE0] =	vst v8;
	v2 =	vmul.f32 $3.200000000e+01, v2;
	p1 =	sne.s32 s18, $0x8  }
.Ltmp5:
0x101: {  	[tilespmem:s20+$0x0] =	vst v4;
	v63 =	vmul.f32 $3.200000000e+01, v5;
	(pc) =	sbr.rel @p1 .LBB2_11-.Ltmp5, $4  }
0x102: {  	[tilespmem:s20+$0x10] =	vst v2;
	v2 =	vmul.f32 $3.200000000e+01, v3  }
0x103: {  	v3 =	vmul.f32 $3.200000000e+01, v6;
	[tilespmem:s20+$0x20] =	vst v63  }
0x104: {  	[tilespmem:s20+$0x30] =	vst v2  }
0x105: {  	s24 =	sadd.s32 $0x80, s24;
	[tilespmem:s20+$0xFFFFFFF0] =	vst v3  }
0x106: {  	s0 =	sadd.s32 $0x4000, s17  }
0x107: {  	s0 =	sshrl.u32 s0, $0x3  }
0x108: {  	s18 =	simm.s32 $0x4200;
	s0 =	sadd.s32 s3, s0  }
0x109: {  	[hbm4b:s0+s4] =	stream.linear.scatter [tilespmem:s18], [sflag:$0xB], $0x2000, $0x38;
	[tilespmem:$0x10200] =	vst v63  }
0x10a: {  	_ =	swait.ge [sflag:s23], $0x2000  }
0x10b: {  	[sflag:s23] =	ssyncset.done $0x0  }
0x10c: {  	s0 =	simm.s32 @!p0 $0xB;
	[sflag:s23] =	ssyncadd.s32 $0xFFFFE000  }
0x10d: {  	_ =	swait.ge @!p0 [sflag:s0], $0x2000  }
0x10e: {  	[sflag:s0] =	ssyncset.done @!p0 $0x0  }
0x10f: {  	[sflag:s0] =	ssyncadd.s32 @!p0 $0xFFFFE000  }
0x110: {  	v2 =	vld.msk @!p0 [tilespmem:s14+$0x50], $0xff;
	_ =	sdelay $0x4  }
0x111: {  	v3 =	vshll.u32 @!p0 v2, $0x3  }
0x112: {  	v4 =	vlaneseq.u32 @!p0;
	v2 =	vand.u32 @!p0 $0x7, v2;
	v3 =	vand.u32 @!p0 $0xFFFFFFC0, v3  }
0x113: {  	v2 =	vor.u32 @!p0 v2, v3;
	v3 =	vand.u32 @!p0 $0x7, v4;
	v4 =	vshrl.u32 @!p0 v4, $0x3  }
0x114: {  	v2 =	vperm.xlane @!p0 v2, v3;
	v3 =	vmul.u32 @!p0 $0x8, v4;
	_ =	sdelay $0x1  }
0x115: {  	v2 =	vadd.s32 @!p0 v3, v2;
	_ =	sdelay $0x3  }
0x116: {  	s18 =	simm.s32 @!p0 $0x4200;
	s0 =	simm.s32 @!p0 $0x0  }
0x117: {  	[tilespmem:s18], [sflag:$0x3] =	stream.indirect_vreg.gather @!p0 [hbm4b:s2+s0], $0x80, v2, vm1, $0xb8;
	[tilespmem:$0x10200] =	vst v63  }
0x118: {  	s18 =	simm.s32 @!p0 $0x4A00  }
0x119: {  	[tilespmem:s18], [sflag:$0x3] =	stream.indirect_vreg.gather @!p0 [hbm4b:s7+s0], $0x80, v2, vm1, $0xb8;
	[tilespmem:$0x10200] =	vst v63  }
0x11a: {  	s18 =	simm.s32 @!p0 $0x5200  }
0x11b: {  	[tilespmem:s18], [sflag:$0x3] =	stream.indirect_vreg.gather @!p0 [hbm4b:s8+s0], $0x80, v2, vm1, $0xb8;
	[tilespmem:$0x10200] =	vst v63  }
0x11c: {  	s18 =	simm.s32 @!p0 $0x5A00  }
0x11d: {  	[tilespmem:s18], [sflag:$0x3] =	stream.indirect_vreg.gather @!p0 [hbm4b:s9+s0], $0x80, v2, vm1, $0xb8;
	[tilespmem:$0x10200] =	vst v63  }
0x11e: {  	s20 =	simm.s32 $0x6240;
	s18 =	simm.s32 $0x0  }
.LBB2_15:
0x11f: {  	v3 =	vld [tilespmem:s20+$0xFFFFFFC0];
	_ =	sdelay $0x1  }
0x120: {  	v6 =	vld [tilespmem:s20+$0xFFFFFFD0]  }
0x121: {  	v8 =	vld [tilespmem:s20+$0xFFFFFFE0]  }
0x122: {  	v4 =	vld [tilespmem:s20+$0x0]  }
0x123: {  	v2 =	vld [tilespmem:s20+$0x10];
	v7 =	vmul.f32 $3.200000000e+01, v3  }
0x124: {  	v5 =	vld [tilespmem:s20+$0x20]  }
0x125: {  	v3 =	vld [tilespmem:s20+$0x30];
	[tilespmem:s20+$0xFFFFFFC0] =	vst v7;
	v7 =	vmul.f32 $3.200000000e+01, v6  }
0x126: {  	s29 =	simm.s32 $0x0;
	s0 =	sadd.s32 $0x400, s20;
	s24 =	smov.u32 s20;
	v8 =	vmul.f32 $3.200000000e+01, v8;
	v6 =	vld [tilespmem:s20+$0xFFFFFFF0]  }
.LBB2_16:
0x127: {  	v9 =	vld [tilespmem:s0+$0xFFFFFFC0];
	[tilespmem:s24+$0xFFFFFFD0] =	vst v7;
	v4 =	vmul.f32 $3.200000000e+01, v4  }
0x128: {  	s29 =	sadd.s32 $0x8, s29;
	v7 =	vld [tilespmem:s0+$0xFFFFFFD0];
	[tilespmem:s24+$0xFFFFFFE0] =	vst v8;
	v2 =	vmul.f32 $3.200000000e+01, v2  }
0x129: {  	p1 =	slt.u32 s29, $0x38;
	v8 =	vld [tilespmem:s0+$0xFFFFFFE0];
	[tilespmem:s24+$0x0] =	vst v4;
	v5 =	vmul.f32 $3.200000000e+01, v5  }
.Ltmp6:
0x12a: {  	v4 =	vld [tilespmem:s0+$0x0];
	[tilespmem:s24+$0x10] =	vst v2;
	v3 =	vmul.f32 $3.200000000e+01, v3;
	(pc) =	sbr.rel @p1 .LBB2_16-.Ltmp6, $4  }
0x12b: {  	v2 =	vld [tilespmem:s0+$0x10];
	v6 =	vmul.f32 $3.200000000e+01, v6;
	[tilespmem:s24+$0x20] =	vst v5  }
0x12c: {  	v9 =	vmul.f32 $3.200000000e+01, v9;
	v5 =	vld [tilespmem:s0+$0x20];
	[tilespmem:s24+$0x30] =	vst v3  }
0x12d: {  	v7 =	vmul.f32 $3.200000000e+01, v7;
	v3 =	vld [tilespmem:s0+$0x30];
	[tilespmem:s24+$0xFFFFFFF0] =	vst v6;
	s24 =	smov.u32 s0  }
0x12e: {  	s0 =	sadd.s32 $0x400, s0;
	[tilespmem:s24+$0xFFFFFFC0] =	vst v9;
	v8 =	vmul.f32 $3.200000000e+01, v8;
	v6 =	vld [tilespmem:s24+$0xFFFFFFF0]  }
0x12f: {  	[tilespmem:s24+$0xFFFFFFD0] =	vst v7;
	v4 =	vmul.f32 $3.200000000e+01, v4;
	s18 =	sadd.s32 $0x1, s18  }
0x130: {  	[tilespmem:s24+$0xFFFFFFE0] =	vst v8;
	v2 =	vmul.f32 $3.200000000e+01, v2;
	p1 =	sne.s32 s18, $0x8  }
.Ltmp7:
0x131: {  	[tilespmem:s24+$0x0] =	vst v4;
	v63 =	vmul.f32 $3.200000000e+01, v5;
	(pc) =	sbr.rel @p1 .LBB2_15-.Ltmp7, $4  }
0x132: {  	[tilespmem:s24+$0x10] =	vst v2;
	v2 =	vmul.f32 $3.200000000e+01, v3  }
0x133: {  	v3 =	vmul.f32 $3.200000000e+01, v6;
	[tilespmem:s24+$0x20] =	vst v63  }
0x134: {  	[tilespmem:s24+$0x30] =	vst v2  }
0x135: {  	s20 =	sadd.s32 $0x80, s20;
	[tilespmem:s24+$0xFFFFFFF0] =	vst v3  }
0x136: {  	s0 =	sadd.s32 $0x6000, s17  }
0x137: {  	s0 =	sshrl.u32 s0, $0x3  }
0x138: {  	s18 =	simm.s32 $0x6200;
	s0 =	sadd.s32 s3, s0  }
0x139: {  	[hbm4b:s0+s4] =	stream.linear.scatter [tilespmem:s18], [sflag:$0xC], $0x2000, $0x38;
	[tilespmem:$0x10200] =	vst v63  }
0x13a: {  	_ =	swait.ge [sflag:s26], $0x2000  }
0x13b: {  	[sflag:s26] =	ssyncset.done $0x0  }
0x13c: {  	s0 =	simm.s32 @!p0 $0xC;
	[sflag:s26] =	ssyncadd.s32 $0xFFFFE000  }
0x13d: {  	_ =	swait.ge @!p0 [sflag:s0], $0x2000  }
0x13e: {  	[sflag:s0] =	ssyncset.done @!p0 $0x0  }
0x13f: {  	[sflag:s0] =	ssyncadd.s32 @!p0 $0xFFFFE000  }
0x140: {  	v2 =	vld.msk @!p0 [tilespmem:s14+$0x58], $0xff;
	_ =	sdelay $0x4  }
0x141: {  	v3 =	vshll.u32 @!p0 v2, $0x3  }
0x142: {  	v4 =	vlaneseq.u32 @!p0;
	v2 =	vand.u32 @!p0 $0x7, v2;
	v3 =	vand.u32 @!p0 $0xFFFFFFC0, v3  }
0x143: {  	v2 =	vor.u32 @!p0 v2, v3;
	v3 =	vand.u32 @!p0 $0x7, v4;
	v4 =	vshrl.u32 @!p0 v4, $0x3  }
0x144: {  	v2 =	vperm.xlane @!p0 v2, v3;
	v3 =	vmul.u32 @!p0 $0x8, v4;
	_ =	sdelay $0x1  }
0x145: {  	v2 =	vadd.s32 @!p0 v3, v2;
	_ =	sdelay $0x3  }
0x146: {  	s18 =	simm.s32 @!p0 $0x6200;
	s0 =	simm.s32 @!p0 $0x0  }
0x147: {  	[tilespmem:s18], [sflag:$0x4] =	stream.indirect_vreg.gather @!p0 [hbm4b:s2+s0], $0x80, v2, vm1, $0xb8;
	[tilespmem:$0x10200] =	vst v63  }
0x148: {  	s18 =	simm.s32 @!p0 $0x6A00  }
0x149: {  	[tilespmem:s18], [sflag:$0x4] =	stream.indirect_vreg.gather @!p0 [hbm4b:s7+s0], $0x80, v2, vm1, $0xb8;
	[tilespmem:$0x10200] =	vst v63  }
0x14a: {  	s18 =	simm.s32 @!p0 $0x7200  }
0x14b: {  	[tilespmem:s18], [sflag:$0x4] =	stream.indirect_vreg.gather @!p0 [hbm4b:s8+s0], $0x80, v2, vm1, $0xb8;
	[tilespmem:$0x10200] =	vst v63  }
0x14c: {  	s18 =	simm.s32 @!p0 $0x7A00  }
0x14d: {  	[tilespmem:s18], [sflag:$0x4] =	stream.indirect_vreg.gather @!p0 [hbm4b:s9+s0], $0x80, v2, vm1, $0xb8;
	[tilespmem:$0x10200] =	vst v63  }
0x14e: {  	s20 =	simm.s32 $0x8240;
	s18 =	simm.s32 $0x0  }
.LBB2_19:
0x14f: {  	v3 =	vld [tilespmem:s20+$0xFFFFFFC0];
	_ =	sdelay $0x1  }
0x150: {  	v6 =	vld [tilespmem:s20+$0xFFFFFFD0]  }
0x151: {  	v8 =	vld [tilespmem:s20+$0xFFFFFFE0]  }
0x152: {  	v4 =	vld [tilespmem:s20+$0x0]  }
0x153: {  	v2 =	vld [tilespmem:s20+$0x10];
	v7 =	vmul.f32 $3.200000000e+01, v3  }
0x154: {  	v5 =	vld [tilespmem:s20+$0x20]  }
0x155: {  	v3 =	vld [tilespmem:s20+$0x30];
	[tilespmem:s20+$0xFFFFFFC0] =	vst v7;
	v7 =	vmul.f32 $3.200000000e+01, v6  }
0x156: {  	s29 =	simm.s32 $0x0;
	s0 =	sadd.s32 $0x400, s20;
	s24 =	smov.u32 s20;
	v8 =	vmul.f32 $3.200000000e+01, v8;
	v6 =	vld [tilespmem:s20+$0xFFFFFFF0]  }
.LBB2_20:
0x157: {  	v9 =	vld [tilespmem:s0+$0xFFFFFFC0];
	[tilespmem:s24+$0xFFFFFFD0] =	vst v7;
	v4 =	vmul.f32 $3.200000000e+01, v4  }
0x158: {  	s29 =	sadd.s32 $0x8, s29;
	v7 =	vld [tilespmem:s0+$0xFFFFFFD0];
	[tilespmem:s24+$0xFFFFFFE0] =	vst v8;
	v2 =	vmul.f32 $3.200000000e+01, v2  }
0x159: {  	p1 =	slt.u32 s29, $0x38;
	v8 =	vld [tilespmem:s0+$0xFFFFFFE0];
	[tilespmem:s24+$0x0] =	vst v4;
	v5 =	vmul.f32 $3.200000000e+01, v5  }
.Ltmp8:
0x15a: {  	v4 =	vld [tilespmem:s0+$0x0];
	[tilespmem:s24+$0x10] =	vst v2;
	v3 =	vmul.f32 $3.200000000e+01, v3;
	(pc) =	sbr.rel @p1 .LBB2_20-.Ltmp8, $4  }
0x15b: {  	v2 =	vld [tilespmem:s0+$0x10];
	v6 =	vmul.f32 $3.200000000e+01, v6;
	[tilespmem:s24+$0x20] =	vst v5  }
0x15c: {  	v9 =	vmul.f32 $3.200000000e+01, v9;
	v5 =	vld [tilespmem:s0+$0x20];
	[tilespmem:s24+$0x30] =	vst v3  }
0x15d: {  	v7 =	vmul.f32 $3.200000000e+01, v7;
	v3 =	vld [tilespmem:s0+$0x30];
	[tilespmem:s24+$0xFFFFFFF0] =	vst v6;
	s24 =	smov.u32 s0  }
0x15e: {  	s0 =	sadd.s32 $0x400, s0;
	[tilespmem:s24+$0xFFFFFFC0] =	vst v9;
	v8 =	vmul.f32 $3.200000000e+01, v8;
	v6 =	vld [tilespmem:s24+$0xFFFFFFF0]  }
0x15f: {  	[tilespmem:s24+$0xFFFFFFD0] =	vst v7;
	v4 =	vmul.f32 $3.200000000e+01, v4;
	s18 =	sadd.s32 $0x1, s18  }
0x160: {  	[tilespmem:s24+$0xFFFFFFE0] =	vst v8;
	v2 =	vmul.f32 $3.200000000e+01, v2;
	p1 =	sne.s32 s18, $0x8  }
.Ltmp9:
0x161: {  	[tilespmem:s24+$0x0] =	vst v4;
	v63 =	vmul.f32 $3.200000000e+01, v5;
	(pc) =	sbr.rel @p1 .LBB2_19-.Ltmp9, $4  }
0x162: {  	[tilespmem:s24+$0x10] =	vst v2;
	v2 =	vmul.f32 $3.200000000e+01, v3  }
0x163: {  	v3 =	vmul.f32 $3.200000000e+01, v6;
	[tilespmem:s24+$0x20] =	vst v63  }
0x164: {  	[tilespmem:s24+$0x30] =	vst v2  }
0x165: {  	s20 =	sadd.s32 $0x80, s20;
	[tilespmem:s24+$0xFFFFFFF0] =	vst v3  }
0x166: {  	s0 =	sadd.s32 $0x8000, s17  }
0x167: {  	s0 =	sshrl.u32 s0, $0x3  }
0x168: {  	s18 =	simm.s32 $0x8200;
	s0 =	sadd.s32 s3, s0  }
0x169: {  	[hbm4b:s0+s4] =	stream.linear.scatter [tilespmem:s18], [sflag:$0xD], $0x2000, $0x38;
	[tilespmem:$0x10200] =	vst v63  }
0x16a: {  	_ =	swait.ge [sflag:s28], $0x2000  }
0x16b: {  	[sflag:s28] =	ssyncset.done $0x0  }
0x16c: {  	s0 =	simm.s32 @!p0 $0xD;
	[sflag:s28] =	ssyncadd.s32 $0xFFFFE000  }
0x16d: {  	_ =	swait.ge @!p0 [sflag:s0], $0x2000  }
0x16e: {  	[sflag:s0] =	ssyncset.done @!p0 $0x0  }
0x16f: {  	[sflag:s0] =	ssyncadd.s32 @!p0 $0xFFFFE000  }
0x170: {  	v2 =	vld.msk @!p0 [tilespmem:s14+$0x60], $0xff;
	_ =	sdelay $0x4  }
0x171: {  	v3 =	vshll.u32 @!p0 v2, $0x3  }
0x172: {  	v4 =	vlaneseq.u32 @!p0;
	v2 =	vand.u32 @!p0 $0x7, v2;
	v3 =	vand.u32 @!p0 $0xFFFFFFC0, v3  }
0x173: {  	v2 =	vor.u32 @!p0 v2, v3;
	v3 =	vand.u32 @!p0 $0x7, v4;
	v4 =	vshrl.u32 @!p0 v4, $0x3  }
0x174: {  	v2 =	vperm.xlane @!p0 v2, v3;
	v3 =	vmul.u32 @!p0 $0x8, v4;
	_ =	sdelay $0x1  }
0x175: {  	v2 =	vadd.s32 @!p0 v3, v2;
	_ =	sdelay $0x3  }
0x176: {  	s18 =	simm.s32 @!p0 $0x8200;
	s0 =	simm.s32 @!p0 $0x0  }
0x177: {  	[tilespmem:s18], [sflag:$0x5] =	stream.indirect_vreg.gather @!p0 [hbm4b:s2+s0], $0x80, v2, vm1, $0xb8;
	[tilespmem:$0x10200] =	vst v63  }
0x178: {  	s18 =	simm.s32 @!p0 $0x8A00  }
0x179: {  	[tilespmem:s18], [sflag:$0x5] =	stream.indirect_vreg.gather @!p0 [hbm4b:s7+s0], $0x80, v2, vm1, $0xb8;
	[tilespmem:$0x10200] =	vst v63  }
0x17a: {  	s18 =	simm.s32 @!p0 $0x9200  }
0x17b: {  	[tilespmem:s18], [sflag:$0x5] =	stream.indirect_vreg.gather @!p0 [hbm4b:s8+s0], $0x80, v2, vm1, $0xb8;
	[tilespmem:$0x10200] =	vst v63  }
0x17c: {  	s18 =	simm.s32 @!p0 $0x9A00  }
0x17d: {  	[tilespmem:s18], [sflag:$0x5] =	stream.indirect_vreg.gather @!p0 [hbm4b:s9+s0], $0x80, v2, vm1, $0xb8;
	[tilespmem:$0x10200] =	vst v63  }
0x17e: {  	s20 =	simm.s32 $0xA240;
	s18 =	simm.s32 $0x0  }
.LBB2_23:
0x17f: {  	v3 =	vld [tilespmem:s20+$0xFFFFFFC0];
	_ =	sdelay $0x1  }
0x180: {  	v6 =	vld [tilespmem:s20+$0xFFFFFFD0]  }
0x181: {  	v8 =	vld [tilespmem:s20+$0xFFFFFFE0]  }
0x182: {  	v4 =	vld [tilespmem:s20+$0x0]  }
0x183: {  	v2 =	vld [tilespmem:s20+$0x10];
	v7 =	vmul.f32 $3.200000000e+01, v3  }
0x184: {  	v5 =	vld [tilespmem:s20+$0x20]  }
0x185: {  	v3 =	vld [tilespmem:s20+$0x30];
	[tilespmem:s20+$0xFFFFFFC0] =	vst v7;
	v7 =	vmul.f32 $3.200000000e+01, v6  }
0x186: {  	s29 =	simm.s32 $0x0;
	s0 =	sadd.s32 $0x400, s20;
	s24 =	smov.u32 s20;
	v8 =	vmul.f32 $3.200000000e+01, v8;
	v6 =	vld [tilespmem:s20+$0xFFFFFFF0]  }
.LBB2_24:
0x187: {  	v9 =	vld [tilespmem:s0+$0xFFFFFFC0];
	[tilespmem:s24+$0xFFFFFFD0] =	vst v7;
	v4 =	vmul.f32 $3.200000000e+01, v4  }
0x188: {  	s29 =	sadd.s32 $0x8, s29;
	v7 =	vld [tilespmem:s0+$0xFFFFFFD0];
	[tilespmem:s24+$0xFFFFFFE0] =	vst v8;
	v2 =	vmul.f32 $3.200000000e+01, v2  }
0x189: {  	p1 =	slt.u32 s29, $0x38;
	v8 =	vld [tilespmem:s0+$0xFFFFFFE0];
	[tilespmem:s24+$0x0] =	vst v4;
	v5 =	vmul.f32 $3.200000000e+01, v5  }
.Ltmp10:
0x18a: {  	v4 =	vld [tilespmem:s0+$0x0];
	[tilespmem:s24+$0x10] =	vst v2;
	v3 =	vmul.f32 $3.200000000e+01, v3;
	(pc) =	sbr.rel @p1 .LBB2_24-.Ltmp10, $4  }
0x18b: {  	v2 =	vld [tilespmem:s0+$0x10];
	v6 =	vmul.f32 $3.200000000e+01, v6;
	[tilespmem:s24+$0x20] =	vst v5  }
0x18c: {  	v9 =	vmul.f32 $3.200000000e+01, v9;
	v5 =	vld [tilespmem:s0+$0x20];
	[tilespmem:s24+$0x30] =	vst v3  }
0x18d: {  	v7 =	vmul.f32 $3.200000000e+01, v7;
	v3 =	vld [tilespmem:s0+$0x30];
	[tilespmem:s24+$0xFFFFFFF0] =	vst v6;
	s24 =	smov.u32 s0  }
0x18e: {  	s0 =	sadd.s32 $0x400, s0;
	[tilespmem:s24+$0xFFFFFFC0] =	vst v9;
	v8 =	vmul.f32 $3.200000000e+01, v8;
	v6 =	vld [tilespmem:s24+$0xFFFFFFF0]  }
0x18f: {  	[tilespmem:s24+$0xFFFFFFD0] =	vst v7;
	v4 =	vmul.f32 $3.200000000e+01, v4;
	s18 =	sadd.s32 $0x1, s18  }
0x190: {  	[tilespmem:s24+$0xFFFFFFE0] =	vst v8;
	v2 =	vmul.f32 $3.200000000e+01, v2;
	p1 =	sne.s32 s18, $0x8  }
.Ltmp11:
0x191: {  	[tilespmem:s24+$0x0] =	vst v4;
	v63 =	vmul.f32 $3.200000000e+01, v5;
	(pc) =	sbr.rel @p1 .LBB2_23-.Ltmp11, $4  }
0x192: {  	[tilespmem:s24+$0x10] =	vst v2;
	v2 =	vmul.f32 $3.200000000e+01, v3  }
0x193: {  	v3 =	vmul.f32 $3.200000000e+01, v6;
	[tilespmem:s24+$0x20] =	vst v63  }
0x194: {  	[tilespmem:s24+$0x30] =	vst v2  }
0x195: {  	s20 =	sadd.s32 $0x80, s20;
	[tilespmem:s24+$0xFFFFFFF0] =	vst v3  }
0x196: {  	s0 =	sadd.s32 $0xA000, s17  }
0x197: {  	s0 =	sshrl.u32 s0, $0x3  }
0x198: {  	s0 =	sadd.s32 s3, s0  }
0x199: {  	[hbm4b:s0+s4] =	stream.linear.scatter [tilespmem:s19], [sflag:$0xE], $0x2000, $0x38;
	[tilespmem:$0x10200] =	vst v63  }
0x19a: {  	_ =	swait.ge [sflag:s30], $0x2000  }
0x19b: {  	[sflag:s30] =	ssyncset.done $0x0  }
0x19c: {  	s0 =	simm.s32 @!p0 $0xE;
	[sflag:s30] =	ssyncadd.s32 $0xFFFFE000  }
0x19d: {  	_ =	swait.ge @!p0 [sflag:s0], $0x2000  }
0x19e: {  	[sflag:s0] =	ssyncset.done @!p0 $0x0  }
0x19f: {  	[sflag:s0] =	ssyncadd.s32 @!p0 $0xFFFFE000  }
0x1a0: {  	v2 =	vld.msk @!p0 [tilespmem:s14+$0x68], $0xff;
	_ =	sdelay $0x4  }
0x1a1: {  	v3 =	vshll.u32 @!p0 v2, $0x3  }
0x1a2: {  	v4 =	vlaneseq.u32 @!p0;
	v2 =	vand.u32 @!p0 $0x7, v2;
	v3 =	vand.u32 @!p0 $0xFFFFFFC0, v3  }
0x1a3: {  	v2 =	vor.u32 @!p0 v2, v3;
	v3 =	vand.u32 @!p0 $0x7, v4;
	v4 =	vshrl.u32 @!p0 v4, $0x3  }
0x1a4: {  	v2 =	vperm.xlane @!p0 v2, v3;
	v3 =	vmul.u32 @!p0 $0x8, v4;
	_ =	sdelay $0x1  }
0x1a5: {  	v2 =	vadd.s32 @!p0 v3, v2;
	_ =	sdelay $0x3  }
0x1a6: {  	s18 =	simm.s32 @!p0 $0xA200;
	s0 =	simm.s32 @!p0 $0x0  }
0x1a7: {  	[tilespmem:s18], [sflag:$0x6] =	stream.indirect_vreg.gather @!p0 [hbm4b:s2+s0], $0x80, v2, vm1, $0xb8;
	[tilespmem:$0x10200] =	vst v63  }
0x1a8: {  	s18 =	simm.s32 @!p0 $0xAA00  }
0x1a9: {  	[tilespmem:s18], [sflag:$0x6] =	stream.indirect_vreg.gather @!p0 [hbm4b:s7+s0], $0x80, v2, vm1, $0xb8;
	[tilespmem:$0x10200] =	vst v63  }
0x1aa: {  	s18 =	simm.s32 @!p0 $0xB200  }
0x1ab: {  	[tilespmem:s18], [sflag:$0x6] =	stream.indirect_vreg.gather @!p0 [hbm4b:s8+s0], $0x80, v2, vm1, $0xb8;
	[tilespmem:$0x10200] =	vst v63  }
0x1ac: {  	s18 =	simm.s32 @!p0 $0xBA00  }
0x1ad: {  	[tilespmem:s18], [sflag:$0x6] =	stream.indirect_vreg.gather @!p0 [hbm4b:s9+s0], $0x80, v2, vm1, $0xb8;
	[tilespmem:$0x10200] =	vst v63  }
0x1ae: {  	s20 =	simm.s32 $0xC240;
	s18 =	simm.s32 $0x0  }
.LBB2_27:
0x1af: {  	v3 =	vld [tilespmem:s20+$0xFFFFFFC0];
	_ =	sdelay $0x1  }
0x1b0: {  	v6 =	vld [tilespmem:s20+$0xFFFFFFD0]  }
0x1b1: {  	v8 =	vld [tilespmem:s20+$0xFFFFFFE0]  }
0x1b2: {  	v4 =	vld [tilespmem:s20+$0x0]  }
0x1b3: {  	v2 =	vld [tilespmem:s20+$0x10];
	v7 =	vmul.f32 $3.200000000e+01, v3  }
0x1b4: {  	v5 =	vld [tilespmem:s20+$0x20]  }
0x1b5: {  	v3 =	vld [tilespmem:s20+$0x30];
	[tilespmem:s20+$0xFFFFFFC0] =	vst v7;
	v7 =	vmul.f32 $3.200000000e+01, v6  }
0x1b6: {  	s29 =	simm.s32 $0x0;
	s0 =	sadd.s32 $0x400, s20;
	s24 =	smov.u32 s20;
	v8 =	vmul.f32 $3.200000000e+01, v8;
	v6 =	vld [tilespmem:s20+$0xFFFFFFF0]  }
.LBB2_28:
0x1b7: {  	v9 =	vld [tilespmem:s0+$0xFFFFFFC0];
	[tilespmem:s24+$0xFFFFFFD0] =	vst v7;
	v4 =	vmul.f32 $3.200000000e+01, v4  }
0x1b8: {  	s29 =	sadd.s32 $0x8, s29;
	v7 =	vld [tilespmem:s0+$0xFFFFFFD0];
	[tilespmem:s24+$0xFFFFFFE0] =	vst v8;
	v2 =	vmul.f32 $3.200000000e+01, v2  }
0x1b9: {  	p1 =	slt.u32 s29, $0x38;
	v8 =	vld [tilespmem:s0+$0xFFFFFFE0];
	[tilespmem:s24+$0x0] =	vst v4;
	v5 =	vmul.f32 $3.200000000e+01, v5  }
.Ltmp12:
0x1ba: {  	v4 =	vld [tilespmem:s0+$0x0];
	[tilespmem:s24+$0x10] =	vst v2;
	v3 =	vmul.f32 $3.200000000e+01, v3;
	(pc) =	sbr.rel @p1 .LBB2_28-.Ltmp12, $4  }
0x1bb: {  	v2 =	vld [tilespmem:s0+$0x10];
	v6 =	vmul.f32 $3.200000000e+01, v6;
	[tilespmem:s24+$0x20] =	vst v5  }
0x1bc: {  	v9 =	vmul.f32 $3.200000000e+01, v9;
	v5 =	vld [tilespmem:s0+$0x20];
	[tilespmem:s24+$0x30] =	vst v3  }
0x1bd: {  	v7 =	vmul.f32 $3.200000000e+01, v7;
	v3 =	vld [tilespmem:s0+$0x30];
	[tilespmem:s24+$0xFFFFFFF0] =	vst v6;
	s24 =	smov.u32 s0  }
0x1be: {  	s0 =	sadd.s32 $0x400, s0;
	[tilespmem:s24+$0xFFFFFFC0] =	vst v9;
	v8 =	vmul.f32 $3.200000000e+01, v8;
	v6 =	vld [tilespmem:s24+$0xFFFFFFF0]  }
0x1bf: {  	[tilespmem:s24+$0xFFFFFFD0] =	vst v7;
	v4 =	vmul.f32 $3.200000000e+01, v4;
	s18 =	sadd.s32 $0x1, s18  }
0x1c0: {  	[tilespmem:s24+$0xFFFFFFE0] =	vst v8;
	v2 =	vmul.f32 $3.200000000e+01, v2;
	p1 =	sne.s32 s18, $0x8  }
.Ltmp13:
0x1c1: {  	[tilespmem:s24+$0x0] =	vst v4;
	v63 =	vmul.f32 $3.200000000e+01, v5;
	(pc) =	sbr.rel @p1 .LBB2_27-.Ltmp13, $4  }
0x1c2: {  	[tilespmem:s24+$0x10] =	vst v2;
	v2 =	vmul.f32 $3.200000000e+01, v3  }
0x1c3: {  	v3 =	vmul.f32 $3.200000000e+01, v6;
	[tilespmem:s24+$0x20] =	vst v63  }
0x1c4: {  	[tilespmem:s24+$0x30] =	vst v2  }
0x1c5: {  	s20 =	sadd.s32 $0x80, s20;
	[tilespmem:s24+$0xFFFFFFF0] =	vst v3  }
0x1c6: {  	s0 =	sadd.s32 $0xC000, s17  }
0x1c7: {  	s0 =	sshrl.u32 s0, $0x3  }
0x1c8: {  	s0 =	sadd.s32 s3, s0  }
0x1c9: {  	[hbm4b:s0+s4] =	stream.linear.scatter [tilespmem:s25], [sflag:$0xF], $0x2000, $0x38;
	[tilespmem:$0x10200] =	vst v63  }
0x1ca: {  	_ =	swait.ge [sflag:s6], $0x2000  }
0x1cb: {  	[sflag:s6] =	ssyncset.done $0x0  }
0x1cc: {  	s0 =	simm.s32 @!p0 $0xF;
	[sflag:s6] =	ssyncadd.s32 $0xFFFFE000  }
0x1cd: {  	_ =	swait.ge @!p0 [sflag:s0], $0x2000  }
0x1ce: {  	[sflag:s0] =	ssyncset.done @!p0 $0x0  }
0x1cf: {  	[sflag:s0] =	ssyncadd.s32 @!p0 $0xFFFFE000  }
0x1d0: {  	v2 =	vld.msk @!p0 [tilespmem:s14+$0x70], $0xff;
	_ =	sdelay $0x4  }
0x1d1: {  	v3 =	vshll.u32 @!p0 v2, $0x3  }
0x1d2: {  	v4 =	vlaneseq.u32 @!p0;
	v2 =	vand.u32 @!p0 $0x7, v2;
	v3 =	vand.u32 @!p0 $0xFFFFFFC0, v3  }
0x1d3: {  	v2 =	vor.u32 @!p0 v2, v3;
	v3 =	vand.u32 @!p0 $0x7, v4;
	v4 =	vshrl.u32 @!p0 v4, $0x3  }
0x1d4: {  	v2 =	vperm.xlane @!p0 v2, v3;
	v3 =	vmul.u32 @!p0 $0x8, v4;
	_ =	sdelay $0x1  }
0x1d5: {  	v2 =	vadd.s32 @!p0 v3, v2;
	_ =	sdelay $0x3  }
0x1d6: {  	s0 =	simm.s32 @!p0 $0x0;
	s14 =	simm.s32 @!p0 $0xC200  }
0x1d7: {  	[tilespmem:s14], [sflag:$0x7] =	stream.indirect_vreg.gather @!p0 [hbm4b:s2+s0], $0x80, v2, vm1, $0xb8;
	[tilespmem:$0x10200] =	vst v63  }
0x1d8: {  	s14 =	simm.s32 @!p0 $0xCA00  }
0x1d9: {  	[tilespmem:s14], [sflag:$0x7] =	stream.indirect_vreg.gather @!p0 [hbm4b:s7+s0], $0x80, v2, vm1, $0xb8;
	[tilespmem:$0x10200] =	vst v63  }
0x1da: {  	s14 =	simm.s32 @!p0 $0xD200  }
0x1db: {  	[tilespmem:s14], [sflag:$0x7] =	stream.indirect_vreg.gather @!p0 [hbm4b:s8+s0], $0x80, v2, vm1, $0xb8;
	[tilespmem:$0x10200] =	vst v63  }
0x1dc: {  	s14 =	simm.s32 @!p0 $0xDA00  }
0x1dd: {  	[tilespmem:s14], [sflag:$0x7] =	stream.indirect_vreg.gather @!p0 [hbm4b:s9+s0], $0x80, v2, vm1, $0xb8;
	[tilespmem:$0x10200] =	vst v63  }
0x1de: {  	s17 =	simm.s32 $0xE240;
	s14 =	simm.s32 $0x0  }
.LBB2_31:
0x1df: {  	v3 =	vld [tilespmem:s17+$0xFFFFFFC0];
	_ =	sdelay $0x1  }
0x1e0: {  	v6 =	vld [tilespmem:s17+$0xFFFFFFD0]  }
0x1e1: {  	v8 =	vld [tilespmem:s17+$0xFFFFFFE0]  }
0x1e2: {  	v4 =	vld [tilespmem:s17+$0x0]  }
0x1e3: {  	v2 =	vld [tilespmem:s17+$0x10];
	v7 =	vmul.f32 $3.200000000e+01, v3  }
0x1e4: {  	v5 =	vld [tilespmem:s17+$0x20]  }
0x1e5: {  	v3 =	vld [tilespmem:s17+$0x30];
	[tilespmem:s17+$0xFFFFFFC0] =	vst v7;
	v7 =	vmul.f32 $3.200000000e+01, v6  }
0x1e6: {  	s20 =	simm.s32 $0x0;
	s0 =	sadd.s32 $0x400, s17;
	s18 =	smov.u32 s17;
	v8 =	vmul.f32 $3.200000000e+01, v8;
	v6 =	vld [tilespmem:s17+$0xFFFFFFF0]  }
.LBB2_32:
0x1e7: {  	v9 =	vld [tilespmem:s0+$0xFFFFFFC0];
	[tilespmem:s18+$0xFFFFFFD0] =	vst v7;
	v4 =	vmul.f32 $3.200000000e+01, v4  }
0x1e8: {  	s20 =	sadd.s32 $0x8, s20;
	v7 =	vld [tilespmem:s0+$0xFFFFFFD0];
	[tilespmem:s18+$0xFFFFFFE0] =	vst v8;
	v2 =	vmul.f32 $3.200000000e+01, v2  }
0x1e9: {  	p0 =	slt.u32 s20, $0x38;
	v8 =	vld [tilespmem:s0+$0xFFFFFFE0];
	[tilespmem:s18+$0x0] =	vst v4;
	v5 =	vmul.f32 $3.200000000e+01, v5  }
.Ltmp14:
0x1ea: {  	v4 =	vld [tilespmem:s0+$0x0];
	[tilespmem:s18+$0x10] =	vst v2;
	v3 =	vmul.f32 $3.200000000e+01, v3;
	(pc) =	sbr.rel @p0 .LBB2_32-.Ltmp14, $4  }
0x1eb: {  	v2 =	vld [tilespmem:s0+$0x10];
	v6 =	vmul.f32 $3.200000000e+01, v6;
	[tilespmem:s18+$0x20] =	vst v5  }
0x1ec: {  	v9 =	vmul.f32 $3.200000000e+01, v9;
	v5 =	vld [tilespmem:s0+$0x20];
	[tilespmem:s18+$0x30] =	vst v3  }
0x1ed: {  	v7 =	vmul.f32 $3.200000000e+01, v7;
	v3 =	vld [tilespmem:s0+$0x30];
	[tilespmem:s18+$0xFFFFFFF0] =	vst v6;
	s18 =	smov.u32 s0  }
0x1ee: {  	s0 =	sadd.s32 $0x400, s0;
	[tilespmem:s18+$0xFFFFFFC0] =	vst v9;
	v8 =	vmul.f32 $3.200000000e+01, v8;
	v6 =	vld [tilespmem:s18+$0xFFFFFFF0]  }
0x1ef: {  	[tilespmem:s18+$0xFFFFFFD0] =	vst v7;
	v4 =	vmul.f32 $3.200000000e+01, v4;
	s14 =	sadd.s32 $0x1, s14  }
0x1f0: {  	[tilespmem:s18+$0xFFFFFFE0] =	vst v8;
	v2 =	vmul.f32 $3.200000000e+01, v2;
	p0 =	sne.s32 s14, $0x8  }
.Ltmp15:
0x1f1: {  	[tilespmem:s18+$0x0] =	vst v4;
	v63 =	vmul.f32 $3.200000000e+01, v5;
	(pc) =	sbr.rel @p0 .LBB2_31-.Ltmp15, $4  }
0x1f2: {  	[tilespmem:s18+$0x10] =	vst v2;
	v2 =	vmul.f32 $3.200000000e+01, v3  }
0x1f3: {  	v3 =	vmul.f32 $3.200000000e+01, v6;
	[tilespmem:s18+$0x20] =	vst v63  }
0x1f4: {  	[tilespmem:s18+$0x30] =	vst v2  }
0x1f5: {  	s17 =	sadd.s32 $0x80, s17;
	[tilespmem:s18+$0xFFFFFFF0] =	vst v3  }
0x1f6: {  	s16 =	sadd.s32 $0x1, s16  }
0x1f7: {  	s0 =	sadd.s32 s12, s13;
	p0 =	sne.s32 s16, $0x8  }
.Ltmp16:
0x1f8: {  	s0 =	sshll.u32 s0, $0xD;
	(pc) =	sbr.rel @p0 .LBB2_2-.Ltmp16, $4  }
0x1f9: {  	s0 =	sadd.s32 s10, s0  }
0x1fa: {  	s0 =	sshrl.u32 s0, $0x3  }
0x1fb: {  	s0 =	sadd.s32 s3, s0  }
0x1fc: {  	[hbm4b:s0+s4] =	stream.linear.scatter [tilespmem:s1], [sflag:$0x10], $0x2000, $0x38;
	[tilespmem:$0x10200] =	vst v63  }
0x1fd: {  	s0 =	simm.s32 $0x9  }
0x1fe: {  	_ =	swait.ge [sflag:s0], $0x2000  }
0x1ff: {  	[sflag:s0] =	ssyncset.done $0x0  }
0x200: {  	s14 =	simm.s32 $0xA;
	[sflag:s0] =	ssyncadd.s32 $0xFFFFE000  }
0x201: {  	_ =	swait.ge [sflag:s14], $0x2000  }
0x202: {  	[sflag:s14] =	ssyncset.done $0x0  }
0x203: {  	s16 =	simm.s32 $0xB;
	[sflag:s14] =	ssyncadd.s32 $0xFFFFE000  }
0x204: {  	_ =	swait.ge [sflag:s16], $0x2000  }
0x205: {  	[sflag:s16] =	ssyncset.done $0x0  }
0x206: {  	s17 =	simm.s32 $0xC;
	[sflag:s16] =	ssyncadd.s32 $0xFFFFE000  }
0x207: {  	_ =	swait.ge [sflag:s17], $0x2000  }
0x208: {  	[sflag:s17] =	ssyncset.done $0x0  }
0x209: {  	s18 =	simm.s32 $0xD;
	[sflag:s17] =	ssyncadd.s32 $0xFFFFE000  }
0x20a: {  	_ =	swait.ge [sflag:s18], $0x2000  }
0x20b: {  	[sflag:s18] =	ssyncset.done $0x0  }
0x20c: {  	s20 =	simm.s32 $0xE;
	[sflag:s18] =	ssyncadd.s32 $0xFFFFE000  }
0x20d: {  	_ =	swait.ge [sflag:s20], $0x2000  }
0x20e: {  	[sflag:s20] =	ssyncset.done $0x0  }
0x20f: {  	s24 =	simm.s32 $0xF;
	[sflag:s20] =	ssyncadd.s32 $0xFFFFE000  }
0x210: {  	_ =	swait.ge [sflag:s24], $0x2000  }
0x211: {  	[sflag:s24] =	ssyncset.done $0x0  }
0x212: {  	s13 =	simm.s32 $0x10;
	[sflag:s24] =	ssyncadd.s32 $0xFFFFE000  }
0x213: {  	_ =	swait.ge [sflag:s13], $0x2000  }
0x214: {  	s14 =	rddreg [dreg:$0x6]  }
0x215: {  	s29 =	rddreg [dreg:$0x5];
	s14 =	sadd.s32 $0x1, s14  }
0x216: {  	p0 =	sne.s32 s14, s29  }
.Ltmp17:
0x217: {  	_ = 	snop;
	(pc) =	sbr.rel @p0 .LBB2_1-.Ltmp17, $3  }
0x218: {  	_ =	sdelay $0x1  }
0x219: {  	[sflag:s13] =	ssyncset.done $0x0  }
0x21a: {  	[sflag:s13] =	ssyncadd.s32 $0xFFFFE000  }
0x21b: {  	_ =	sfence.sel $0x180000  }
0x21c: {  	[bflag:$0x0] =	sbarrier.arrive $0xFFFF  }
0x21d: {  	_ =	strace $0x90000047  }
0x21e: {  	s0 =	stileid.u32;
	[bflag:$0x2] =	sbarrier.arrive $0xFFFF  }
0x21f: {  	p0 =	sne.s32 s0, $0x0;
	s0 =	rddreg [dreg:$0x3]  }
0x220: {  	s0 =	sadd.s32 @!p0 $0x100000, s0  }
0x221: {  	[sflag:s0] =	ssyncadd.tile.s32 @!p0 $0x1;
	_ =	shalt  }
.Lfunc_end2:
_tile_overlayer_lowered:
.L_overlay_start_2:
0x222: {  	(tag) =	ssettag $0x2  }
0x223: {  	s0 =	rddreg [dreg:$0x0];
	s2 =	stileid.u32  }
0x224: {  	s1 =	rddreg [dreg:$0x1];
	p0 =	sne.s32 s2, $0x0  }
0x225: {  	s3 =	rddreg [dreg:$0x2];
	[bflag:$0x3] =	sbarrier.arrive $0xFFFF;
	s2 =	simm.s32 @!p0 $0x1C11  }
0x226: {  	[timem:s3], [sflag:s2] =	dma.local @!p0 [hbm:s0], s1  }
0x227: {  	s0 =	simm.s32 @!p0 $0x11  }
0x228: {  	_ =	swait.ge @!p0 [sflag:s0], s1  }
0x229: {  	s1 =	ssub.s32 @!p0 $0x0, s1;
	[sflag:s0] =	ssyncset.done @!p0 $0x0  }
0x22a: {  	[sflag:s0] =	ssyncadd.s32 @!p0 s1  }
0x22b: {  	[bflag:$0x3] =	sbarrier.arrive $0xFFFF  }
0x22c: {  	_ =	shalt  }

</sc_bundles>
